<compile_context>
chip_gen: v7x
topology: tpu7x:2x2x1
jax: 0.10.2.dev20260603
libtpu: 0.0.44.dev20260713+nightly
codegen_flags: <defaults>
</compile_context>

<pallas_src>
import functools

import jax
import jax.numpy as jnp
from jax import lax
from jax.experimental import pallas as pl
from jax.experimental.pallas import tpu as pltpu
from jax.experimental.pallas import tpu_sc as plsc

VOC = 1000000
B = 16384
K = 20
EMB = 64

_NW = 32
_L = 16
_BPW = B // _NW
_CBLK = _BPW // 128
_NROWS = _BPW * K // 128
_Q = EMB // _L

_mesh = plsc.VectorSubcoreMesh(core_axis_name="c", subcore_axis_name="s")


@functools.partial(
    pl.kernel,
    out_type=jax.ShapeDtypeStruct((_NW * _L,), jnp.float32),
    mesh=_mesh,
    compiler_params=pltpu.CompilerParams(
        needs_layout_passes=False, use_tc_tiling_on_sc=False),
    scratch_types=[
        pltpu.VMEM((8, 128), jnp.int32),
        pltpu.VMEM((_NROWS, 128), jnp.int32),
        pltpu.VMEM((_BPW * K,), jnp.int32),
        pltpu.VMEM((_BPW, EMB), jnp.float32),
        pltpu.VMEM((128, EMB), jnp.float32),
        pltpu.VMEM((128, EMB), jnp.float32),
        pltpu.VMEM((128,), jnp.float32),
        pltpu.VMEM((_L,), jnp.float32),
        pltpu.SemaphoreType.DMA,
        pltpu.SemaphoreType.DMA,
    ],
)
def _sc_loss(gco_hbm, gn_hbm, pkn_hbm, wc_hbm, wo_hbm, out_hbm,
             idx_v, gn_v, pkn_v, c_all, bufa, bufb, dblk, acc_v,
             sema, semb):
    wid = lax.axis_index("s") * 2 + lax.axis_index("c")

    pltpu.sync_copy(gco_hbm.at[pl.ds(wid * 8, 8)], idx_v)
    pltpu.sync_copy(gn_hbm.at[pl.ds(wid * _NROWS, _NROWS)], gn_v)
    pltpu.sync_copy(pkn_hbm.at[pl.ds(wid * _BPW * K, _BPW * K)], pkn_v)

    iota = lax.iota(jnp.int32, _L)
    m15 = iota == _L - 1
    acc_v[...] = jnp.zeros((_L,), jnp.float32)

    cps = [
        pltpu.async_copy(wc_hbm.at[idx_v.at[blk]],
                         c_all.at[pl.ds(blk * 128, 128)], sema)
        for blk in range(_CBLK)
    ]
    for cp in cps:
        cp.wait()

    def accum_dblk():
        def rb(t, a):
            x = dblk[pl.ds(pl.multiple_of(t * _L, _L), _L)]
            e = jnp.exp(-jnp.abs(x))
            z = e / (e + 2.0)
            z2 = z * z
            l1p = z * (2.0 + z2 * (2.0 / 3.0 + z2 * (2.0 / 5.0 + z2 * (2.0 / 7.0))))
            return a + (jnp.minimum(x, 0.0) - l1p)

        acc_v[...] = lax.fori_loop(0, 128 // _L, rb, acc_v[...])

    bufs = (bufa, bufb)
    sems = (sema, semb)

    pltpu.async_copy(wo_hbm.at[idx_v.at[_CBLK]], bufa, sema)
    for blk in range(_CBLK):
        buf, sem = bufs[blk % 2], sems[blk % 2]
        pltpu.make_async_copy(wo_hbm.at[idx_v.at[_CBLK + blk]], buf, sem).wait()
        if blk + 1 < _CBLK:
            pltpu.async_copy(wo_hbm.at[idx_v.at[_CBLK + blk + 1]],
                             bufs[(blk + 1) % 2], sems[(blk + 1) % 2])

        @plsc.parallel_loop(0, 128, unroll=4)
        def dot_o(j, _blk=blk, _buf=buf):
            b = _blk * 128 + j
            jv = jnp.full((_L,), j, jnp.int32)
            d = jnp.zeros((_L,), jnp.float32)
            for q in range(_Q):
                d = d + (c_all[b, pl.ds(q * _L, _L)] * _buf[j, pl.ds(q * _L, _L)])
            cum = plsc.cumsum(d)
            plsc.store_scatter(dblk, [jv], cum, mask=m15)

        accum_dblk()

    pltpu.async_copy(wo_hbm.at[gn_v.at[0]], bufa, sema)

    def pair_body(i, carry):
        rr = i * 2
        for pb in range(2):
            r = rr + pb
            buf, sem = bufs[pb], sems[pb]
            pltpu.make_async_copy(wo_hbm.at[gn_v.at[r]], buf, sem).wait()

            @pl.when(r + 1 < _NROWS)
            def _():
                pltpu.async_copy(wo_hbm.at[gn_v.at[r + 1]],
                                 bufs[(pb + 1) % 2], sems[(pb + 1) % 2])

            @plsc.parallel_loop(0, 128, unroll=4)
            def dot_n(j, _buf=buf, _r=r):
                flat = _r * 128 + j
                jv = jnp.full((_L,), j, jnp.int32)
                bv = plsc.load_gather(pkn_v, [jnp.full((_L,), flat, jnp.int32)])
                d = jnp.zeros((_L,), jnp.float32)
                for q in range(_Q):
                    cq = plsc.load_gather(c_all, [bv, iota + q * _L])
                    d = d + cq * _buf[j, pl.ds(q * _L, _L)]
                cum = plsc.cumsum(d)
                plsc.store_scatter(dblk, [jv], -cum, mask=m15)

            accum_dblk()
        return carry

    lax.fori_loop(0, _NROWS // 2, pair_body, 0)

    pltpu.sync_copy(acc_v, out_hbm.at[pl.ds(wid * _L, _L)])


def _finish_body(p_ref, o_ref):
    o_ref[...] = (-jnp.sum(p_ref[...]) * (1.0 / B)).reshape(1, 1)


_finish = pl.pallas_call(
    _finish_body,
    out_shape=jax.ShapeDtypeStruct((1, 1), jnp.float32),
)


def kernel(center, outside, negative, W_center, W_outside):
    c_i = center.astype(jnp.int32).reshape(B)
    o_i = outside.astype(jnp.int32).reshape(B)
    n_i = negative.astype(jnp.int32).reshape(B * K)

    gc = c_i.reshape(_NW, _CBLK, 128)
    go = o_i.reshape(_NW, _CBLK, 128)
    gco = jnp.concatenate([gc, go], axis=1).reshape(_NW * 8, 128)
    gn = n_i.reshape(B * K // 128, 128)

    pkn = (jnp.arange(B * K, dtype=jnp.int32) // K) % _BPW

    partials = _sc_loss(gco, gn, pkn, W_center, W_outside)
    return _finish(partials.reshape(_NW, _L))[0, 0]

# --- scband reference (transcript-rebuilt; emitter-appended) ---
"""Pipeline reference for scband-skipgram-neg-41016937677051 (READ-ONLY COPY).

The authoritative reference and input builder live on the scoring server;
editing this copy changes nothing except your own understanding.
"""

import jax, jax.numpy as jnp
import numpy as np

VOC = 1000000
EMB = 64
B = 16384
K = 20

def setup_inputs(seed: int = 0) -> dict:
    key = jax.random.key(seed)
    k1, k2, k3, k4, k5 = jax.random.split(key, 5)
    center = jax.random.randint(k1, (B, 1), 0, VOC, dtype=jnp.int64 if jax.config.jax_enable_x64 else jnp.int32)
    outside = jax.random.randint(k2, (B, 1), 0, VOC, dtype=center.dtype)
    negative = jax.random.randint(k3, (B, K), 0, VOC, dtype=center.dtype)
    # nn.Embedding default init: N(0, 1)
    W_center = jax.random.normal(k4, (VOC, EMB), dtype=jnp.float32)
    W_outside = jax.random.normal(k5, (VOC, EMB), dtype=jnp.float32)
    return {"center": center, "outside": outside, "negative": negative, "W_center": W_center, "W_outside": W_outside}

def reference(center, outside, negative, W_center, W_outside):
    # Skip-gram with negative sampling forward (faithful to the torch module):
    # center_embed  = embedding_center(center)    -> (B, 1, E)
    # outside_embed = embedding_outside(outside)  -> (B, 1, E)
    # negative_embed= embedding_outside(negative) -> (B, K, E)
    center_embed = jnp.take(W_center, center, axis=0)      # (B, 1, E)
    outside_embed = jnp.take(W_outside, outside, axis=0)   # (B, 1, E)
    negative_embed = jnp.take(W_outside, negative, axis=0) # (B, K, E)
    # uovc = outside_embed.bmm(center_embed.transpose(1,2)).squeeze(2) -> (B, 1)
    uovc = jnp.einsum('bie,bje->bi', outside_embed, center_embed)
    # ukvc = -negative_embed.bmm(center_embed.transpose(1,2)).squeeze(2) -> (B, K)
    ukvc = -jnp.einsum('bke,bje->bk', negative_embed, center_embed)
    ukvc_sum = jnp.sum(jnp.log(jax.nn.sigmoid(ukvc)), axis=1, keepdims=True)  # (B, 1)
    loss = -jnp.mean(jnp.log(jax.nn.sigmoid(uovc)) + ukvc_sum)
    return loss

if False:  # reference __main__ guard neutralized (emitter)
    out = reference(**setup_inputs())
    print(out)

if __name__ == "__main__":
    import jax
    _d = setup_inputs()
    print(jax.jit(kernel)(*tuple(_d.values())))

</pallas_src>

<mosaic_0001>
#map = affine_map<(d0, d1) -> (0, 0)>
#map1 = affine_map<(d0, d1) -> (0)>
module attributes {stable_mosaic.version = 14 : i64} {
  func.func @_sc_loss(%arg0: i32, %arg1: i32, %arg2: memref<256x128xi32, #tpu.memory_space<hbm>>, %arg3: memref<2560x128xi32, #tpu.memory_space<hbm>>, %arg4: memref<327680xi32, #tpu.memory_space<hbm>>, %arg5: memref<1000000x64xf32, #tpu.memory_space<hbm>>, %arg6: memref<1000000x64xf32, #tpu.memory_space<hbm>>, %arg7: memref<512xf32, #tpu.memory_space<hbm>>, %arg8: memref<8x128xi32, #tpu.memory_space<vmem>>, %arg9: memref<80x128xi32, #tpu.memory_space<vmem>>, %arg10: memref<10240xi32, #tpu.memory_space<vmem>>, %arg11: memref<512x64xf32, #tpu.memory_space<vmem>>, %arg12: memref<128x64xf32, #tpu.memory_space<vmem>>, %arg13: memref<128x64xf32, #tpu.memory_space<vmem>>, %arg14: memref<128xf32, #tpu.memory_space<vmem>>, %arg15: memref<16xf32, #tpu.memory_space<vmem>>, %arg16: memref<!tpu.dma_semaphore, #tpu.memory_space<semaphore_mem>>, %arg17: memref<!tpu.dma_semaphore, #tpu.memory_space<semaphore_mem>>) attributes {dimension_semantics = [#tpu.dimension_semantics<core_parallel>, #tpu.dimension_semantics<subcore_parallel>], iteration_bounds = array<i64: 2, 16>, scalar_prefetch = 0 : i64, scratch_operands = 10 : i64, tpu.core_type = #tpu.core_type<sc_vector_subcore>, window_params = [{transform_indices = #map}, {transform_indices = #map}, {transform_indices = #map1}, {transform_indices = #map}, {transform_indices = #map}, {transform_indices = #map1}]} {
    %mul3A = arith.constant 2 : i32
    %mul3A_0 = arith.muli %arg1, %mul3A : i32
    %add3A = arith.addi %mul3A_0, %arg0 : i32
    %mul3A_1 = arith.constant 8 : i32
    %mul3A_2 = arith.muli %add3A, %mul3A_1 : i32
    "tpu.region"() ({
      %run_scoped3A = tpu.sem_alloc : memref<!tpu.dma_semaphore, #tpu.memory_space<semaphore_mem>>
      %dma_start3A_211 = arith.constant 0 : i32
      %dma_start3A_212 = tpu.memref_slice %arg2[%mul3A_2, %dma_start3A_211] : memref<256x128xi32, #tpu.memory_space<hbm>> -> memref<8x128xi32, #tpu.memory_space<hbm>>
      %dma_start3A_213 = arith.constant 0 : i32
      %dma_start3A_214 = tpu.memref_slice %arg2[%mul3A_2, %dma_start3A_213] : memref<256x128xi32, #tpu.memory_space<hbm>> -> memref<8x128xi32, #tpu.memory_space<hbm>>
      tpu.enqueue_dma source(%dma_start3A_214 : memref<8x128xi32, #tpu.memory_space<hbm>>) target(%arg8 : memref<8x128xi32, #tpu.memory_space<vmem>>) target_semaphore(%run_scoped3A : memref<!tpu.dma_semaphore, #tpu.memory_space<semaphore_mem>>)
      %dma_wait3A_215 = arith.constant 0 : i32
      %dma_wait3A_216 = tpu.memref_slice %arg2[%mul3A_2, %dma_wait3A_215] : memref<256x128xi32, #tpu.memory_space<hbm>> -> memref<8x128xi32, #tpu.memory_space<hbm>>
      %dma_wait3A_217 = arith.constant 0 : i32
      %dma_wait3A_218 = tpu.memref_slice %arg2[%mul3A_2, %dma_wait3A_217] : memref<256x128xi32, #tpu.memory_space<hbm>> -> memref<8x128xi32, #tpu.memory_space<hbm>>
      tpu.wait_dma2 semaphore(%run_scoped3A : memref<!tpu.dma_semaphore, #tpu.memory_space<semaphore_mem>>) src(%dma_wait3A_218 : memref<8x128xi32, #tpu.memory_space<hbm>>) dst(%arg8 : memref<8x128xi32, #tpu.memory_space<vmem>>)
      tpu.yield
    }) : () -> ()
    %mul3A_3 = arith.constant 80 : i32
    %mul3A_4 = arith.muli %add3A, %mul3A_3 : i32
    "tpu.region"() ({
      %run_scoped3A = tpu.sem_alloc : memref<!tpu.dma_semaphore, #tpu.memory_space<semaphore_mem>>
      %dma_start3A_211 = arith.constant 0 : i32
      %dma_start3A_212 = tpu.memref_slice %arg3[%mul3A_4, %dma_start3A_211] : memref<2560x128xi32, #tpu.memory_space<hbm>> -> memref<80x128xi32, #tpu.memory_space<hbm>>
      %dma_start3A_213 = arith.constant 0 : i32
      %dma_start3A_214 = tpu.memref_slice %arg3[%mul3A_4, %dma_start3A_213] : memref<2560x128xi32, #tpu.memory_space<hbm>> -> memref<80x128xi32, #tpu.memory_space<hbm>>
      tpu.enqueue_dma source(%dma_start3A_214 : memref<80x128xi32, #tpu.memory_space<hbm>>) target(%arg9 : memref<80x128xi32, #tpu.memory_space<vmem>>) target_semaphore(%run_scoped3A : memref<!tpu.dma_semaphore, #tpu.memory_space<semaphore_mem>>)
      %dma_wait3A_215 = arith.constant 0 : i32
      %dma_wait3A_216 = tpu.memref_slice %arg3[%mul3A_4, %dma_wait3A_215] : memref<2560x128xi32, #tpu.memory_space<hbm>> -> memref<80x128xi32, #tpu.memory_space<hbm>>
      %dma_wait3A_217 = arith.constant 0 : i32
      %dma_wait3A_218 = tpu.memref_slice %arg3[%mul3A_4, %dma_wait3A_217] : memref<2560x128xi32, #tpu.memory_space<hbm>> -> memref<80x128xi32, #tpu.memory_space<hbm>>
      tpu.wait_dma2 semaphore(%run_scoped3A : memref<!tpu.dma_semaphore, #tpu.memory_space<semaphore_mem>>) src(%dma_wait3A_218 : memref<80x128xi32, #tpu.memory_space<hbm>>) dst(%arg9 : memref<80x128xi32, #tpu.memory_space<vmem>>)
      tpu.yield
    }) : () -> ()
    %mul3A_5 = arith.constant 512 : i32
    %mul3A_6 = arith.muli %add3A, %mul3A_5 : i32
    %mul3A_7 = arith.constant 20 : i32
    %mul3A_8 = arith.muli %mul3A_6, %mul3A_7 : i32
    "tpu.region"() ({
      %run_scoped3A = tpu.sem_alloc : memref<!tpu.dma_semaphore, #tpu.memory_space<semaphore_mem>>
      %dma_start3A_211 = tpu.memref_slice %arg4[%mul3A_8] : memref<327680xi32, #tpu.memory_space<hbm>> -> memref<10240xi32, #tpu.memory_space<hbm>>
      %dma_start3A_212 = tpu.memref_slice %arg4[%mul3A_8] : memref<327680xi32, #tpu.memory_space<hbm>> -> memref<10240xi32, #tpu.memory_space<hbm>>
      tpu.enqueue_dma source(%dma_start3A_212 : memref<10240xi32, #tpu.memory_space<hbm>>) target(%arg10 : memref<10240xi32, #tpu.memory_space<vmem>>) target_semaphore(%run_scoped3A : memref<!tpu.dma_semaphore, #tpu.memory_space<semaphore_mem>>)
      %dma_wait3A_213 = tpu.memref_slice %arg4[%mul3A_8] : memref<327680xi32, #tpu.memory_space<hbm>> -> memref<10240xi32, #tpu.memory_space<hbm>>
      %dma_wait3A_214 = tpu.memref_slice %arg4[%mul3A_8] : memref<327680xi32, #tpu.memory_space<hbm>> -> memref<10240xi32, #tpu.memory_space<hbm>>
      tpu.wait_dma2 semaphore(%run_scoped3A : memref<!tpu.dma_semaphore, #tpu.memory_space<semaphore_mem>>) src(%dma_wait3A_214 : memref<10240xi32, #tpu.memory_space<hbm>>) dst(%arg10 : memref<10240xi32, #tpu.memory_space<vmem>>)
      tpu.yield
    }) : () -> ()
    %iota3A = tpu.iota {dimensions = array<i32: 0>} : vector<16xi32>
    %eq3A = arith.constant 15 : i32
    %eq3A_9 = vector.broadcast %eq3A : i32 to vector<16xi32>
    %eq3A_10 = arith.cmpi eq, %iota3A, %eq3A_9 : vector<16xi32>
    %broadcast_in_dim3A = arith.constant 0.000000e+00 : f32
    %broadcast_in_dim3A_11 = vector.broadcast %broadcast_in_dim3A : f32 to vector<16xf32>
    %swap3A = arith.constant 0 : index
    %swap3A_12 = tpu.vector_load %arg15[%swap3A] {strides = array<i32>} : memref<16xf32, #tpu.memory_space<vmem>>, vector<16xf32>,
    tpu.vector_store %arg15[%swap3A], %broadcast_in_dim3A_11 {strides = array<i32>} : memref<16xf32, #tpu.memory_space<vmem>>, vector<16xf32>,
    %dma_start3A = arith.constant 0 : i32
    %dma_start3A_13 = arith.constant 0 : i32
    %dma_start3A_14 = arith.constant 0 : i32
    %dma_start3A_15 = tpu.memref_slice %arg11[%dma_start3A_13, %dma_start3A_14] : memref<512x64xf32, #tpu.memory_space<vmem>> -> memref<128x64xf32, #tpu.memory_space<vmem>>
    %dma_start3A_16 = arith.constant 0 : i32
    %dma_start3A_17 = tpu.memref_slice %arg8[%dma_start3A, %dma_start3A_16] : memref<8x128xi32, #tpu.memory_space<vmem>> -> memref<1x128xi32, #tpu.memory_space<vmem>>
    %dma_start3A_18 = tpu.memref_squeeze %dma_start3A_17 : memref<1x128xi32, #tpu.memory_space<vmem>> -> memref<128xi32, #tpu.memory_space<vmem>>
    %dma_start3A_19 = arith.constant 0 : i32
    %dma_start3A_20 = arith.constant 0 : i32
    %dma_start3A_21 = tpu.memref_slice %arg5[%dma_start3A_19, %dma_start3A_20] : memref<1000000x64xf32, #tpu.memory_space<hbm>> -> memref<1000000x64xf32, #tpu.memory_space<hbm>>
    tpu.enqueue_indirect_dma source(%dma_start3A_21 : memref<1000000x64xf32, #tpu.memory_space<hbm>>) target(%dma_start3A_15 : memref<128x64xf32, #tpu.memory_space<vmem>>) offsets(%dma_start3A_18 : memref<128xi32, #tpu.memory_space<vmem>>) semaphore(%arg16 : memref<!tpu.dma_semaphore, #tpu.memory_space<semaphore_mem>>)
    %dma_start3A_22 = arith.constant 1 : i32
    %dma_start3A_23 = arith.constant 128 : i32
    %dma_start3A_24 = arith.constant 0 : i32
    %dma_start3A_25 = tpu.memref_slice %arg11[%dma_start3A_23, %dma_start3A_24] : memref<512x64xf32, #tpu.memory_space<vmem>> -> memref<128x64xf32, #tpu.memory_space<vmem>>
    %dma_start3A_26 = arith.constant 0 : i32
    %dma_start3A_27 = tpu.memref_slice %arg8[%dma_start3A_22, %dma_start3A_26] : memref<8x128xi32, #tpu.memory_space<vmem>> -> memref<1x128xi32, #tpu.memory_space<vmem>>
    %dma_start3A_28 = tpu.memref_squeeze %dma_start3A_27 : memref<1x128xi32, #tpu.memory_space<vmem>> -> memref<128xi32, #tpu.memory_space<vmem>>
    %dma_start3A_29 = arith.constant 0 : i32
    %dma_start3A_30 = arith.constant 0 : i32
    %dma_start3A_31 = tpu.memref_slice %arg5[%dma_start3A_29, %dma_start3A_30] : memref<1000000x64xf32, #tpu.memory_space<hbm>> -> memref<1000000x64xf32, #tpu.memory_space<hbm>>
    tpu.enqueue_indirect_dma source(%dma_start3A_31 : memref<1000000x64xf32, #tpu.memory_space<hbm>>) target(%dma_start3A_25 : memref<128x64xf32, #tpu.memory_space<vmem>>) offsets(%dma_start3A_28 : memref<128xi32, #tpu.memory_space<vmem>>) semaphore(%arg16 : memref<!tpu.dma_semaphore, #tpu.memory_space<semaphore_mem>>)
    %dma_start3A_32 = arith.constant 2 : i32
    %dma_start3A_33 = arith.constant 256 : i32
    %dma_start3A_34 = arith.constant 0 : i32
    %dma_start3A_35 = tpu.memref_slice %arg11[%dma_start3A_33, %dma_start3A_34] : memref<512x64xf32, #tpu.memory_space<vmem>> -> memref<128x64xf32, #tpu.memory_space<vmem>>
    %dma_start3A_36 = arith.constant 0 : i32
    %dma_start3A_37 = tpu.memref_slice %arg8[%dma_start3A_32, %dma_start3A_36] : memref<8x128xi32, #tpu.memory_space<vmem>> -> memref<1x128xi32, #tpu.memory_space<vmem>>
    %dma_start3A_38 = tpu.memref_squeeze %dma_start3A_37 : memref<1x128xi32, #tpu.memory_space<vmem>> -> memref<128xi32, #tpu.memory_space<vmem>>
    %dma_start3A_39 = arith.constant 0 : i32
    %dma_start3A_40 = arith.constant 0 : i32
    %dma_start3A_41 = tpu.memref_slice %arg5[%dma_start3A_39, %dma_start3A_40] : memref<1000000x64xf32, #tpu.memory_space<hbm>> -> memref<1000000x64xf32, #tpu.memory_space<hbm>>
    tpu.enqueue_indirect_dma source(%dma_start3A_41 : memref<1000000x64xf32, #tpu.memory_space<hbm>>) target(%dma_start3A_35 : memref<128x64xf32, #tpu.memory_space<vmem>>) offsets(%dma_start3A_38 : memref<128xi32, #tpu.memory_space<vmem>>) semaphore(%arg16 : memref<!tpu.dma_semaphore, #tpu.memory_space<semaphore_mem>>)
    %dma_start3A_42 = arith.constant 3 : i32
    %dma_start3A_43 = arith.constant 384 : i32
    %dma_start3A_44 = arith.constant 0 : i32
    %dma_start3A_45 = tpu.memref_slice %arg11[%dma_start3A_43, %dma_start3A_44] : memref<512x64xf32, #tpu.memory_space<vmem>> -> memref<128x64xf32, #tpu.memory_space<vmem>>
    %dma_start3A_46 = arith.constant 0 : i32
    %dma_start3A_47 = tpu.memref_slice %arg8[%dma_start3A_42, %dma_start3A_46] : memref<8x128xi32, #tpu.memory_space<vmem>> -> memref<1x128xi32, #tpu.memory_space<vmem>>
    %dma_start3A_48 = tpu.memref_squeeze %dma_start3A_47 : memref<1x128xi32, #tpu.memory_space<vmem>> -> memref<128xi32, #tpu.memory_space<vmem>>
    %dma_start3A_49 = arith.constant 0 : i32
    %dma_start3A_50 = arith.constant 0 : i32
    %dma_start3A_51 = tpu.memref_slice %arg5[%dma_start3A_49, %dma_start3A_50] : memref<1000000x64xf32, #tpu.memory_space<hbm>> -> memref<1000000x64xf32, #tpu.memory_space<hbm>>
    tpu.enqueue_indirect_dma source(%dma_start3A_51 : memref<1000000x64xf32, #tpu.memory_space<hbm>>) target(%dma_start3A_45 : memref<128x64xf32, #tpu.memory_space<vmem>>) offsets(%dma_start3A_48 : memref<128xi32, #tpu.memory_space<vmem>>) semaphore(%arg16 : memref<!tpu.dma_semaphore, #tpu.memory_space<semaphore_mem>>)
    %dma_wait3A = arith.constant 0 : i32
    %dma_wait3A_52 = arith.constant 0 : i32
    %dma_wait3A_53 = arith.constant 0 : i32
    %dma_wait3A_54 = tpu.memref_slice %arg11[%dma_wait3A_52, %dma_wait3A_53] : memref<512x64xf32, #tpu.memory_space<vmem>> -> memref<128x64xf32, #tpu.memory_space<vmem>>
    %dma_wait3A_55 = arith.constant 0 : i32
    %dma_wait3A_56 = tpu.memref_slice %arg8[%dma_wait3A, %dma_wait3A_55] : memref<8x128xi32, #tpu.memory_space<vmem>> -> memref<1x128xi32, #tpu.memory_space<vmem>>
    %dma_wait3A_57 = tpu.memref_squeeze %dma_wait3A_56 : memref<1x128xi32, #tpu.memory_space<vmem>> -> memref<128xi32, #tpu.memory_space<vmem>>
    %dma_wait3A_58 = arith.constant 0 : i32
    %dma_wait3A_59 = arith.constant 0 : i32
    %dma_wait3A_60 = tpu.memref_slice %arg5[%dma_wait3A_58, %dma_wait3A_59] : memref<1000000x64xf32, #tpu.memory_space<hbm>> -> memref<1000000x64xf32, #tpu.memory_space<hbm>>
    tpu.wait_indirect_dma semaphore(%arg16 : memref<!tpu.dma_semaphore, #tpu.memory_space<semaphore_mem>>) src(%dma_wait3A_60 : memref<1000000x64xf32, #tpu.memory_space<hbm>>) dst(%dma_wait3A_54 : memref<128x64xf32, #tpu.memory_space<vmem>>)
    %dma_wait3A_61 = arith.constant 1 : i32
    %dma_wait3A_62 = arith.constant 128 : i32
    %dma_wait3A_63 = arith.constant 0 : i32
    %dma_wait3A_64 = tpu.memref_slice %arg11[%dma_wait3A_62, %dma_wait3A_63] : memref<512x64xf32, #tpu.memory_space<vmem>> -> memref<128x64xf32, #tpu.memory_space<vmem>>
    %dma_wait3A_65 = arith.constant 0 : i32
    %dma_wait3A_66 = tpu.memref_slice %arg8[%dma_wait3A_61, %dma_wait3A_65] : memref<8x128xi32, #tpu.memory_space<vmem>> -> memref<1x128xi32, #tpu.memory_space<vmem>>
    %dma_wait3A_67 = tpu.memref_squeeze %dma_wait3A_66 : memref<1x128xi32, #tpu.memory_space<vmem>> -> memref<128xi32, #tpu.memory_space<vmem>>
    %dma_wait3A_68 = arith.constant 0 : i32
    %dma_wait3A_69 = arith.constant 0 : i32
    %dma_wait3A_70 = tpu.memref_slice %arg5[%dma_wait3A_68, %dma_wait3A_69] : memref<1000000x64xf32, #tpu.memory_space<hbm>> -> memref<1000000x64xf32, #tpu.memory_space<hbm>>
    tpu.wait_indirect_dma semaphore(%arg16 : memref<!tpu.dma_semaphore, #tpu.memory_space<semaphore_mem>>) src(%dma_wait3A_70 : memref<1000000x64xf32, #tpu.memory_space<hbm>>) dst(%dma_wait3A_64 : memref<128x64xf32, #tpu.memory_space<vmem>>)
    %dma_wait3A_71 = arith.constant 2 : i32
    %dma_wait3A_72 = arith.constant 256 : i32
    %dma_wait3A_73 = arith.constant 0 : i32
    %dma_wait3A_74 = tpu.memref_slice %arg11[%dma_wait3A_72, %dma_wait3A_73] : memref<512x64xf32, #tpu.memory_space<vmem>> -> memref<128x64xf32, #tpu.memory_space<vmem>>
    %dma_wait3A_75 = arith.constant 0 : i32
    %dma_wait3A_76 = tpu.memref_slice %arg8[%dma_wait3A_71, %dma_wait3A_75] : memref<8x128xi32, #tpu.memory_space<vmem>> -> memref<1x128xi32, #tpu.memory_space<vmem>>
    %dma_wait3A_77 = tpu.memref_squeeze %dma_wait3A_76 : memref<1x128xi32, #tpu.memory_space<vmem>> -> memref<128xi32, #tpu.memory_space<vmem>>
    %dma_wait3A_78 = arith.constant 0 : i32
    %dma_wait3A_79 = arith.constant 0 : i32
    %dma_wait3A_80 = tpu.memref_slice %arg5[%dma_wait3A_78, %dma_wait3A_79] : memref<1000000x64xf32, #tpu.memory_space<hbm>> -> memref<1000000x64xf32, #tpu.memory_space<hbm>>
    tpu.wait_indirect_dma semaphore(%arg16 : memref<!tpu.dma_semaphore, #tpu.memory_space<semaphore_mem>>) src(%dma_wait3A_80 : memref<1000000x64xf32, #tpu.memory_space<hbm>>) dst(%dma_wait3A_74 : memref<128x64xf32, #tpu.memory_space<vmem>>)
    %dma_wait3A_81 = arith.constant 3 : i32
    %dma_wait3A_82 = arith.constant 384 : i32
    %dma_wait3A_83 = arith.constant 0 : i32
    %dma_wait3A_84 = tpu.memref_slice %arg11[%dma_wait3A_82, %dma_wait3A_83] : memref<512x64xf32, #tpu.memory_space<vmem>> -> memref<128x64xf32, #tpu.memory_space<vmem>>
    %dma_wait3A_85 = arith.constant 0 : i32
    %dma_wait3A_86 = tpu.memref_slice %arg8[%dma_wait3A_81, %dma_wait3A_85] : memref<8x128xi32, #tpu.memory_space<vmem>> -> memref<1x128xi32, #tpu.memory_space<vmem>>
    %dma_wait3A_87 = tpu.memref_squeeze %dma_wait3A_86 : memref<1x128xi32, #tpu.memory_space<vmem>> -> memref<128xi32, #tpu.memory_space<vmem>>
    %dma_wait3A_88 = arith.constant 0 : i32
    %dma_wait3A_89 = arith.constant 0 : i32
    %dma_wait3A_90 = tpu.memref_slice %arg5[%dma_wait3A_88, %dma_wait3A_89] : memref<1000000x64xf32, #tpu.memory_space<hbm>> -> memref<1000000x64xf32, #tpu.memory_space<hbm>>
    tpu.wait_indirect_dma semaphore(%arg16 : memref<!tpu.dma_semaphore, #tpu.memory_space<semaphore_mem>>) src(%dma_wait3A_90 : memref<1000000x64xf32, #tpu.memory_space<hbm>>) dst(%dma_wait3A_84 : memref<128x64xf32, #tpu.memory_space<vmem>>)
    %dma_start3A_91 = arith.constant 4 : i32
    %dma_start3A_92 = arith.constant 0 : i32
    %dma_start3A_93 = tpu.memref_slice %arg8[%dma_start3A_91, %dma_start3A_92] : memref<8x128xi32, #tpu.memory_space<vmem>> -> memref<1x128xi32, #tpu.memory_space<vmem>>
    %dma_start3A_94 = tpu.memref_squeeze %dma_start3A_93 : memref<1x128xi32, #tpu.memory_space<vmem>> -> memref<128xi32, #tpu.memory_space<vmem>>
    %dma_start3A_95 = arith.constant 0 : i32
    %dma_start3A_96 = arith.constant 0 : i32
    %dma_start3A_97 = tpu.memref_slice %arg6[%dma_start3A_95, %dma_start3A_96] : memref<1000000x64xf32, #tpu.memory_space<hbm>> -> memref<1000000x64xf32, #tpu.memory_space<hbm>>
    tpu.enqueue_indirect_dma source(%dma_start3A_97 : memref<1000000x64xf32, #tpu.memory_space<hbm>>) target(%arg12 : memref<128x64xf32, #tpu.memory_space<vmem>>) offsets(%dma_start3A_94 : memref<128xi32, #tpu.memory_space<vmem>>) semaphore(%arg16 : memref<!tpu.dma_semaphore, #tpu.memory_space<semaphore_mem>>)
    %dma_wait3A_98 = arith.constant 4 : i32
    %dma_wait3A_99 = arith.constant 0 : i32
    %dma_wait3A_100 = tpu.memref_slice %arg8[%dma_wait3A_98, %dma_wait3A_99] : memref<8x128xi32, #tpu.memory_space<vmem>> -> memref<1x128xi32, #tpu.memory_space<vmem>>
    %dma_wait3A_101 = tpu.memref_squeeze %dma_wait3A_100 : memref<1x128xi32, #tpu.memory_space<vmem>> -> memref<128xi32, #tpu.memory_space<vmem>>
    %dma_wait3A_102 = arith.constant 0 : i32
    %dma_wait3A_103 = arith.constant 0 : i32
    %dma_wait3A_104 = tpu.memref_slice %arg6[%dma_wait3A_102, %dma_wait3A_103] : memref<1000000x64xf32, #tpu.memory_space<hbm>> -> memref<1000000x64xf32, #tpu.memory_space<hbm>>
    tpu.wait_indirect_dma semaphore(%arg16 : memref<!tpu.dma_semaphore, #tpu.memory_space<semaphore_mem>>) src(%dma_wait3A_104 : memref<1000000x64xf32, #tpu.memory_space<hbm>>) dst(%arg12 : memref<128x64xf32, #tpu.memory_space<vmem>>)
    %dma_start3A_105 = arith.constant 5 : i32
    %dma_start3A_106 = arith.constant 0 : i32
    %dma_start3A_107 = tpu.memref_slice %arg8[%dma_start3A_105, %dma_start3A_106] : memref<8x128xi32, #tpu.memory_space<vmem>> -> memref<1x128xi32, #tpu.memory_space<vmem>>
    %dma_start3A_108 = tpu.memref_squeeze %dma_start3A_107 : memref<1x128xi32, #tpu.memory_space<vmem>> -> memref<128xi32, #tpu.memory_space<vmem>>
    %dma_start3A_109 = arith.constant 0 : i32
    %dma_start3A_110 = arith.constant 0 : i32
    %dma_start3A_111 = tpu.memref_slice %arg6[%dma_start3A_109, %dma_start3A_110] : memref<1000000x64xf32, #tpu.memory_space<hbm>> -> memref<1000000x64xf32, #tpu.memory_space<hbm>>
    tpu.enqueue_indirect_dma source(%dma_start3A_111 : memref<1000000x64xf32, #tpu.memory_space<hbm>>) target(%arg13 : memref<128x64xf32, #tpu.memory_space<vmem>>) offsets(%dma_start3A_108 : memref<128xi32, #tpu.memory_space<vmem>>) semaphore(%arg17 : memref<!tpu.dma_semaphore, #tpu.memory_space<semaphore_mem>>)
    %parallel_loop3A = arith.constant 0 : i32
    %parallel_loop3A_112 = arith.constant 128 : i32
    %parallel_loop3A_113 = arith.constant 1 : i32
    scf.for %parallel_loop3A_211 = %parallel_loop3A to %parallel_loop3A_112 step %parallel_loop3A_113  : i32 {
      %parallel_loop3A_212 = arith.constant 0 : i32
      %parallel_loop3A_213 = arith.addi %parallel_loop3A_212, %parallel_loop3A_211 : i32
      %parallel_loop3A_214 = vector.broadcast %parallel_loop3A_211 : i32 to vector<16xi32>
      %parallel_loop3A_215 = arith.constant 0.000000e+00 : f32
      %parallel_loop3A_216 = vector.broadcast %parallel_loop3A_215 : f32 to vector<16xf32>
      %parallel_loop3A_217 = arith.index_cast %parallel_loop3A_213 : i32 to index
      %parallel_loop3A_218 = arith.constant 0 : index
      %parallel_loop3A_219 = tpu.vector_load %arg11[%parallel_loop3A_217, %parallel_loop3A_218] {strides = array<i32>} : memref<512x64xf32, #tpu.memory_space<vmem>>, vector<16xf32>,
      %parallel_loop3A_220 = arith.index_cast %parallel_loop3A_211 : i32 to index
      %parallel_loop3A_221 = arith.constant 0 : index
      %parallel_loop3A_222 = tpu.vector_load %arg12[%parallel_loop3A_220, %parallel_loop3A_221] {strides = array<i32>} : memref<128x64xf32, #tpu.memory_space<vmem>>, vector<16xf32>,
      %parallel_loop3A_223 = arith.mulf %parallel_loop3A_219, %parallel_loop3A_222 : vector<16xf32>
      %parallel_loop3A_224 = arith.addf %parallel_loop3A_216, %parallel_loop3A_223 : vector<16xf32>
      %parallel_loop3A_225 = arith.index_cast %parallel_loop3A_213 : i32 to index
      %parallel_loop3A_226 = arith.constant 16 : index
      %parallel_loop3A_227 = tpu.vector_load %arg11[%parallel_loop3A_225, %parallel_loop3A_226] {strides = array<i32>} : memref<512x64xf32, #tpu.memory_space<vmem>>, vector<16xf32>,
      %parallel_loop3A_228 = arith.index_cast %parallel_loop3A_211 : i32 to index
      %parallel_loop3A_229 = arith.constant 16 : index
      %parallel_loop3A_230 = tpu.vector_load %arg12[%parallel_loop3A_228, %parallel_loop3A_229] {strides = array<i32>} : memref<128x64xf32, #tpu.memory_space<vmem>>, vector<16xf32>,
      %parallel_loop3A_231 = arith.mulf %parallel_loop3A_227, %parallel_loop3A_230 : vector<16xf32>
      %parallel_loop3A_232 = arith.addf %parallel_loop3A_224, %parallel_loop3A_231 : vector<16xf32>
      %parallel_loop3A_233 = arith.index_cast %parallel_loop3A_213 : i32 to index
      %parallel_loop3A_234 = arith.constant 32 : index
      %parallel_loop3A_235 = tpu.vector_load %arg11[%parallel_loop3A_233, %parallel_loop3A_234] {strides = array<i32>} : memref<512x64xf32, #tpu.memory_space<vmem>>, vector<16xf32>,
      %parallel_loop3A_236 = arith.index_cast %parallel_loop3A_211 : i32 to index
      %parallel_loop3A_237 = arith.constant 32 : index
      %parallel_loop3A_238 = tpu.vector_load %arg12[%parallel_loop3A_236, %parallel_loop3A_237] {strides = array<i32>} : memref<128x64xf32, #tpu.memory_space<vmem>>, vector<16xf32>,
      %parallel_loop3A_239 = arith.mulf %parallel_loop3A_235, %parallel_loop3A_238 : vector<16xf32>
      %parallel_loop3A_240 = arith.addf %parallel_loop3A_232, %parallel_loop3A_239 : vector<16xf32>
      %parallel_loop3A_241 = arith.index_cast %parallel_loop3A_213 : i32 to index
      %parallel_loop3A_242 = arith.constant 48 : index
      %parallel_loop3A_243 = tpu.vector_load %arg11[%parallel_loop3A_241, %parallel_loop3A_242] {strides = array<i32>} : memref<512x64xf32, #tpu.memory_space<vmem>>, vector<16xf32>,
      %parallel_loop3A_244 = arith.index_cast %parallel_loop3A_211 : i32 to index
      %parallel_loop3A_245 = arith.constant 48 : index
      %parallel_loop3A_246 = tpu.vector_load %arg12[%parallel_loop3A_244, %parallel_loop3A_245] {strides = array<i32>} : memref<128x64xf32, #tpu.memory_space<vmem>>, vector<16xf32>,
      %parallel_loop3A_247 = arith.mulf %parallel_loop3A_243, %parallel_loop3A_246 : vector<16xf32>
      %parallel_loop3A_248 = arith.addf %parallel_loop3A_240, %parallel_loop3A_247 : vector<16xf32>
      %parallel_loop3A_249 = arith.constant true
      %parallel_loop3A_250 = vector.broadcast %parallel_loop3A_249 : i1 to vector<16xi1>
      %parallel_loop3A_251 = tpu.scan <sum>, %parallel_loop3A_248 masked %parallel_loop3A_250 : vector<16xf32>, vector<16xi1> -> vector<16xf32>
      tpu.vector_store_idx %arg14[%parallel_loop3A_214], %parallel_loop3A_251 masked %eq3A_10 : memref<128xf32, #tpu.memory_space<vmem>>[vector<16xi32>], vector<16xf32>, vector<16xi1>
    } {sc.loop_unroll_factor = 4 : i64, sc.parallel_access}
    %get3A = arith.constant 0 : index
    %get3A_114 = tpu.vector_load %arg15[%get3A] {strides = array<i32>} : memref<16xf32, #tpu.memory_space<vmem>>, vector<16xf32>,
    %scan3A = arith.constant 0 : i32
    %scan3A_115 = arith.constant 8 : i32
    %scan3A_116 = arith.addi %scan3A, %scan3A_115 : i32
    %scan3A_117 = arith.constant 1 : i32
    %scan3A_118 = scf.for %scan3A_211 = %scan3A to %scan3A_116 step %scan3A_117 iter_args(%scan3A_212 = %get3A_114) -> (vector<16xf32>)  : i32 {
      %mul3A_213 = arith.constant 16 : i32
      %mul3A_214 = arith.muli %scan3A_211, %mul3A_213 : i32
      %multiple_of3A = tpu.assume_multiple %mul3A_214, 16 : i32
      %get3A_215 = arith.index_cast %multiple_of3A : i32 to index
      %get3A_216 = tpu.vector_load %arg14[%get3A_215] {strides = array<i32>} : memref<128xf32, #tpu.memory_space<vmem>>, vector<16xf32>,
      %abs3A = math.absf %get3A_216 : vector<16xf32>
      %neg3A = arith.constant 0.000000e+00 : f32
      %neg3A_217 = vector.broadcast %neg3A : f32 to vector<16xf32>
      %neg3A_218 = arith.subf %neg3A_217, %abs3A : vector<16xf32>
      %exp3A = math.exp %neg3A_218 : vector<16xf32>
      %add3A_219 = arith.constant 2.000000e+00 : f32
      %add3A_220 = vector.broadcast %add3A_219 : f32 to vector<16xf32>
      %add3A_221 = arith.addf %exp3A, %add3A_220 : vector<16xf32>
      %div3A = arith.divf %exp3A, %add3A_221 : vector<16xf32>
      %mul3A_222 = arith.mulf %div3A, %div3A : vector<16xf32>
      %mul3A_223 = arith.constant 0.285714298 : f32
      %mul3A_224 = vector.broadcast %mul3A_223 : f32 to vector<16xf32>
      %mul3A_225 = arith.mulf %mul3A_222, %mul3A_224 : vector<16xf32>
      %add3A_226 = arith.constant 4.000000e-01 : f32
      %add3A_227 = vector.broadcast %add3A_226 : f32 to vector<16xf32>
      %add3A_228 = arith.addf %add3A_227, %mul3A_225 : vector<16xf32>
      %mul3A_229 = arith.mulf %mul3A_222, %add3A_228 : vector<16xf32>
      %add3A_230 = arith.constant 0.666666686 : f32
      %add3A_231 = vector.broadcast %add3A_230 : f32 to vector<16xf32>
      %add3A_232 = arith.addf %add3A_231, %mul3A_229 : vector<16xf32>
      %mul3A_233 = arith.mulf %mul3A_222, %add3A_232 : vector<16xf32>
      %add3A_234 = arith.constant 2.000000e+00 : f32
      %add3A_235 = vector.broadcast %add3A_234 : f32 to vector<16xf32>
      %add3A_236 = arith.addf %add3A_235, %mul3A_233 : vector<16xf32>
      %mul3A_237 = arith.mulf %div3A, %add3A_236 : vector<16xf32>
      %min3A = arith.constant 0.000000e+00 : f32
      %min3A_238 = vector.broadcast %min3A : f32 to vector<16xf32>
      %min3A_239 = arith.minimumf %get3A_216, %min3A_238 : vector<16xf32>
      %sub3A = arith.subf %min3A_239, %mul3A_237 : vector<16xf32>
      %add3A_240 = arith.addf %scan3A_212, %sub3A : vector<16xf32>
      scf.yield %add3A_240 : vector<16xf32>
    }
    %scan3A_119 = arith.constant 8 : i32
    %swap3A_120 = arith.constant 0 : index
    %swap3A_121 = tpu.vector_load %arg15[%swap3A_120] {strides = array<i32>} : memref<16xf32, #tpu.memory_space<vmem>>, vector<16xf32>,
    tpu.vector_store %arg15[%swap3A_120], %scan3A_118 {strides = array<i32>} : memref<16xf32, #tpu.memory_space<vmem>>, vector<16xf32>,
    %dma_wait3A_122 = arith.constant 5 : i32
    %dma_wait3A_123 = arith.constant 0 : i32
    %dma_wait3A_124 = tpu.memref_slice %arg8[%dma_wait3A_122, %dma_wait3A_123] : memref<8x128xi32, #tpu.memory_space<vmem>> -> memref<1x128xi32, #tpu.memory_space<vmem>>
    %dma_wait3A_125 = tpu.memref_squeeze %dma_wait3A_124 : memref<1x128xi32, #tpu.memory_space<vmem>> -> memref<128xi32, #tpu.memory_space<vmem>>
    %dma_wait3A_126 = arith.constant 0 : i32
    %dma_wait3A_127 = arith.constant 0 : i32
    %dma_wait3A_128 = tpu.memref_slice %arg6[%dma_wait3A_126, %dma_wait3A_127] : memref<1000000x64xf32, #tpu.memory_space<hbm>> -> memref<1000000x64xf32, #tpu.memory_space<hbm>>
    tpu.wait_indirect_dma semaphore(%arg17 : memref<!tpu.dma_semaphore, #tpu.memory_space<semaphore_mem>>) src(%dma_wait3A_128 : memref<1000000x64xf32, #tpu.memory_space<hbm>>) dst(%arg13 : memref<128x64xf32, #tpu.memory_space<vmem>>)
    %dma_start3A_129 = arith.constant 6 : i32
    %dma_start3A_130 = arith.constant 0 : i32
    %dma_start3A_131 = tpu.memref_slice %arg8[%dma_start3A_129, %dma_start3A_130] : memref<8x128xi32, #tpu.memory_space<vmem>> -> memref<1x128xi32, #tpu.memory_space<vmem>>
    %dma_start3A_132 = tpu.memref_squeeze %dma_start3A_131 : memref<1x128xi32, #tpu.memory_space<vmem>> -> memref<128xi32, #tpu.memory_space<vmem>>
    %dma_start3A_133 = arith.constant 0 : i32
    %dma_start3A_134 = arith.constant 0 : i32
    %dma_start3A_135 = tpu.memref_slice %arg6[%dma_start3A_133, %dma_start3A_134] : memref<1000000x64xf32, #tpu.memory_space<hbm>> -> memref<1000000x64xf32, #tpu.memory_space<hbm>>
    tpu.enqueue_indirect_dma source(%dma_start3A_135 : memref<1000000x64xf32, #tpu.memory_space<hbm>>) target(%arg12 : memref<128x64xf32, #tpu.memory_space<vmem>>) offsets(%dma_start3A_132 : memref<128xi32, #tpu.memory_space<vmem>>) semaphore(%arg16 : memref<!tpu.dma_semaphore, #tpu.memory_space<semaphore_mem>>)
    %parallel_loop3A_136 = arith.constant 0 : i32
    %parallel_loop3A_137 = arith.constant 128 : i32
    %parallel_loop3A_138 = arith.constant 1 : i32
    scf.for %parallel_loop3A_211 = %parallel_loop3A_136 to %parallel_loop3A_137 step %parallel_loop3A_138  : i32 {
      %parallel_loop3A_212 = arith.constant 128 : i32
      %parallel_loop3A_213 = arith.addi %parallel_loop3A_212, %parallel_loop3A_211 : i32
      %parallel_loop3A_214 = vector.broadcast %parallel_loop3A_211 : i32 to vector<16xi32>
      %parallel_loop3A_215 = arith.constant 0.000000e+00 : f32
      %parallel_loop3A_216 = vector.broadcast %parallel_loop3A_215 : f32 to vector<16xf32>
      %parallel_loop3A_217 = arith.index_cast %parallel_loop3A_213 : i32 to index
      %parallel_loop3A_218 = arith.constant 0 : index
      %parallel_loop3A_219 = tpu.vector_load %arg11[%parallel_loop3A_217, %parallel_loop3A_218] {strides = array<i32>} : memref<512x64xf32, #tpu.memory_space<vmem>>, vector<16xf32>,
      %parallel_loop3A_220 = arith.index_cast %parallel_loop3A_211 : i32 to index
      %parallel_loop3A_221 = arith.constant 0 : index
      %parallel_loop3A_222 = tpu.vector_load %arg13[%parallel_loop3A_220, %parallel_loop3A_221] {strides = array<i32>} : memref<128x64xf32, #tpu.memory_space<vmem>>, vector<16xf32>,
      %parallel_loop3A_223 = arith.mulf %parallel_loop3A_219, %parallel_loop3A_222 : vector<16xf32>
      %parallel_loop3A_224 = arith.addf %parallel_loop3A_216, %parallel_loop3A_223 : vector<16xf32>
      %parallel_loop3A_225 = arith.index_cast %parallel_loop3A_213 : i32 to index
      %parallel_loop3A_226 = arith.constant 16 : index
      %parallel_loop3A_227 = tpu.vector_load %arg11[%parallel_loop3A_225, %parallel_loop3A_226] {strides = array<i32>} : memref<512x64xf32, #tpu.memory_space<vmem>>, vector<16xf32>,
      %parallel_loop3A_228 = arith.index_cast %parallel_loop3A_211 : i32 to index
      %parallel_loop3A_229 = arith.constant 16 : index
      %parallel_loop3A_230 = tpu.vector_load %arg13[%parallel_loop3A_228, %parallel_loop3A_229] {strides = array<i32>} : memref<128x64xf32, #tpu.memory_space<vmem>>, vector<16xf32>,
      %parallel_loop3A_231 = arith.mulf %parallel_loop3A_227, %parallel_loop3A_230 : vector<16xf32>
      %parallel_loop3A_232 = arith.addf %parallel_loop3A_224, %parallel_loop3A_231 : vector<16xf32>
      %parallel_loop3A_233 = arith.index_cast %parallel_loop3A_213 : i32 to index
      %parallel_loop3A_234 = arith.constant 32 : index
      %parallel_loop3A_235 = tpu.vector_load %arg11[%parallel_loop3A_233, %parallel_loop3A_234] {strides = array<i32>} : memref<512x64xf32, #tpu.memory_space<vmem>>, vector<16xf32>,
      %parallel_loop3A_236 = arith.index_cast %parallel_loop3A_211 : i32 to index
      %parallel_loop3A_237 = arith.constant 32 : index
      %parallel_loop3A_238 = tpu.vector_load %arg13[%parallel_loop3A_236, %parallel_loop3A_237] {strides = array<i32>} : memref<128x64xf32, #tpu.memory_space<vmem>>, vector<16xf32>,
      %parallel_loop3A_239 = arith.mulf %parallel_loop3A_235, %parallel_loop3A_238 : vector<16xf32>
      %parallel_loop3A_240 = arith.addf %parallel_loop3A_232, %parallel_loop3A_239 : vector<16xf32>
      %parallel_loop3A_241 = arith.index_cast %parallel_loop3A_213 : i32 to index
      %parallel_loop3A_242 = arith.constant 48 : index
      %parallel_loop3A_243 = tpu.vector_load %arg11[%parallel_loop3A_241, %parallel_loop3A_242] {strides = array<i32>} : memref<512x64xf32, #tpu.memory_space<vmem>>, vector<16xf32>,
      %parallel_loop3A_244 = arith.index_cast %parallel_loop3A_211 : i32 to index
      %parallel_loop3A_245 = arith.constant 48 : index
      %parallel_loop3A_246 = tpu.vector_load %arg13[%parallel_loop3A_244, %parallel_loop3A_245] {strides = array<i32>} : memref<128x64xf32, #tpu.memory_space<vmem>>, vector<16xf32>,
      %parallel_loop3A_247 = arith.mulf %parallel_loop3A_243, %parallel_loop3A_246 : vector<16xf32>
      %parallel_loop3A_248 = arith.addf %parallel_loop3A_240, %parallel_loop3A_247 : vector<16xf32>
      %parallel_loop3A_249 = arith.constant true
      %parallel_loop3A_250 = vector.broadcast %parallel_loop3A_249 : i1 to vector<16xi1>
      %parallel_loop3A_251 = tpu.scan <sum>, %parallel_loop3A_248 masked %parallel_loop3A_250 : vector<16xf32>, vector<16xi1> -> vector<16xf32>
      tpu.vector_store_idx %arg14[%parallel_loop3A_214], %parallel_loop3A_251 masked %eq3A_10 : memref<128xf32, #tpu.memory_space<vmem>>[vector<16xi32>], vector<16xf32>, vector<16xi1>
    } {sc.loop_unroll_factor = 4 : i64, sc.parallel_access}
    %get3A_139 = arith.constant 0 : index
    %get3A_140 = tpu.vector_load %arg15[%get3A_139] {strides = array<i32>} : memref<16xf32, #tpu.memory_space<vmem>>, vector<16xf32>,
    %scan3A_141 = arith.constant 0 : i32
    %scan3A_142 = arith.constant 8 : i32
    %scan3A_143 = arith.addi %scan3A_141, %scan3A_142 : i32
    %scan3A_144 = arith.constant 1 : i32
    %scan3A_145 = scf.for %scan3A_211 = %scan3A_141 to %scan3A_143 step %scan3A_144 iter_args(%scan3A_212 = %get3A_140) -> (vector<16xf32>)  : i32 {
      %mul3A_213 = arith.constant 16 : i32
      %mul3A_214 = arith.muli %scan3A_211, %mul3A_213 : i32
      %multiple_of3A = tpu.assume_multiple %mul3A_214, 16 : i32
      %get3A_215 = arith.index_cast %multiple_of3A : i32 to index
      %get3A_216 = tpu.vector_load %arg14[%get3A_215] {strides = array<i32>} : memref<128xf32, #tpu.memory_space<vmem>>, vector<16xf32>,
      %abs3A = math.absf %get3A_216 : vector<16xf32>
      %neg3A = arith.constant 0.000000e+00 : f32
      %neg3A_217 = vector.broadcast %neg3A : f32 to vector<16xf32>
      %neg3A_218 = arith.subf %neg3A_217, %abs3A : vector<16xf32>
      %exp3A = math.exp %neg3A_218 : vector<16xf32>
      %add3A_219 = arith.constant 2.000000e+00 : f32
      %add3A_220 = vector.broadcast %add3A_219 : f32 to vector<16xf32>
      %add3A_221 = arith.addf %exp3A, %add3A_220 : vector<16xf32>
      %div3A = arith.divf %exp3A, %add3A_221 : vector<16xf32>
      %mul3A_222 = arith.mulf %div3A, %div3A : vector<16xf32>
      %mul3A_223 = arith.constant 0.285714298 : f32
      %mul3A_224 = vector.broadcast %mul3A_223 : f32 to vector<16xf32>
      %mul3A_225 = arith.mulf %mul3A_222, %mul3A_224 : vector<16xf32>
      %add3A_226 = arith.constant 4.000000e-01 : f32
      %add3A_227 = vector.broadcast %add3A_226 : f32 to vector<16xf32>
      %add3A_228 = arith.addf %add3A_227, %mul3A_225 : vector<16xf32>
      %mul3A_229 = arith.mulf %mul3A_222, %add3A_228 : vector<16xf32>
      %add3A_230 = arith.constant 0.666666686 : f32
      %add3A_231 = vector.broadcast %add3A_230 : f32 to vector<16xf32>
      %add3A_232 = arith.addf %add3A_231, %mul3A_229 : vector<16xf32>
      %mul3A_233 = arith.mulf %mul3A_222, %add3A_232 : vector<16xf32>
      %add3A_234 = arith.constant 2.000000e+00 : f32
      %add3A_235 = vector.broadcast %add3A_234 : f32 to vector<16xf32>
      %add3A_236 = arith.addf %add3A_235, %mul3A_233 : vector<16xf32>
      %mul3A_237 = arith.mulf %div3A, %add3A_236 : vector<16xf32>
      %min3A = arith.constant 0.000000e+00 : f32
      %min3A_238 = vector.broadcast %min3A : f32 to vector<16xf32>
      %min3A_239 = arith.minimumf %get3A_216, %min3A_238 : vector<16xf32>
      %sub3A = arith.subf %min3A_239, %mul3A_237 : vector<16xf32>
      %add3A_240 = arith.addf %scan3A_212, %sub3A : vector<16xf32>
      scf.yield %add3A_240 : vector<16xf32>
    }
    %scan3A_146 = arith.constant 8 : i32
    %swap3A_147 = arith.constant 0 : index
    %swap3A_148 = tpu.vector_load %arg15[%swap3A_147] {strides = array<i32>} : memref<16xf32, #tpu.memory_space<vmem>>, vector<16xf32>,
    tpu.vector_store %arg15[%swap3A_147], %scan3A_145 {strides = array<i32>} : memref<16xf32, #tpu.memory_space<vmem>>, vector<16xf32>,
    %dma_wait3A_149 = arith.constant 6 : i32
    %dma_wait3A_150 = arith.constant 0 : i32
    %dma_wait3A_151 = tpu.memref_slice %arg8[%dma_wait3A_149, %dma_wait3A_150] : memref<8x128xi32, #tpu.memory_space<vmem>> -> memref<1x128xi32, #tpu.memory_space<vmem>>
    %dma_wait3A_152 = tpu.memref_squeeze %dma_wait3A_151 : memref<1x128xi32, #tpu.memory_space<vmem>> -> memref<128xi32, #tpu.memory_space<vmem>>
    %dma_wait3A_153 = arith.constant 0 : i32
    %dma_wait3A_154 = arith.constant 0 : i32
    %dma_wait3A_155 = tpu.memref_slice %arg6[%dma_wait3A_153, %dma_wait3A_154] : memref<1000000x64xf32, #tpu.memory_space<hbm>> -> memref<1000000x64xf32, #tpu.memory_space<hbm>>
    tpu.wait_indirect_dma semaphore(%arg16 : memref<!tpu.dma_semaphore, #tpu.memory_space<semaphore_mem>>) src(%dma_wait3A_155 : memref<1000000x64xf32, #tpu.memory_space<hbm>>) dst(%arg12 : memref<128x64xf32, #tpu.memory_space<vmem>>)
    %dma_start3A_156 = arith.constant 7 : i32
    %dma_start3A_157 = arith.constant 0 : i32
    %dma_start3A_158 = tpu.memref_slice %arg8[%dma_start3A_156, %dma_start3A_157] : memref<8x128xi32, #tpu.memory_space<vmem>> -> memref<1x128xi32, #tpu.memory_space<vmem>>
    %dma_start3A_159 = tpu.memref_squeeze %dma_start3A_158 : memref<1x128xi32, #tpu.memory_space<vmem>> -> memref<128xi32, #tpu.memory_space<vmem>>
    %dma_start3A_160 = arith.constant 0 : i32
    %dma_start3A_161 = arith.constant 0 : i32
    %dma_start3A_162 = tpu.memref_slice %arg6[%dma_start3A_160, %dma_start3A_161] : memref<1000000x64xf32, #tpu.memory_space<hbm>> -> memref<1000000x64xf32, #tpu.memory_space<hbm>>
    tpu.enqueue_indirect_dma source(%dma_start3A_162 : memref<1000000x64xf32, #tpu.memory_space<hbm>>) target(%arg13 : memref<128x64xf32, #tpu.memory_space<vmem>>) offsets(%dma_start3A_159 : memref<128xi32, #tpu.memory_space<vmem>>) semaphore(%arg17 : memref<!tpu.dma_semaphore, #tpu.memory_space<semaphore_mem>>)
    %parallel_loop3A_163 = arith.constant 0 : i32
    %parallel_loop3A_164 = arith.constant 128 : i32
    %parallel_loop3A_165 = arith.constant 1 : i32
    scf.for %parallel_loop3A_211 = %parallel_loop3A_163 to %parallel_loop3A_164 step %parallel_loop3A_165  : i32 {
      %parallel_loop3A_212 = arith.constant 256 : i32
      %parallel_loop3A_213 = arith.addi %parallel_loop3A_212, %parallel_loop3A_211 : i32
      %parallel_loop3A_214 = vector.broadcast %parallel_loop3A_211 : i32 to vector<16xi32>
      %parallel_loop3A_215 = arith.constant 0.000000e+00 : f32
      %parallel_loop3A_216 = vector.broadcast %parallel_loop3A_215 : f32 to vector<16xf32>
      %parallel_loop3A_217 = arith.index_cast %parallel_loop3A_213 : i32 to index
      %parallel_loop3A_218 = arith.constant 0 : index
      %parallel_loop3A_219 = tpu.vector_load %arg11[%parallel_loop3A_217, %parallel_loop3A_218] {strides = array<i32>} : memref<512x64xf32, #tpu.memory_space<vmem>>, vector<16xf32>,
      %parallel_loop3A_220 = arith.index_cast %parallel_loop3A_211 : i32 to index
      %parallel_loop3A_221 = arith.constant 0 : index
      %parallel_loop3A_222 = tpu.vector_load %arg12[%parallel_loop3A_220, %parallel_loop3A_221] {strides = array<i32>} : memref<128x64xf32, #tpu.memory_space<vmem>>, vector<16xf32>,
      %parallel_loop3A_223 = arith.mulf %parallel_loop3A_219, %parallel_loop3A_222 : vector<16xf32>
      %parallel_loop3A_224 = arith.addf %parallel_loop3A_216, %parallel_loop3A_223 : vector<16xf32>
      %parallel_loop3A_225 = arith.index_cast %parallel_loop3A_213 : i32 to index
      %parallel_loop3A_226 = arith.constant 16 : index
      %parallel_loop3A_227 = tpu.vector_load %arg11[%parallel_loop3A_225, %parallel_loop3A_226] {strides = array<i32>} : memref<512x64xf32, #tpu.memory_space<vmem>>, vector<16xf32>,
      %parallel_loop3A_228 = arith.index_cast %parallel_loop3A_211 : i32 to index
      %parallel_loop3A_229 = arith.constant 16 : index
      %parallel_loop3A_230 = tpu.vector_load %arg12[%parallel_loop3A_228, %parallel_loop3A_229] {strides = array<i32>} : memref<128x64xf32, #tpu.memory_space<vmem>>, vector<16xf32>,
      %parallel_loop3A_231 = arith.mulf %parallel_loop3A_227, %parallel_loop3A_230 : vector<16xf32>
      %parallel_loop3A_232 = arith.addf %parallel_loop3A_224, %parallel_loop3A_231 : vector<16xf32>
      %parallel_loop3A_233 = arith.index_cast %parallel_loop3A_213 : i32 to index
      %parallel_loop3A_234 = arith.constant 32 : index
      %parallel_loop3A_235 = tpu.vector_load %arg11[%parallel_loop3A_233, %parallel_loop3A_234] {strides = array<i32>} : memref<512x64xf32, #tpu.memory_space<vmem>>, vector<16xf32>,
      %parallel_loop3A_236 = arith.index_cast %parallel_loop3A_211 : i32 to index
      %parallel_loop3A_237 = arith.constant 32 : index
      %parallel_loop3A_238 = tpu.vector_load %arg12[%parallel_loop3A_236, %parallel_loop3A_237] {strides = array<i32>} : memref<128x64xf32, #tpu.memory_space<vmem>>, vector<16xf32>,
      %parallel_loop3A_239 = arith.mulf %parallel_loop3A_235, %parallel_loop3A_238 : vector<16xf32>
      %parallel_loop3A_240 = arith.addf %parallel_loop3A_232, %parallel_loop3A_239 : vector<16xf32>
      %parallel_loop3A_241 = arith.index_cast %parallel_loop3A_213 : i32 to index
      %parallel_loop3A_242 = arith.constant 48 : index
      %parallel_loop3A_243 = tpu.vector_load %arg11[%parallel_loop3A_241, %parallel_loop3A_242] {strides = array<i32>} : memref<512x64xf32, #tpu.memory_space<vmem>>, vector<16xf32>,
      %parallel_loop3A_244 = arith.index_cast %parallel_loop3A_211 : i32 to index
      %parallel_loop3A_245 = arith.constant 48 : index
      %parallel_loop3A_246 = tpu.vector_load %arg12[%parallel_loop3A_244, %parallel_loop3A_245] {strides = array<i32>} : memref<128x64xf32, #tpu.memory_space<vmem>>, vector<16xf32>,
      %parallel_loop3A_247 = arith.mulf %parallel_loop3A_243, %parallel_loop3A_246 : vector<16xf32>
      %parallel_loop3A_248 = arith.addf %parallel_loop3A_240, %parallel_loop3A_247 : vector<16xf32>
      %parallel_loop3A_249 = arith.constant true
      %parallel_loop3A_250 = vector.broadcast %parallel_loop3A_249 : i1 to vector<16xi1>
      %parallel_loop3A_251 = tpu.scan <sum>, %parallel_loop3A_248 masked %parallel_loop3A_250 : vector<16xf32>, vector<16xi1> -> vector<16xf32>
      tpu.vector_store_idx %arg14[%parallel_loop3A_214], %parallel_loop3A_251 masked %eq3A_10 : memref<128xf32, #tpu.memory_space<vmem>>[vector<16xi32>], vector<16xf32>, vector<16xi1>
    } {sc.loop_unroll_factor = 4 : i64, sc.parallel_access}
    %get3A_166 = arith.constant 0 : index
    %get3A_167 = tpu.vector_load %arg15[%get3A_166] {strides = array<i32>} : memref<16xf32, #tpu.memory_space<vmem>>, vector<16xf32>,
    %scan3A_168 = arith.constant 0 : i32
    %scan3A_169 = arith.constant 8 : i32
    %scan3A_170 = arith.addi %scan3A_168, %scan3A_169 : i32
    %scan3A_171 = arith.constant 1 : i32
    %scan3A_172 = scf.for %scan3A_211 = %scan3A_168 to %scan3A_170 step %scan3A_171 iter_args(%scan3A_212 = %get3A_167) -> (vector<16xf32>)  : i32 {
      %mul3A_213 = arith.constant 16 : i32
      %mul3A_214 = arith.muli %scan3A_211, %mul3A_213 : i32
      %multiple_of3A = tpu.assume_multiple %mul3A_214, 16 : i32
      %get3A_215 = arith.index_cast %multiple_of3A : i32 to index
      %get3A_216 = tpu.vector_load %arg14[%get3A_215] {strides = array<i32>} : memref<128xf32, #tpu.memory_space<vmem>>, vector<16xf32>,
      %abs3A = math.absf %get3A_216 : vector<16xf32>
      %neg3A = arith.constant 0.000000e+00 : f32
      %neg3A_217 = vector.broadcast %neg3A : f32 to vector<16xf32>
      %neg3A_218 = arith.subf %neg3A_217, %abs3A : vector<16xf32>
      %exp3A = math.exp %neg3A_218 : vector<16xf32>
      %add3A_219 = arith.constant 2.000000e+00 : f32
      %add3A_220 = vector.broadcast %add3A_219 : f32 to vector<16xf32>
      %add3A_221 = arith.addf %exp3A, %add3A_220 : vector<16xf32>
      %div3A = arith.divf %exp3A, %add3A_221 : vector<16xf32>
      %mul3A_222 = arith.mulf %div3A, %div3A : vector<16xf32>
      %mul3A_223 = arith.constant 0.285714298 : f32
      %mul3A_224 = vector.broadcast %mul3A_223 : f32 to vector<16xf32>
      %mul3A_225 = arith.mulf %mul3A_222, %mul3A_224 : vector<16xf32>
      %add3A_226 = arith.constant 4.000000e-01 : f32
      %add3A_227 = vector.broadcast %add3A_226 : f32 to vector<16xf32>
      %add3A_228 = arith.addf %add3A_227, %mul3A_225 : vector<16xf32>
      %mul3A_229 = arith.mulf %mul3A_222, %add3A_228 : vector<16xf32>
      %add3A_230 = arith.constant 0.666666686 : f32
      %add3A_231 = vector.broadcast %add3A_230 : f32 to vector<16xf32>
      %add3A_232 = arith.addf %add3A_231, %mul3A_229 : vector<16xf32>
      %mul3A_233 = arith.mulf %mul3A_222, %add3A_232 : vector<16xf32>
      %add3A_234 = arith.constant 2.000000e+00 : f32
      %add3A_235 = vector.broadcast %add3A_234 : f32 to vector<16xf32>
      %add3A_236 = arith.addf %add3A_235, %mul3A_233 : vector<16xf32>
      %mul3A_237 = arith.mulf %div3A, %add3A_236 : vector<16xf32>
      %min3A = arith.constant 0.000000e+00 : f32
      %min3A_238 = vector.broadcast %min3A : f32 to vector<16xf32>
      %min3A_239 = arith.minimumf %get3A_216, %min3A_238 : vector<16xf32>
      %sub3A = arith.subf %min3A_239, %mul3A_237 : vector<16xf32>
      %add3A_240 = arith.addf %scan3A_212, %sub3A : vector<16xf32>
      scf.yield %add3A_240 : vector<16xf32>
    }
    %scan3A_173 = arith.constant 8 : i32
    %swap3A_174 = arith.constant 0 : index
    %swap3A_175 = tpu.vector_load %arg15[%swap3A_174] {strides = array<i32>} : memref<16xf32, #tpu.memory_space<vmem>>, vector<16xf32>,
    tpu.vector_store %arg15[%swap3A_174], %scan3A_172 {strides = array<i32>} : memref<16xf32, #tpu.memory_space<vmem>>, vector<16xf32>,
    %dma_wait3A_176 = arith.constant 7 : i32
    %dma_wait3A_177 = arith.constant 0 : i32
    %dma_wait3A_178 = tpu.memref_slice %arg8[%dma_wait3A_176, %dma_wait3A_177] : memref<8x128xi32, #tpu.memory_space<vmem>> -> memref<1x128xi32, #tpu.memory_space<vmem>>
    %dma_wait3A_179 = tpu.memref_squeeze %dma_wait3A_178 : memref<1x128xi32, #tpu.memory_space<vmem>> -> memref<128xi32, #tpu.memory_space<vmem>>
    %dma_wait3A_180 = arith.constant 0 : i32
    %dma_wait3A_181 = arith.constant 0 : i32
    %dma_wait3A_182 = tpu.memref_slice %arg6[%dma_wait3A_180, %dma_wait3A_181] : memref<1000000x64xf32, #tpu.memory_space<hbm>> -> memref<1000000x64xf32, #tpu.memory_space<hbm>>
    tpu.wait_indirect_dma semaphore(%arg17 : memref<!tpu.dma_semaphore, #tpu.memory_space<semaphore_mem>>) src(%dma_wait3A_182 : memref<1000000x64xf32, #tpu.memory_space<hbm>>) dst(%arg13 : memref<128x64xf32, #tpu.memory_space<vmem>>)
    %parallel_loop3A_183 = arith.constant 0 : i32
    %parallel_loop3A_184 = arith.constant 128 : i32
    %parallel_loop3A_185 = arith.constant 1 : i32
    scf.for %parallel_loop3A_211 = %parallel_loop3A_183 to %parallel_loop3A_184 step %parallel_loop3A_185  : i32 {
      %parallel_loop3A_212 = arith.constant 384 : i32
      %parallel_loop3A_213 = arith.addi %parallel_loop3A_212, %parallel_loop3A_211 : i32
      %parallel_loop3A_214 = vector.broadcast %parallel_loop3A_211 : i32 to vector<16xi32>
      %parallel_loop3A_215 = arith.constant 0.000000e+00 : f32
      %parallel_loop3A_216 = vector.broadcast %parallel_loop3A_215 : f32 to vector<16xf32>
      %parallel_loop3A_217 = arith.index_cast %parallel_loop3A_213 : i32 to index
      %parallel_loop3A_218 = arith.constant 0 : index
      %parallel_loop3A_219 = tpu.vector_load %arg11[%parallel_loop3A_217, %parallel_loop3A_218] {strides = array<i32>} : memref<512x64xf32, #tpu.memory_space<vmem>>, vector<16xf32>,
      %parallel_loop3A_220 = arith.index_cast %parallel_loop3A_211 : i32 to index
      %parallel_loop3A_221 = arith.constant 0 : index
      %parallel_loop3A_222 = tpu.vector_load %arg13[%parallel_loop3A_220, %parallel_loop3A_221] {strides = array<i32>} : memref<128x64xf32, #tpu.memory_space<vmem>>, vector<16xf32>,
      %parallel_loop3A_223 = arith.mulf %parallel_loop3A_219, %parallel_loop3A_222 : vector<16xf32>
      %parallel_loop3A_224 = arith.addf %parallel_loop3A_216, %parallel_loop3A_223 : vector<16xf32>
      %parallel_loop3A_225 = arith.index_cast %parallel_loop3A_213 : i32 to index
      %parallel_loop3A_226 = arith.constant 16 : index
      %parallel_loop3A_227 = tpu.vector_load %arg11[%parallel_loop3A_225, %parallel_loop3A_226] {strides = array<i32>} : memref<512x64xf32, #tpu.memory_space<vmem>>, vector<16xf32>,
      %parallel_loop3A_228 = arith.index_cast %parallel_loop3A_211 : i32 to index
      %parallel_loop3A_229 = arith.constant 16 : index
      %parallel_loop3A_230 = tpu.vector_load %arg13[%parallel_loop3A_228, %parallel_loop3A_229] {strides = array<i32>} : memref<128x64xf32, #tpu.memory_space<vmem>>, vector<16xf32>,
      %parallel_loop3A_231 = arith.mulf %parallel_loop3A_227, %parallel_loop3A_230 : vector<16xf32>
      %parallel_loop3A_232 = arith.addf %parallel_loop3A_224, %parallel_loop3A_231 : vector<16xf32>
      %parallel_loop3A_233 = arith.index_cast %parallel_loop3A_213 : i32 to index
      %parallel_loop3A_234 = arith.constant 32 : index
      %parallel_loop3A_235 = tpu.vector_load %arg11[%parallel_loop3A_233, %parallel_loop3A_234] {strides = array<i32>} : memref<512x64xf32, #tpu.memory_space<vmem>>, vector<16xf32>,
      %parallel_loop3A_236 = arith.index_cast %parallel_loop3A_211 : i32 to index
      %parallel_loop3A_237 = arith.constant 32 : index
      %parallel_loop3A_238 = tpu.vector_load %arg13[%parallel_loop3A_236, %parallel_loop3A_237] {strides = array<i32>} : memref<128x64xf32, #tpu.memory_space<vmem>>, vector<16xf32>,
      %parallel_loop3A_239 = arith.mulf %parallel_loop3A_235, %parallel_loop3A_238 : vector<16xf32>
      %parallel_loop3A_240 = arith.addf %parallel_loop3A_232, %parallel_loop3A_239 : vector<16xf32>
      %parallel_loop3A_241 = arith.index_cast %parallel_loop3A_213 : i32 to index
      %parallel_loop3A_242 = arith.constant 48 : index
      %parallel_loop3A_243 = tpu.vector_load %arg11[%parallel_loop3A_241, %parallel_loop3A_242] {strides = array<i32>} : memref<512x64xf32, #tpu.memory_space<vmem>>, vector<16xf32>,
      %parallel_loop3A_244 = arith.index_cast %parallel_loop3A_211 : i32 to index
      %parallel_loop3A_245 = arith.constant 48 : index
      %parallel_loop3A_246 = tpu.vector_load %arg13[%parallel_loop3A_244, %parallel_loop3A_245] {strides = array<i32>} : memref<128x64xf32, #tpu.memory_space<vmem>>, vector<16xf32>,
      %parallel_loop3A_247 = arith.mulf %parallel_loop3A_243, %parallel_loop3A_246 : vector<16xf32>
      %parallel_loop3A_248 = arith.addf %parallel_loop3A_240, %parallel_loop3A_247 : vector<16xf32>
      %parallel_loop3A_249 = arith.constant true
      %parallel_loop3A_250 = vector.broadcast %parallel_loop3A_249 : i1 to vector<16xi1>
      %parallel_loop3A_251 = tpu.scan <sum>, %parallel_loop3A_248 masked %parallel_loop3A_250 : vector<16xf32>, vector<16xi1> -> vector<16xf32>
      tpu.vector_store_idx %arg14[%parallel_loop3A_214], %parallel_loop3A_251 masked %eq3A_10 : memref<128xf32, #tpu.memory_space<vmem>>[vector<16xi32>], vector<16xf32>, vector<16xi1>
    } {sc.loop_unroll_factor = 4 : i64, sc.parallel_access}
    %get3A_186 = arith.constant 0 : index
    %get3A_187 = tpu.vector_load %arg15[%get3A_186] {strides = array<i32>} : memref<16xf32, #tpu.memory_space<vmem>>, vector<16xf32>,
    %scan3A_188 = arith.constant 0 : i32
    %scan3A_189 = arith.constant 8 : i32
    %scan3A_190 = arith.addi %scan3A_188, %scan3A_189 : i32
    %scan3A_191 = arith.constant 1 : i32
    %scan3A_192 = scf.for %scan3A_211 = %scan3A_188 to %scan3A_190 step %scan3A_191 iter_args(%scan3A_212 = %get3A_187) -> (vector<16xf32>)  : i32 {
      %mul3A_213 = arith.constant 16 : i32
      %mul3A_214 = arith.muli %scan3A_211, %mul3A_213 : i32
      %multiple_of3A = tpu.assume_multiple %mul3A_214, 16 : i32
      %get3A_215 = arith.index_cast %multiple_of3A : i32 to index
      %get3A_216 = tpu.vector_load %arg14[%get3A_215] {strides = array<i32>} : memref<128xf32, #tpu.memory_space<vmem>>, vector<16xf32>,
      %abs3A = math.absf %get3A_216 : vector<16xf32>
      %neg3A = arith.constant 0.000000e+00 : f32
      %neg3A_217 = vector.broadcast %neg3A : f32 to vector<16xf32>
      %neg3A_218 = arith.subf %neg3A_217, %abs3A : vector<16xf32>
      %exp3A = math.exp %neg3A_218 : vector<16xf32>
      %add3A_219 = arith.constant 2.000000e+00 : f32
      %add3A_220 = vector.broadcast %add3A_219 : f32 to vector<16xf32>
      %add3A_221 = arith.addf %exp3A, %add3A_220 : vector<16xf32>
      %div3A = arith.divf %exp3A, %add3A_221 : vector<16xf32>
      %mul3A_222 = arith.mulf %div3A, %div3A : vector<16xf32>
      %mul3A_223 = arith.constant 0.285714298 : f32
      %mul3A_224 = vector.broadcast %mul3A_223 : f32 to vector<16xf32>
      %mul3A_225 = arith.mulf %mul3A_222, %mul3A_224 : vector<16xf32>
      %add3A_226 = arith.constant 4.000000e-01 : f32
      %add3A_227 = vector.broadcast %add3A_226 : f32 to vector<16xf32>
      %add3A_228 = arith.addf %add3A_227, %mul3A_225 : vector<16xf32>
      %mul3A_229 = arith.mulf %mul3A_222, %add3A_228 : vector<16xf32>
      %add3A_230 = arith.constant 0.666666686 : f32
      %add3A_231 = vector.broadcast %add3A_230 : f32 to vector<16xf32>
      %add3A_232 = arith.addf %add3A_231, %mul3A_229 : vector<16xf32>
      %mul3A_233 = arith.mulf %mul3A_222, %add3A_232 : vector<16xf32>
      %add3A_234 = arith.constant 2.000000e+00 : f32
      %add3A_235 = vector.broadcast %add3A_234 : f32 to vector<16xf32>
      %add3A_236 = arith.addf %add3A_235, %mul3A_233 : vector<16xf32>
      %mul3A_237 = arith.mulf %div3A, %add3A_236 : vector<16xf32>
      %min3A = arith.constant 0.000000e+00 : f32
      %min3A_238 = vector.broadcast %min3A : f32 to vector<16xf32>
      %min3A_239 = arith.minimumf %get3A_216, %min3A_238 : vector<16xf32>
      %sub3A = arith.subf %min3A_239, %mul3A_237 : vector<16xf32>
      %add3A_240 = arith.addf %scan3A_212, %sub3A : vector<16xf32>
      scf.yield %add3A_240 : vector<16xf32>
    }
    %scan3A_193 = arith.constant 8 : i32
    %swap3A_194 = arith.constant 0 : index
    %swap3A_195 = tpu.vector_load %arg15[%swap3A_194] {strides = array<i32>} : memref<16xf32, #tpu.memory_space<vmem>>, vector<16xf32>,
    tpu.vector_store %arg15[%swap3A_194], %scan3A_192 {strides = array<i32>} : memref<16xf32, #tpu.memory_space<vmem>>, vector<16xf32>,
    %dma_start3A_196 = arith.constant 0 : i32
    %dma_start3A_197 = arith.constant 0 : i32
    %dma_start3A_198 = tpu.memref_slice %arg9[%dma_start3A_196, %dma_start3A_197] : memref<80x128xi32, #tpu.memory_space<vmem>> -> memref<1x128xi32, #tpu.memory_space<vmem>>
    %dma_start3A_199 = tpu.memref_squeeze %dma_start3A_198 : memref<1x128xi32, #tpu.memory_space<vmem>> -> memref<128xi32, #tpu.memory_space<vmem>>
    %dma_start3A_200 = arith.constant 0 : i32
    %dma_start3A_201 = arith.constant 0 : i32
    %dma_start3A_202 = tpu.memref_slice %arg6[%dma_start3A_200, %dma_start3A_201] : memref<1000000x64xf32, #tpu.memory_space<hbm>> -> memref<1000000x64xf32, #tpu.memory_space<hbm>>
    tpu.enqueue_indirect_dma source(%dma_start3A_202 : memref<1000000x64xf32, #tpu.memory_space<hbm>>) target(%arg12 : memref<128x64xf32, #tpu.memory_space<vmem>>) offsets(%dma_start3A_199 : memref<128xi32, #tpu.memory_space<vmem>>) semaphore(%arg16 : memref<!tpu.dma_semaphore, #tpu.memory_space<semaphore_mem>>)
    %scan3A_203 = arith.constant 0 : i32
    %scan3A_204 = arith.constant 0 : i32
    %scan3A_205 = arith.constant 40 : i32
    %scan3A_206 = arith.addi %scan3A_204, %scan3A_205 : i32
    %scan3A_207 = arith.constant 1 : i32
    scf.for %scan3A_211 = %scan3A_204 to %scan3A_206 step %scan3A_207  : i32 {
      %mul3A_212 = arith.constant 2 : i32
      %mul3A_213 = arith.muli %scan3A_211, %mul3A_212 : i32
      %add3A_214 = arith.constant 0 : i32
      %add3A_215 = arith.addi %mul3A_213, %add3A_214 : i32
      %dma_wait3A_216 = arith.constant 0 : i32
      %dma_wait3A_217 = tpu.memref_slice %arg9[%add3A_215, %dma_wait3A_216] : memref<80x128xi32, #tpu.memory_space<vmem>> -> memref<1x128xi32, #tpu.memory_space<vmem>>
      %dma_wait3A_218 = tpu.memref_squeeze %dma_wait3A_217 : memref<1x128xi32, #tpu.memory_space<vmem>> -> memref<128xi32, #tpu.memory_space<vmem>>
      %dma_wait3A_219 = arith.constant 0 : i32
      %dma_wait3A_220 = arith.constant 0 : i32
      %dma_wait3A_221 = tpu.memref_slice %arg6[%dma_wait3A_219, %dma_wait3A_220] : memref<1000000x64xf32, #tpu.memory_space<hbm>> -> memref<1000000x64xf32, #tpu.memory_space<hbm>>
      tpu.wait_indirect_dma semaphore(%arg16 : memref<!tpu.dma_semaphore, #tpu.memory_space<semaphore_mem>>) src(%dma_wait3A_221 : memref<1000000x64xf32, #tpu.memory_space<hbm>>) dst(%arg12 : memref<128x64xf32, #tpu.memory_space<vmem>>)
      %add3A_222 = arith.constant 1 : i32
      %add3A_223 = arith.addi %add3A_215, %add3A_222 : i32
      %lt3A = arith.constant 80 : i32
      %lt3A_224 = arith.cmpi slt, %add3A_223, %lt3A : i32
      %convert_element_type3A = arith.extui %lt3A_224 : i1 to i32
      %cond3A = arith.constant 0 : i32
      %cond3A_225 = arith.cmpi ne, %convert_element_type3A, %cond3A : i32
      scf.if %cond3A_225 {
        %add3A_267 = arith.constant 1 : i32
        %add3A_268 = arith.addi %add3A_215, %add3A_267 : i32
        %dma_start3A_269 = arith.constant 0 : i32
        %dma_start3A_270 = tpu.memref_slice %arg9[%add3A_268, %dma_start3A_269] : memref<80x128xi32, #tpu.memory_space<vmem>> -> memref<1x128xi32, #tpu.memory_space<vmem>>
        %dma_start3A_271 = tpu.memref_squeeze %dma_start3A_270 : memref<1x128xi32, #tpu.memory_space<vmem>> -> memref<128xi32, #tpu.memory_space<vmem>>
        %dma_start3A_272 = arith.constant 0 : i32
        %dma_start3A_273 = arith.constant 0 : i32
        %dma_start3A_274 = tpu.memref_slice %arg6[%dma_start3A_272, %dma_start3A_273] : memref<1000000x64xf32, #tpu.memory_space<hbm>> -> memref<1000000x64xf32, #tpu.memory_space<hbm>>
        tpu.enqueue_indirect_dma source(%dma_start3A_274 : memref<1000000x64xf32, #tpu.memory_space<hbm>>) target(%arg13 : memref<128x64xf32, #tpu.memory_space<vmem>>) offsets(%dma_start3A_271 : memref<128xi32, #tpu.memory_space<vmem>>) semaphore(%arg17 : memref<!tpu.dma_semaphore, #tpu.memory_space<semaphore_mem>>)
      } else {
      }
      %parallel_loop3A_226 = arith.constant 0 : i32
      %parallel_loop3A_227 = arith.constant 128 : i32
      %parallel_loop3A_228 = arith.constant 1 : i32
      scf.for %parallel_loop3A_267 = %parallel_loop3A_226 to %parallel_loop3A_227 step %parallel_loop3A_228  : i32 {
        %parallel_loop3A_268 = arith.constant 128 : i32
        %parallel_loop3A_269 = arith.muli %add3A_215, %parallel_loop3A_268 : i32
        %parallel_loop3A_270 = arith.addi %parallel_loop3A_269, %parallel_loop3A_267 : i32
        %parallel_loop3A_271 = vector.broadcast %parallel_loop3A_267 : i32 to vector<16xi32>
        %parallel_loop3A_272 = vector.broadcast %parallel_loop3A_270 : i32 to vector<16xi32>
        %parallel_loop3A_273 = tpu.vector_load_idx %arg10[%parallel_loop3A_272] : memref<10240xi32, #tpu.memory_space<vmem>>[vector<16xi32>], vector<16xi32>,
        %parallel_loop3A_274 = arith.constant 0.000000e+00 : f32
        %parallel_loop3A_275 = vector.broadcast %parallel_loop3A_274 : f32 to vector<16xf32>
        %parallel_loop3A_276 = arith.constant 0 : i32
        %parallel_loop3A_277 = vector.broadcast %parallel_loop3A_276 : i32 to vector<16xi32>
        %parallel_loop3A_278 = arith.addi %iota3A, %parallel_loop3A_277 : vector<16xi32>
        %parallel_loop3A_279 = tpu.vector_load_idx %arg11[%parallel_loop3A_273, %parallel_loop3A_278] : memref<512x64xf32, #tpu.memory_space<vmem>>[vector<16xi32>, vector<16xi32>], vector<16xf32>,
        %parallel_loop3A_280 = arith.index_cast %parallel_loop3A_267 : i32 to index
        %parallel_loop3A_281 = arith.constant 0 : index
        %parallel_loop3A_282 = tpu.vector_load %arg12[%parallel_loop3A_280, %parallel_loop3A_281] {strides = array<i32>} : memref<128x64xf32, #tpu.memory_space<vmem>>, vector<16xf32>,
        %parallel_loop3A_283 = arith.mulf %parallel_loop3A_279, %parallel_loop3A_282 : vector<16xf32>
        %parallel_loop3A_284 = arith.addf %parallel_loop3A_275, %parallel_loop3A_283 : vector<16xf32>
        %parallel_loop3A_285 = arith.constant 16 : i32
        %parallel_loop3A_286 = vector.broadcast %parallel_loop3A_285 : i32 to vector<16xi32>
        %parallel_loop3A_287 = arith.addi %iota3A, %parallel_loop3A_286 : vector<16xi32>
        %parallel_loop3A_288 = tpu.vector_load_idx %arg11[%parallel_loop3A_273, %parallel_loop3A_287] : memref<512x64xf32, #tpu.memory_space<vmem>>[vector<16xi32>, vector<16xi32>], vector<16xf32>,
        %parallel_loop3A_289 = arith.index_cast %parallel_loop3A_267 : i32 to index
        %parallel_loop3A_290 = arith.constant 16 : index
        %parallel_loop3A_291 = tpu.vector_load %arg12[%parallel_loop3A_289, %parallel_loop3A_290] {strides = array<i32>} : memref<128x64xf32, #tpu.memory_space<vmem>>, vector<16xf32>,
        %parallel_loop3A_292 = arith.mulf %parallel_loop3A_288, %parallel_loop3A_291 : vector<16xf32>
        %parallel_loop3A_293 = arith.addf %parallel_loop3A_284, %parallel_loop3A_292 : vector<16xf32>
        %parallel_loop3A_294 = arith.constant 32 : i32
        %parallel_loop3A_295 = vector.broadcast %parallel_loop3A_294 : i32 to vector<16xi32>
        %parallel_loop3A_296 = arith.addi %iota3A, %parallel_loop3A_295 : vector<16xi32>
        %parallel_loop3A_297 = tpu.vector_load_idx %arg11[%parallel_loop3A_273, %parallel_loop3A_296] : memref<512x64xf32, #tpu.memory_space<vmem>>[vector<16xi32>, vector<16xi32>], vector<16xf32>,
        %parallel_loop3A_298 = arith.index_cast %parallel_loop3A_267 : i32 to index
        %parallel_loop3A_299 = arith.constant 32 : index
        %parallel_loop3A_300 = tpu.vector_load %arg12[%parallel_loop3A_298, %parallel_loop3A_299] {strides = array<i32>} : memref<128x64xf32, #tpu.memory_space<vmem>>, vector<16xf32>,
        %parallel_loop3A_301 = arith.mulf %parallel_loop3A_297, %parallel_loop3A_300 : vector<16xf32>
        %parallel_loop3A_302 = arith.addf %parallel_loop3A_293, %parallel_loop3A_301 : vector<16xf32>
        %parallel_loop3A_303 = arith.constant 48 : i32
        %parallel_loop3A_304 = vector.broadcast %parallel_loop3A_303 : i32 to vector<16xi32>
        %parallel_loop3A_305 = arith.addi %iota3A, %parallel_loop3A_304 : vector<16xi32>
        %parallel_loop3A_306 = tpu.vector_load_idx %arg11[%parallel_loop3A_273, %parallel_loop3A_305] : memref<512x64xf32, #tpu.memory_space<vmem>>[vector<16xi32>, vector<16xi32>], vector<16xf32>,
        %parallel_loop3A_307 = arith.index_cast %parallel_loop3A_267 : i32 to index
        %parallel_loop3A_308 = arith.constant 48 : index
        %parallel_loop3A_309 = tpu.vector_load %arg12[%parallel_loop3A_307, %parallel_loop3A_308] {strides = array<i32>} : memref<128x64xf32, #tpu.memory_space<vmem>>, vector<16xf32>,
        %parallel_loop3A_310 = arith.mulf %parallel_loop3A_306, %parallel_loop3A_309 : vector<16xf32>
        %parallel_loop3A_311 = arith.addf %parallel_loop3A_302, %parallel_loop3A_310 : vector<16xf32>
        %parallel_loop3A_312 = arith.constant true
        %parallel_loop3A_313 = vector.broadcast %parallel_loop3A_312 : i1 to vector<16xi1>
        %parallel_loop3A_314 = tpu.scan <sum>, %parallel_loop3A_311 masked %parallel_loop3A_313 : vector<16xf32>, vector<16xi1> -> vector<16xf32>
        %parallel_loop3A_315 = arith.constant 0.000000e+00 : f32
        %parallel_loop3A_316 = vector.broadcast %parallel_loop3A_315 : f32 to vector<16xf32>
        %parallel_loop3A_317 = arith.subf %parallel_loop3A_316, %parallel_loop3A_314 : vector<16xf32>
        tpu.vector_store_idx %arg14[%parallel_loop3A_271], %parallel_loop3A_317 masked %eq3A_10 : memref<128xf32, #tpu.memory_space<vmem>>[vector<16xi32>], vector<16xf32>, vector<16xi1>
      } {sc.loop_unroll_factor = 4 : i64, sc.parallel_access}
      %get3A_229 = arith.constant 0 : index
      %get3A_230 = tpu.vector_load %arg15[%get3A_229] {strides = array<i32>} : memref<16xf32, #tpu.memory_space<vmem>>, vector<16xf32>,
      %scan3A_231 = arith.constant 0 : i32
      %scan3A_232 = arith.constant 8 : i32
      %scan3A_233 = arith.addi %scan3A_231, %scan3A_232 : i32
      %scan3A_234 = arith.constant 1 : i32
      %scan3A_235 = scf.for %scan3A_267 = %scan3A_231 to %scan3A_233 step %scan3A_234 iter_args(%scan3A_268 = %get3A_230) -> (vector<16xf32>)  : i32 {
        %mul3A_269 = arith.constant 16 : i32
        %mul3A_270 = arith.muli %scan3A_267, %mul3A_269 : i32
        %multiple_of3A = tpu.assume_multiple %mul3A_270, 16 : i32
        %get3A_271 = arith.index_cast %multiple_of3A : i32 to index
        %get3A_272 = tpu.vector_load %arg14[%get3A_271] {strides = array<i32>} : memref<128xf32, #tpu.memory_space<vmem>>, vector<16xf32>,
        %abs3A = math.absf %get3A_272 : vector<16xf32>
        %neg3A = arith.constant 0.000000e+00 : f32
        %neg3A_273 = vector.broadcast %neg3A : f32 to vector<16xf32>
        %neg3A_274 = arith.subf %neg3A_273, %abs3A : vector<16xf32>
        %exp3A = math.exp %neg3A_274 : vector<16xf32>
        %add3A_275 = arith.constant 2.000000e+00 : f32
        %add3A_276 = vector.broadcast %add3A_275 : f32 to vector<16xf32>
        %add3A_277 = arith.addf %exp3A, %add3A_276 : vector<16xf32>
        %div3A = arith.divf %exp3A, %add3A_277 : vector<16xf32>
        %mul3A_278 = arith.mulf %div3A, %div3A : vector<16xf32>
        %mul3A_279 = arith.constant 0.285714298 : f32
        %mul3A_280 = vector.broadcast %mul3A_279 : f32 to vector<16xf32>
        %mul3A_281 = arith.mulf %mul3A_278, %mul3A_280 : vector<16xf32>
        %add3A_282 = arith.constant 4.000000e-01 : f32
        %add3A_283 = vector.broadcast %add3A_282 : f32 to vector<16xf32>
        %add3A_284 = arith.addf %add3A_283, %mul3A_281 : vector<16xf32>
        %mul3A_285 = arith.mulf %mul3A_278, %add3A_284 : vector<16xf32>
        %add3A_286 = arith.constant 0.666666686 : f32
        %add3A_287 = vector.broadcast %add3A_286 : f32 to vector<16xf32>
        %add3A_288 = arith.addf %add3A_287, %mul3A_285 : vector<16xf32>
        %mul3A_289 = arith.mulf %mul3A_278, %add3A_288 : vector<16xf32>
        %add3A_290 = arith.constant 2.000000e+00 : f32
        %add3A_291 = vector.broadcast %add3A_290 : f32 to vector<16xf32>
        %add3A_292 = arith.addf %add3A_291, %mul3A_289 : vector<16xf32>
        %mul3A_293 = arith.mulf %div3A, %add3A_292 : vector<16xf32>
        %min3A = arith.constant 0.000000e+00 : f32
        %min3A_294 = vector.broadcast %min3A : f32 to vector<16xf32>
        %min3A_295 = arith.minimumf %get3A_272, %min3A_294 : vector<16xf32>
        %sub3A = arith.subf %min3A_295, %mul3A_293 : vector<16xf32>
        %add3A_296 = arith.addf %scan3A_268, %sub3A : vector<16xf32>
        scf.yield %add3A_296 : vector<16xf32>
      }
      %scan3A_236 = arith.constant 8 : i32
      %swap3A_237 = arith.constant 0 : index
      %swap3A_238 = tpu.vector_load %arg15[%swap3A_237] {strides = array<i32>} : memref<16xf32, #tpu.memory_space<vmem>>, vector<16xf32>,
      tpu.vector_store %arg15[%swap3A_237], %scan3A_235 {strides = array<i32>} : memref<16xf32, #tpu.memory_space<vmem>>, vector<16xf32>,
      %add3A_239 = arith.constant 1 : i32
      %add3A_240 = arith.addi %mul3A_213, %add3A_239 : i32
      %dma_wait3A_241 = arith.constant 0 : i32
      %dma_wait3A_242 = tpu.memref_slice %arg9[%add3A_240, %dma_wait3A_241] : memref<80x128xi32, #tpu.memory_space<vmem>> -> memref<1x128xi32, #tpu.memory_space<vmem>>
      %dma_wait3A_243 = tpu.memref_squeeze %dma_wait3A_242 : memref<1x128xi32, #tpu.memory_space<vmem>> -> memref<128xi32, #tpu.memory_space<vmem>>
      %dma_wait3A_244 = arith.constant 0 : i32
      %dma_wait3A_245 = arith.constant 0 : i32
      %dma_wait3A_246 = tpu.memref_slice %arg6[%dma_wait3A_244, %dma_wait3A_245] : memref<1000000x64xf32, #tpu.memory_space<hbm>> -> memref<1000000x64xf32, #tpu.memory_space<hbm>>
      tpu.wait_indirect_dma semaphore(%arg17 : memref<!tpu.dma_semaphore, #tpu.memory_space<semaphore_mem>>) src(%dma_wait3A_246 : memref<1000000x64xf32, #tpu.memory_space<hbm>>) dst(%arg13 : memref<128x64xf32, #tpu.memory_space<vmem>>)
      %add3A_247 = arith.constant 1 : i32
      %add3A_248 = arith.addi %add3A_240, %add3A_247 : i32
      %lt3A_249 = arith.constant 80 : i32
      %lt3A_250 = arith.cmpi slt, %add3A_248, %lt3A_249 : i32
      %convert_element_type3A_251 = arith.extui %lt3A_250 : i1 to i32
      %cond3A_252 = arith.constant 0 : i32
      %cond3A_253 = arith.cmpi ne, %convert_element_type3A_251, %cond3A_252 : i32
      scf.if %cond3A_253 {
        %add3A_267 = arith.constant 1 : i32
        %add3A_268 = arith.addi %add3A_240, %add3A_267 : i32
        %dma_start3A_269 = arith.constant 0 : i32
        %dma_start3A_270 = tpu.memref_slice %arg9[%add3A_268, %dma_start3A_269] : memref<80x128xi32, #tpu.memory_space<vmem>> -> memref<1x128xi32, #tpu.memory_space<vmem>>
        %dma_start3A_271 = tpu.memref_squeeze %dma_start3A_270 : memref<1x128xi32, #tpu.memory_space<vmem>> -> memref<128xi32, #tpu.memory_space<vmem>>
        %dma_start3A_272 = arith.constant 0 : i32
        %dma_start3A_273 = arith.constant 0 : i32
        %dma_start3A_274 = tpu.memref_slice %arg6[%dma_start3A_272, %dma_start3A_273] : memref<1000000x64xf32, #tpu.memory_space<hbm>> -> memref<1000000x64xf32, #tpu.memory_space<hbm>>
        tpu.enqueue_indirect_dma source(%dma_start3A_274 : memref<1000000x64xf32, #tpu.memory_space<hbm>>) target(%arg12 : memref<128x64xf32, #tpu.memory_space<vmem>>) offsets(%dma_start3A_271 : memref<128xi32, #tpu.memory_space<vmem>>) semaphore(%arg16 : memref<!tpu.dma_semaphore, #tpu.memory_space<semaphore_mem>>)
      } else {
      }
      %parallel_loop3A_254 = arith.constant 0 : i32
      %parallel_loop3A_255 = arith.constant 128 : i32
      %parallel_loop3A_256 = arith.constant 1 : i32
      scf.for %parallel_loop3A_267 = %parallel_loop3A_254 to %parallel_loop3A_255 step %parallel_loop3A_256  : i32 {
        %parallel_loop3A_268 = arith.constant 128 : i32
        %parallel_loop3A_269 = arith.muli %add3A_240, %parallel_loop3A_268 : i32
        %parallel_loop3A_270 = arith.addi %parallel_loop3A_269, %parallel_loop3A_267 : i32
        %parallel_loop3A_271 = vector.broadcast %parallel_loop3A_267 : i32 to vector<16xi32>
        %parallel_loop3A_272 = vector.broadcast %parallel_loop3A_270 : i32 to vector<16xi32>
        %parallel_loop3A_273 = tpu.vector_load_idx %arg10[%parallel_loop3A_272] : memref<10240xi32, #tpu.memory_space<vmem>>[vector<16xi32>], vector<16xi32>,
        %parallel_loop3A_274 = arith.constant 0.000000e+00 : f32
        %parallel_loop3A_275 = vector.broadcast %parallel_loop3A_274 : f32 to vector<16xf32>
        %parallel_loop3A_276 = arith.constant 0 : i32
        %parallel_loop3A_277 = vector.broadcast %parallel_loop3A_276 : i32 to vector<16xi32>
        %parallel_loop3A_278 = arith.addi %iota3A, %parallel_loop3A_277 : vector<16xi32>
        %parallel_loop3A_279 = tpu.vector_load_idx %arg11[%parallel_loop3A_273, %parallel_loop3A_278] : memref<512x64xf32, #tpu.memory_space<vmem>>[vector<16xi32>, vector<16xi32>], vector<16xf32>,
        %parallel_loop3A_280 = arith.index_cast %parallel_loop3A_267 : i32 to index
        %parallel_loop3A_281 = arith.constant 0 : index
        %parallel_loop3A_282 = tpu.vector_load %arg13[%parallel_loop3A_280, %parallel_loop3A_281] {strides = array<i32>} : memref<128x64xf32, #tpu.memory_space<vmem>>, vector<16xf32>,
        %parallel_loop3A_283 = arith.mulf %parallel_loop3A_279, %parallel_loop3A_282 : vector<16xf32>
        %parallel_loop3A_284 = arith.addf %parallel_loop3A_275, %parallel_loop3A_283 : vector<16xf32>
        %parallel_loop3A_285 = arith.constant 16 : i32
        %parallel_loop3A_286 = vector.broadcast %parallel_loop3A_285 : i32 to vector<16xi32>
        %parallel_loop3A_287 = arith.addi %iota3A, %parallel_loop3A_286 : vector<16xi32>
        %parallel_loop3A_288 = tpu.vector_load_idx %arg11[%parallel_loop3A_273, %parallel_loop3A_287] : memref<512x64xf32, #tpu.memory_space<vmem>>[vector<16xi32>, vector<16xi32>], vector<16xf32>,
        %parallel_loop3A_289 = arith.index_cast %parallel_loop3A_267 : i32 to index
        %parallel_loop3A_290 = arith.constant 16 : index
        %parallel_loop3A_291 = tpu.vector_load %arg13[%parallel_loop3A_289, %parallel_loop3A_290] {strides = array<i32>} : memref<128x64xf32, #tpu.memory_space<vmem>>, vector<16xf32>,
        %parallel_loop3A_292 = arith.mulf %parallel_loop3A_288, %parallel_loop3A_291 : vector<16xf32>
        %parallel_loop3A_293 = arith.addf %parallel_loop3A_284, %parallel_loop3A_292 : vector<16xf32>
        %parallel_loop3A_294 = arith.constant 32 : i32
        %parallel_loop3A_295 = vector.broadcast %parallel_loop3A_294 : i32 to vector<16xi32>
        %parallel_loop3A_296 = arith.addi %iota3A, %parallel_loop3A_295 : vector<16xi32>
        %parallel_loop3A_297 = tpu.vector_load_idx %arg11[%parallel_loop3A_273, %parallel_loop3A_296] : memref<512x64xf32, #tpu.memory_space<vmem>>[vector<16xi32>, vector<16xi32>], vector<16xf32>,
        %parallel_loop3A_298 = arith.index_cast %parallel_loop3A_267 : i32 to index
        %parallel_loop3A_299 = arith.constant 32 : index
        %parallel_loop3A_300 = tpu.vector_load %arg13[%parallel_loop3A_298, %parallel_loop3A_299] {strides = array<i32>} : memref<128x64xf32, #tpu.memory_space<vmem>>, vector<16xf32>,
        %parallel_loop3A_301 = arith.mulf %parallel_loop3A_297, %parallel_loop3A_300 : vector<16xf32>
        %parallel_loop3A_302 = arith.addf %parallel_loop3A_293, %parallel_loop3A_301 : vector<16xf32>
        %parallel_loop3A_303 = arith.constant 48 : i32
        %parallel_loop3A_304 = vector.broadcast %parallel_loop3A_303 : i32 to vector<16xi32>
        %parallel_loop3A_305 = arith.addi %iota3A, %parallel_loop3A_304 : vector<16xi32>
        %parallel_loop3A_306 = tpu.vector_load_idx %arg11[%parallel_loop3A_273, %parallel_loop3A_305] : memref<512x64xf32, #tpu.memory_space<vmem>>[vector<16xi32>, vector<16xi32>], vector<16xf32>,
        %parallel_loop3A_307 = arith.index_cast %parallel_loop3A_267 : i32 to index
        %parallel_loop3A_308 = arith.constant 48 : index
        %parallel_loop3A_309 = tpu.vector_load %arg13[%parallel_loop3A_307, %parallel_loop3A_308] {strides = array<i32>} : memref<128x64xf32, #tpu.memory_space<vmem>>, vector<16xf32>,
        %parallel_loop3A_310 = arith.mulf %parallel_loop3A_306, %parallel_loop3A_309 : vector<16xf32>
        %parallel_loop3A_311 = arith.addf %parallel_loop3A_302, %parallel_loop3A_310 : vector<16xf32>
        %parallel_loop3A_312 = arith.constant true
        %parallel_loop3A_313 = vector.broadcast %parallel_loop3A_312 : i1 to vector<16xi1>
        %parallel_loop3A_314 = tpu.scan <sum>, %parallel_loop3A_311 masked %parallel_loop3A_313 : vector<16xf32>, vector<16xi1> -> vector<16xf32>
        %parallel_loop3A_315 = arith.constant 0.000000e+00 : f32
        %parallel_loop3A_316 = vector.broadcast %parallel_loop3A_315 : f32 to vector<16xf32>
        %parallel_loop3A_317 = arith.subf %parallel_loop3A_316, %parallel_loop3A_314 : vector<16xf32>
        tpu.vector_store_idx %arg14[%parallel_loop3A_271], %parallel_loop3A_317 masked %eq3A_10 : memref<128xf32, #tpu.memory_space<vmem>>[vector<16xi32>], vector<16xf32>, vector<16xi1>
      } {sc.loop_unroll_factor = 4 : i64, sc.parallel_access}
      %get3A_257 = arith.constant 0 : index
      %get3A_258 = tpu.vector_load %arg15[%get3A_257] {strides = array<i32>} : memref<16xf32, #tpu.memory_space<vmem>>, vector<16xf32>,
      %scan3A_259 = arith.constant 0 : i32
      %scan3A_260 = arith.constant 8 : i32
      %scan3A_261 = arith.addi %scan3A_259, %scan3A_260 : i32
      %scan3A_262 = arith.constant 1 : i32
      %scan3A_263 = scf.for %scan3A_267 = %scan3A_259 to %scan3A_261 step %scan3A_262 iter_args(%scan3A_268 = %get3A_258) -> (vector<16xf32>)  : i32 {
        %mul3A_269 = arith.constant 16 : i32
        %mul3A_270 = arith.muli %scan3A_267, %mul3A_269 : i32
        %multiple_of3A = tpu.assume_multiple %mul3A_270, 16 : i32
        %get3A_271 = arith.index_cast %multiple_of3A : i32 to index
        %get3A_272 = tpu.vector_load %arg14[%get3A_271] {strides = array<i32>} : memref<128xf32, #tpu.memory_space<vmem>>, vector<16xf32>,
        %abs3A = math.absf %get3A_272 : vector<16xf32>
        %neg3A = arith.constant 0.000000e+00 : f32
        %neg3A_273 = vector.broadcast %neg3A : f32 to vector<16xf32>
        %neg3A_274 = arith.subf %neg3A_273, %abs3A : vector<16xf32>
        %exp3A = math.exp %neg3A_274 : vector<16xf32>
        %add3A_275 = arith.constant 2.000000e+00 : f32
        %add3A_276 = vector.broadcast %add3A_275 : f32 to vector<16xf32>
        %add3A_277 = arith.addf %exp3A, %add3A_276 : vector<16xf32>
        %div3A = arith.divf %exp3A, %add3A_277 : vector<16xf32>
        %mul3A_278 = arith.mulf %div3A, %div3A : vector<16xf32>
        %mul3A_279 = arith.constant 0.285714298 : f32
        %mul3A_280 = vector.broadcast %mul3A_279 : f32 to vector<16xf32>
        %mul3A_281 = arith.mulf %mul3A_278, %mul3A_280 : vector<16xf32>
        %add3A_282 = arith.constant 4.000000e-01 : f32
        %add3A_283 = vector.broadcast %add3A_282 : f32 to vector<16xf32>
        %add3A_284 = arith.addf %add3A_283, %mul3A_281 : vector<16xf32>
        %mul3A_285 = arith.mulf %mul3A_278, %add3A_284 : vector<16xf32>
        %add3A_286 = arith.constant 0.666666686 : f32
        %add3A_287 = vector.broadcast %add3A_286 : f32 to vector<16xf32>
        %add3A_288 = arith.addf %add3A_287, %mul3A_285 : vector<16xf32>
        %mul3A_289 = arith.mulf %mul3A_278, %add3A_288 : vector<16xf32>
        %add3A_290 = arith.constant 2.000000e+00 : f32
        %add3A_291 = vector.broadcast %add3A_290 : f32 to vector<16xf32>
        %add3A_292 = arith.addf %add3A_291, %mul3A_289 : vector<16xf32>
        %mul3A_293 = arith.mulf %div3A, %add3A_292 : vector<16xf32>
        %min3A = arith.constant 0.000000e+00 : f32
        %min3A_294 = vector.broadcast %min3A : f32 to vector<16xf32>
        %min3A_295 = arith.minimumf %get3A_272, %min3A_294 : vector<16xf32>
        %sub3A = arith.subf %min3A_295, %mul3A_293 : vector<16xf32>
        %add3A_296 = arith.addf %scan3A_268, %sub3A : vector<16xf32>
        scf.yield %add3A_296 : vector<16xf32>
      }
      %scan3A_264 = arith.constant 8 : i32
      %swap3A_265 = arith.constant 0 : index
      %swap3A_266 = tpu.vector_load %arg15[%swap3A_265] {strides = array<i32>} : memref<16xf32, #tpu.memory_space<vmem>>, vector<16xf32>,
      tpu.vector_store %arg15[%swap3A_265], %scan3A_263 {strides = array<i32>} : memref<16xf32, #tpu.memory_space<vmem>>, vector<16xf32>,
    }
    %scan3A_208 = arith.constant 40 : i32
    %mul3A_209 = arith.constant 16 : i32
    %mul3A_210 = arith.muli %add3A, %mul3A_209 : i32
    "tpu.region"() ({
      %run_scoped3A = tpu.sem_alloc : memref<!tpu.dma_semaphore, #tpu.memory_space<semaphore_mem>>
      %dma_start3A_211 = tpu.memref_slice %arg7[%mul3A_210] : memref<512xf32, #tpu.memory_space<hbm>> -> memref<16xf32, #tpu.memory_space<hbm>>
      %dma_start3A_212 = tpu.memref_slice %arg7[%mul3A_210] : memref<512xf32, #tpu.memory_space<hbm>> -> memref<16xf32, #tpu.memory_space<hbm>>
      tpu.enqueue_dma source(%arg15 : memref<16xf32, #tpu.memory_space<vmem>>) target(%dma_start3A_212 : memref<16xf32, #tpu.memory_space<hbm>>) target_semaphore(%run_scoped3A : memref<!tpu.dma_semaphore, #tpu.memory_space<semaphore_mem>>)
      %dma_wait3A_213 = tpu.memref_slice %arg7[%mul3A_210] : memref<512xf32, #tpu.memory_space<hbm>> -> memref<16xf32, #tpu.memory_space<hbm>>
      %dma_wait3A_214 = tpu.memref_slice %arg7[%mul3A_210] : memref<512xf32, #tpu.memory_space<hbm>> -> memref<16xf32, #tpu.memory_space<hbm>>
      tpu.wait_dma2 semaphore(%run_scoped3A : memref<!tpu.dma_semaphore, #tpu.memory_space<semaphore_mem>>) src(%arg15 : memref<16xf32, #tpu.memory_space<vmem>>) dst(%dma_wait3A_214 : memref<16xf32, #tpu.memory_space<hbm>>)
      tpu.yield
    }) : () -> ()
    return
  }
}

module attributes {stable_mosaic.version = 14 : i64} {
  func.func @_finish_body(%arg0: memref<32x16xf32, #tpu.memory_space<vmem>>, %arg1: memref<1x1xf32, #tpu.memory_space<vmem>>) attributes {dimension_semantics = [], scalar_prefetch = 0 : i64, scratch_operands = 0 : i64, tpu.core_type = #tpu.core_type<tc>} {
    %get3A = arith.constant 0 : index
    %get3A_0 = arith.constant 0 : index
    %get3A_1 = vector.load %arg0[%get3A, %get3A_0] : memref<32x16xf32, #tpu.memory_space<vmem>>, vector<32x16xf32>
    %reduce_sum3A = vector.shape_cast %get3A_1 : vector<32x16xf32> to vector<1x32x16xf32>
    %reduce_sum3A_2 = arith.constant dense<0.000000e+00> : vector<1xf32>
    %reduce_sum3A_3 = vector.multi_reduction <add>, %reduce_sum3A, %reduce_sum3A_2 [1, 2] : vector<1x32x16xf32> to vector<1xf32>
    %reduce_sum3A_4 = vector.shape_cast %reduce_sum3A_3 : vector<1xf32> to vector<1x1x1xf32>
    %reduce_sum3A_5 = vector.extract %reduce_sum3A_4[0, 0, 0] : f32 from vector<1x1x1xf32>
    %neg3A = arith.constant 0.000000e+00 : f32
    %neg3A_6 = arith.subf %neg3A, %reduce_sum3A_5 : f32
    %mul3A = arith.constant 6.10351563E-5 : f32
    %mul3A_7 = arith.mulf %neg3A_6, %mul3A : f32
    %reshape3A = vector.broadcast %mul3A_7 : f32 to vector<1x1xf32>
    %swap3A = arith.constant 0 : index
    %swap3A_8 = arith.constant 0 : index
    %swap3A_9 = vector.load %arg1[%swap3A, %swap3A_8] : memref<1x1xf32, #tpu.memory_space<vmem>>, vector<1x1xf32>
    tpu.vector_store %arg1[%swap3A, %swap3A_8], %reshape3A {strides = array<i32>} : memref<1x1xf32, #tpu.memory_space<vmem>>, vector<1x1xf32>,
    return
  }
}

</mosaic_0001>

<sc_bundles>
// kernel: kernel.4.cloned.1.call-start
scs
__scs_entry_jumppad:
0x0: {  	(pc) =	sbr.rel $0x88, $3  }
0x1: {  	(tag) =	ssettag $0x0;
	lr =	simm.s32 $0x1  }
0x2: {  	[smem:$0x3F9C] =	sst lr;
	_ =	strace $0xD0000000  }
0x3: {  	_ = 	snop  }
0x4: {  	_ = 	snop  }
0x5: {  	_ = 	snop  }
0x6: {  	_ = 	snop  }
0x7: {  	_ = 	snop  }
__scs_overlays_trampoline_lowered:
0x8: {  	[smem:$0x3FAB] =	sst s0  }
0x9: {  	[smem:$0x3FAC] =	sst s1  }
0xa: {  	[smem:$0x3FAD] =	sst s2  }
0xb: {  	[smem:$0x3FAE] =	sst s3  }
0xc: {  	[smem:$0x3FAF] =	sst s4  }
0xd: {  	[smem:$0x3FB0] =	sst s5  }
0xe: {  	[smem:$0x3FB1] =	sst s6  }
0xf: {  	[smem:$0x3FB2] =	sst s7  }
0x10: {  	[smem:$0x3FB3] =	sst s8  }
0x11: {  	[smem:$0x3FB4] =	sst s9;
	s0 =	simm.s32 @!p0 $0x0  }
0x12: {  	s1 =	sld [smem:$0x3F9A];
	s0 =	simm.s32 @p0 $0x1  }
0x13: {  	[smem:$0x3FB5] =	sst s0;
	s0 =	simm.s32 @!p1 $0x0  }
0x14: {  	s2 =	sld [smem:$0x3F99];
	s0 =	simm.s32 @p1 $0x1  }
0x15: {  	[smem:$0x3FB6] =	sst s0;
	s0 =	simm.s32 @!p2 $0x0  }
0x16: {  	s3 =	sld [smem:$0x3FDB];
	s0 =	simm.s32 @p2 $0x1  }
0x17: {  	s4 =	simm.s32 $0x1BF5;
	[smem:$0x3FB8] =	sst s0  }
0x18: {  	s0 =	sld [smem:$0x3F9B];
	_ =	swait.ge [sflag:s4], $0x0  }
0x19: {  	s7 =	sld [smem:$0x3F9C]  }
0x1a: {  	s8 =	sadd.s32 $0xFFFFE003, lr  }
0x1b: {  	s9 =	sadd.s32 $0xFFFFFEF7, lr;
	s5 =	simm.s32 $0xFFFFFFFF;
	p2 =	slt.u32 s8, $0xFFFFF086  }
0x1c: {  	p1 =	slt.u32 s9, $0xF7A;
	s5 =	simm.s32 @!p2 $0x0  }
0x1d: {  	s5 =	simm.s32 @p1 $0x1;
	p0 =	seq.s32 s7, s2  }
0x1e: {  	s7 =	smul.u32 @!p0 $0xF7A, s2;
	p2 =	seq.s32 @!p0 s5, $0x0  }
0x1f: {  	s9 =	smul.u32 $0xF7A, s1;
	s8 =	simm.s32 @!p0 $0x1BF5;
	p2 =	por !p2, p0  }
0x20: {  	[sflag:s8] =	ssyncset.s32 @!p0 $0xFFFFF086;
	s6 =	sadd.s32 @!p0 s3, s7;
	s7 =	simm.s32 @!p0 $0x108  }
0x21: {  	s3 =	sadd.s32 s3, s9;
	s6 =	sadd.s32 @!p0 $0x88, s6;
	s7 =	simm.s32 @p2 $0x1082  }
0x22: {  	[simem:s7], [sflag:s8] =	dma.local @!p0 [hbm:s6], $0xF7A  }
0x23: {  	s9 =	sor.u32 $0xD0000000, s2;
	s6 =	simm.s32 $0x108;
	_ =	swait.ge @!p0 [sflag:s8], $0x0  }
0x24: {  	s3 =	sadd.s32 $0x88, s3;
	s6 =	simm.s32 @!p1 $0x1082;
	[sflag:s4] =	ssyncset.s32 $0xFFFFF086  }
0x25: {  	[simem:s6], [sflag:s4] =	dma.local [hbm:s3], $0xF7A  }
0x26: {  	[smem:$0x3F9C] =	sst s1;
	(tag) =	ssettag s2;
	_ =	strace s9  }
0x27: {  	s1 =	sld [smem:$0x3FAC]  }
0x28: {  	s2 =	sld [smem:$0x3FAD]  }
0x29: {  	s4 =	sld [smem:$0x3FAF]  }
0x2a: {  	p0 =	seq.s32 s5, $0x0;
	s5 =	sld [smem:$0x3FB0]  }
0x2b: {  	s6 =	sld [smem:$0x3FB1]  }
0x2c: {  	s7 =	sld [smem:$0x3FB2]  }
0x2d: {  	s3 =	simm.s32 $0x108;
	s8 =	sld [smem:$0x3FB3]  }
0x2e: {  	s3 =	simm.s32 @!p0 $0x1082;
	s9 =	sld [smem:$0x3FB4]  }
0x2f: {  	lr =	sadd.s32 s0, s3;
	s0 =	sld [smem:$0x3FAB]  }
0x30: {  	s3 =	sld [smem:$0x3FAE]  }
0x31: {  	[smem:$0x3FB7] =	sst s10  }
0x32: {  	s10 =	sld [smem:$0x3FB5];
	_ =	sdelay $0x3  }
0x33: {  	p0 =	seq.s32 s10, $0x1;
	s10 =	sld [smem:$0x3FB7];
	_ =	sdelay $0x3  }
0x34: {  	[smem:$0x3FB7] =	sst s10  }
0x35: {  	s10 =	sld [smem:$0x3FB6];
	_ =	sdelay $0x3  }
0x36: {  	p1 =	seq.s32 s10, $0x1;
	s10 =	sld [smem:$0x3FB7];
	_ =	sdelay $0x3  }
0x37: {  	[smem:$0x3FB7] =	sst s10  }
0x38: {  	s10 =	sld [smem:$0x3FB8]  }
0x39: {  	_ = 	snop;
	(pc) =	sbr.ind lr, $3  }
0x3a: {  	_ = 	snop  }
0x3b: {  	_ = 	snop  }
0x3c: {  	p2 =	seq.s32 s10, $0x1;
	s10 =	sld [smem:$0x3FB7]  }
0x3d: {  	_ =	shalt  }
0x3e: {  	_ =	shalt  }
0x3f: {  	_ =	shalt  }
0x40: {  	_ =	shalt  }
0x41: {  	_ =	shalt  }
0x42: {  	_ =	shalt  }
0x43: {  	_ =	shalt  }
0x44: {  	_ =	shalt  }
0x45: {  	_ =	shalt  }
0x46: {  	_ =	shalt  }
0x47: {  	_ =	shalt  }
0x48: {  	_ =	shalt  }
0x49: {  	_ =	shalt  }
0x4a: {  	_ =	shalt  }
0x4b: {  	_ =	shalt  }
0x4c: {  	_ =	shalt  }
0x4d: {  	_ =	shalt  }
0x4e: {  	_ =	shalt  }
0x4f: {  	_ =	shalt  }
0x50: {  	_ =	shalt  }
0x51: {  	_ =	shalt  }
0x52: {  	_ =	shalt  }
0x53: {  	_ =	shalt  }
0x54: {  	_ =	shalt  }
0x55: {  	_ =	shalt  }
0x56: {  	_ =	shalt  }
0x57: {  	_ =	shalt  }
0x58: {  	_ =	shalt  }
0x59: {  	_ =	shalt  }
0x5a: {  	_ =	shalt  }
0x5b: {  	_ =	shalt  }
0x5c: {  	_ =	shalt  }
0x5d: {  	_ =	shalt  }
0x5e: {  	_ =	shalt  }
0x5f: {  	_ =	shalt  }
0x60: {  	_ =	shalt  }
0x61: {  	_ =	shalt  }
0x62: {  	_ =	shalt  }
0x63: {  	_ =	shalt  }
0x64: {  	_ =	shalt  }
0x65: {  	_ =	shalt  }
0x66: {  	_ =	shalt  }
0x67: {  	_ =	shalt  }
0x68: {  	_ =	shalt  }
0x69: {  	_ =	shalt  }
0x6a: {  	_ =	shalt  }
0x6b: {  	_ =	shalt  }
0x6c: {  	_ =	shalt  }
0x6d: {  	_ =	shalt  }
0x6e: {  	_ =	shalt  }
0x6f: {  	_ =	shalt  }
0x70: {  	_ =	shalt  }
0x71: {  	_ =	shalt  }
0x72: {  	_ =	shalt  }
0x73: {  	_ =	shalt  }
0x74: {  	_ =	shalt  }
0x75: {  	_ =	shalt  }
0x76: {  	_ =	shalt  }
0x77: {  	_ =	shalt  }
0x78: {  	_ =	shalt  }
0x79: {  	_ =	shalt  }
0x7a: {  	_ =	shalt  }
0x7b: {  	_ =	shalt  }
0x7c: {  	_ =	shalt  }
0x7d: {  	_ =	shalt  }
0x7e: {  	_ =	shalt  }
0x7f: {  	_ =	shalt  }
0x80: {  	_ =	shalt  }
0x81: {  	_ =	shalt  }
0x82: {  	_ =	shalt  }
0x83: {  	_ =	shalt  }
0x84: {  	_ =	shalt  }
0x85: {  	_ =	shalt  }
0x86: {  	_ =	shalt  }
0x87: {  	_ =	shalt  }
.Lfunc_end0:
.L_simem_size_0:
called_computation_lowered:
.L_overlay_start_0:
0x88: {  	s2 =	sld [smem:$0x3FD9]  }
0x89: {  	s3 =	sld [smem:$0x3FFE];
	_ =	sdelay $0x1  }
0x8a: {  	s1 =	srdreg.scid  }
0x8b: {  	s0 =	sand.u32 $0x1, s1  }
0x8c: {  	s16 =	sshll.u32 s0, $0xA;
	s2 =	sadd.s32 s3, s2  }
0x8d: {  	s2 =	sadd.s32 s2, s16  }
0x8e: {  	[smem:$0x3FC3] =	sst s2  }
0x8f: {  	_ = 	snop  }
0x90: {  	(tm) =	ssettm $0x1  }
0x91: {  	s17 =	sld [smem:$0x3FFB];
	_ =	sdelay $0x3  }
0x92: {  	_ =	strace s17  }
0x93: {  	s2 =	sld [smem:$0x3FFC];
	_ =	sdelay $0x3  }
0x94: {  	_ =	strace s2  }
0x95: {  	s2 =	sld [smem:$0x3FFD];
	_ =	sdelay $0x3  }
0x96: {  	_ =	strace s2  }
0x97: {  	_ =	strace $0x8FFFFFFF  }
0x98: {  	s18 =	sld [smem:$0x3FDB];
	_ =	sdelay $0x1  }
0x99: {  	s19 =	simm.s32 $_scs_section_size  }
0x9a: {  	s4 =	simm.s32 $_size__tile_overlayer_lowered;
	s5 =	simm.s32 $_tile_overlayer_lowered  }
0x9b: {  	s22 =	simm.s32 $0x1BFF;
	s21 =	sshll.u32 s5, $0x1;
	s2 =	sadd.s32 s19, s18  }
0x9c: {  	s6 =	simm.s32 $0x0;
	s20 =	sshll.u32 s4, $0x1;
	s4 =	sadd.s32 s21, s2  }
0x9d: {  	[timem:s6], [sflag:s22] =	dma.local [hbm:s4], s20  }
0x9e: {  	_ =	swait.ge [sflag:s22], s20  }
0x9f: {  	s3 =	ssub.s32 $0x0, s20;
	[sflag:s22] =	ssyncset.done $0x0  }
0xa0: {  	[sflag:s22] =	ssyncadd.s32 s3;
	_ =	sdelay $0x1  }
0xa1: {  	s23 =	simm.s32 $0x1B8B  }
0xa2: {  	_ =	swait.ge [sflag:s23], $0x1  }
0xa3: {  	[sflag:s23] =	ssyncset.done $0x0  }
0xa4: {  	s25 =	simm.s32 $0x1B8E;
	s24 =	sld [smem:$0x3FFE];
	[sflag:s23] =	ssyncadd.s32 $0xFFFFFFFF  }
0xa5: {  	s26 =	simm.s32 $execute0_lowered;
	[smem:$0x3FD2] =	sst s25  }
0xa6: {  	s4 =	sshll.u32 s26, $0x1;
	_ =	strace $0x80000046;
	[dreg:$0x1] =	wrdreg $0xFFFFFFFF  }
0xa7: {  	s28 =	simm.s32 $_size_execute0_lowered;
	s2 =	sadd.s32 s2, s4;
	[dreg:$0x0] =	wrdreg $0x0  }
0xa8: {  	s4 =	sshll.u32 s28, $0x1;
	[dreg:$0x2] =	wrdreg s2  }
0xa9: {  	[dreg:$0x3] =	wrdreg s4  }
0xaa: {  	[dreg:$0x4] =	wrdreg $0xC0  }
0xab: {  	_ =	task [dreg:s6], $0x5FFFF  }
0xac: {  	[dreg:$0x1] =	wrdreg $0xFFFFFFFF  }
0xad: {  	[dreg:$0x0] =	wrdreg $0x60  }
0xae: {  	[dreg:$0x2] =	wrdreg s24  }
0xaf: {  	[dreg:$0x3] =	wrdreg $0x9  }
0xb0: {  	_ =	task.clear_ibuf [dreg:s6], $0x4FFFF;
	_ =	strace $0x90000046  }
0xb1: {  	s29 =	simm.s32 $0x9;
	_ =	strace $0x80000048  }
0xb2: {  	_ =	swait.ge [sflag:s29], $0x1  }
0xb3: {  	[sflag:s29] =	ssyncadd.s32 $0xFFFFFFFF  }
0xb4: {  	_ =	strace $0x90000048  }
0xb5: {  	_ =	sfence  }
0xb6: {  	s30 =	sld [smem:$0x0];
	_ =	sdelay $0x2  }
0xb7: {  	s31 =	sshll.u32 s1, $0xD;
	s1 =	sshrl.u32 s1, $0x2  }
0xb8: {  	s3 =	sand.u32 $0x4000, s31;
	s1 =	sadd.s32 s1, s30  }
0xb9: {  	s0 =	sor.u32 s3, s0;
	s1 =	sshll.u32 s1, $0x11  }
0xba: {  	s0 =	sor.u32 s1, s0  }
0xbb: {  	s0 =	sadd.s32 $0x8F2B, s0  }
0xbc: {  	[sflag:s0] =	ssyncadd.remote.s32 $0x1  }
0xbd: {  	_ =	sfence.sel $0xFFFF  }
0xbe: {  	[dreg:$0x0] =	wrdreg $0xFFFFFFFF;
	(pc) =	sbr.abs _section_cstart, $3  }
0xbf: {  	[dreg:$0x1] =	wrdreg $0xFFFFFFFF  }
0xc0: {  	_ =	task.clear_ibuf [dreg:s6], $0x2FFFF;
	_ =	strace $0x9FFFFFFF  }
0xc1: {  	(tm) =	ssettm $0x7FFFFFFF  }
tec
execute0_lowered:
.L_overlay_start_1:
0x0: {  	(tag) =	ssettag $0x1  }
0x1: {  	s0 =	srdreg.scid  }
0x2: {  	s1 =	stileid.u32;
	s5 =	rddreg [dreg:$0x0];
	s2 =	simm.s32 $0x0  }
0x3: {  	s10 =	simm.s32 $0x3;
	s11 =	simm.s32 $0x400;
	s12 =	simm.s32 $0x2C00  }
0x4: {  	s13 =	simm.s32 $0x80;
	s14 =	simm.s32 $0x5400;
	s20 =	simm.s32 $0x1  }
0x5: {  	s22 =	simm.s32 $0xD400;
	s24 =	simm.s32 $0xF400;
	s25 =	simm.s32 $0x11400  }
0x6: {  	s26 =	simm.s32 $0x2;
	s30 =	simm.s32 $0x11480;
	s31 =	simm.s32 $0x0  }
0x7: {  	s0 =	sand.u32 $0x1, s0;
	s1 =	sshll.u32 s1, $0x1;
	[smem:$0x7FF] =	sst s2  }
0x8: {  	s1 =	sor.u32 s0, s1;
	_ =	strace $0x80000047;
	s0 =	ssub.s32 $0x2, s0  }
0x9: {  	s3 =	smul.u32 $0x500, s1;
	s4 =	sshll.u32 s1, $0x7;
	s1 =	sshll.u32 s1, $0x1  }
0xa: {  	s29 =	sshrl.u32 s0, $0x1;
	s6 =	sadd.s32 s4, s5;
	s4 =	sadd.s32 $0xF4CE00, s5  }
0xb: {  	s1 =	sadd.s32 s1, s5;
	s0 =	ssub.s32 s0, s29;
	s7 =	sadd.s32 s3, s5  }
0xc: {  	s3 =	sadd.s32 $0x16EE000, s5;
	s5 =	sadd.s32 $0x14A00, s6;
	s8 =	sadd.s32 $0x15A00, s1  }
0xd: {  	v0 =	vimm.f32 $0.0e+00;
	vm0 =	vcmask $0x3F3C;
	v1 =	vlaneseq.u32;
	s9 =	smax.u32 s0, $0x1;
	s6 =	sadd.s32 $0xAA00, s7;
	s7 =	sadd.s32 $0xA00, s7  }
.LBB2_1:
0xe: {  	[tilespmem:s2], [sflag:$0x3] =	stream.linear.gather [hbm4b:s5+s2], $0x400, $0x38;
	[tilespmem:$0x11490] =	vst v63  }
0xf: {  	_ =	swait.ge [sflag:s10], $0x400  }
0x10: {  	[sflag:s10] =	ssyncset.done $0x0  }
0x11: {  	[sflag:s10] =	ssyncadd.s32 $0xFFFFFC00  }
0x12: {  	[tilespmem:s11], [sflag:$0x3] =	stream.linear.gather [hbm4b:s6+s2], $0x2800, $0x38;
	[tilespmem:$0x11490] =	vst v63  }
0x13: {  	_ =	swait.ge [sflag:s10], $0x2800  }
0x14: {  	[sflag:s10] =	ssyncset.done $0x0  }
0x15: {  	[sflag:s10] =	ssyncadd.s32 $0xFFFFD800  }
0x16: {  	[tilespmem:s12], [sflag:$0x3] =	stream.linear.gather [hbm4b:s7+s2], $0x2800, $0x38;
	[tilespmem:$0x11490] =	vst v63  }
0x17: {  	_ =	swait.ge [sflag:s10], $0x2800  }
0x18: {  	[sflag:s10] =	ssyncset.done $0x0  }
0x19: {  	[sflag:s10] =	ssyncadd.s32 $0xFFFFD800  }
0x1a: {  	[tilespmem:$0x11480] =	vst v0  }
0x1b: {  	[tilespmem:s14], [sflag:$0x1] =	stream.indirect.gather [hbm4b:s3+s13], $0x40, s2, s13, $0xb8;
	[tilespmem:$0x11490] =	vst v63  }
0x1c: {  	s0 =	simm.s32 $0x7400  }
0x1d: {  	[tilespmem:s0], [sflag:$0x1] =	stream.indirect.gather [hbm4b:s3+s13], $0x40, s13, s13, $0xb8;
	[tilespmem:$0x11490] =	vst v63  }
0x1e: {  	s17 =	simm.s32 $0x100;
	s1 =	simm.s32 $0x9400  }
0x1f: {  	[tilespmem:s1], [sflag:$0x1] =	stream.indirect.gather [hbm4b:s3+s13], $0x40, s17, s13, $0xb8;
	[tilespmem:$0x11490] =	vst v63  }
0x20: {  	s18 =	simm.s32 $0x180;
	s19 =	simm.s32 $0xB400  }
0x21: {  	[tilespmem:s19], [sflag:$0x1] =	stream.indirect.gather [hbm4b:s3+s13], $0x40, s18, s13, $0xb8;
	[tilespmem:$0x11490] =	vst v63  }
0x22: {  	_ =	swait.ge [sflag:s20], $0x2000  }
0x23: {  	[sflag:s20] =	ssyncset.done $0x0  }
0x24: {  	[sflag:s20] =	ssyncadd.s32 $0xFFFFE000  }
0x25: {  	_ =	swait.ge [sflag:s20], $0x2000  }
0x26: {  	[sflag:s20] =	ssyncset.done $0x0  }
0x27: {  	[sflag:s20] =	ssyncadd.s32 $0xFFFFE000  }
0x28: {  	_ =	swait.ge [sflag:s20], $0x2000  }
0x29: {  	[sflag:s20] =	ssyncset.done $0x0  }
0x2a: {  	[sflag:s20] =	ssyncadd.s32 $0xFFFFE000  }
0x2b: {  	_ =	swait.ge [sflag:s20], $0x2000  }
0x2c: {  	[sflag:s20] =	ssyncset.done $0x0  }
0x2d: {  	s21 =	simm.s32 $0x200;
	[sflag:s20] =	ssyncadd.s32 $0xFFFFE000  }
0x2e: {  	[tilespmem:s22], [sflag:$0x1] =	stream.indirect.gather [hbm4b:s4+s13], $0x40, s21, s13, $0xb8;
	[tilespmem:$0x11490] =	vst v63  }
0x2f: {  	_ =	swait.ge [sflag:s20], $0x2000  }
0x30: {  	[sflag:s20] =	ssyncset.done $0x0  }
0x31: {  	s23 =	simm.s32 $0x280;
	s28 =	simm.s32 $0x5480;
	[sflag:s20] =	ssyncadd.s32 $0xFFFFE000  }
0x32: {  	[tilespmem:s24], [sflag:$0x2] =	stream.indirect.gather [hbm4b:s4+s13], $0x40, s23, s13, $0xb8;
	[tilespmem:$0x11490] =	vst v63  }
0x33: {  	s29 =	simm.s32 $0xD480;
	v2 =	vld [tilespmem:s28+$0x40]  }
0x34: {  	v3 =	vld [tilespmem:s29+$0x40]  }
0x35: {  	v4 =	vld [tilespmem:s28+$0x50]  }
0x36: {  	v5 =	vld [tilespmem:s29+$0x50]  }
0x37: {  	v6 =	vld [tilespmem:s28+$0x60]  }
0x38: {  	v7 =	vld [tilespmem:s29+$0x60]  }
0x39: {  	v8 =	vld [tilespmem:s28+$0x70]  }
0x3a: {  	v9 =	vld [tilespmem:s29+$0x70]  }
0x3b: {  	v10 =	vld [tilespmem:s28+$0xFFFFFF80]  }
0x3c: {  	v11 =	vld [tilespmem:s29+$0xFFFFFF80]  }
0x3d: {  	v12 =	vld [tilespmem:s28+$0xFFFFFFC0]  }
0x3e: {  	v13 =	vld [tilespmem:s28+$0x0];
	v2 =	vmul.f32 v3, v2  }
0x3f: {  	v14 =	vld [tilespmem:s28+$0xFFFFFF90]  }
0x40: {  	v15 =	vld [tilespmem:s28+$0xFFFFFFA0];
	v4 =	vmul.f32 v5, v4;
	v2 =	vadd.f32 $0.0e+00, v2  }
0x41: {  	v16 =	vld [tilespmem:s29+$0xFFFFFFA0]  }
0x42: {  	v17 =	vld [tilespmem:s28+$0xFFFFFFE0];
	v2 =	vadd.f32 v4, v2;
	v4 =	vmul.f32 v7, v6  }
0x43: {  	v18 =	vld [tilespmem:s29+$0xFFFFFFE0]  }
0x44: {  	v3 =	vld [tilespmem:s29+$0xFFFFFFC0];
	v2 =	vadd.f32 v4, v2;
	v4 =	vmul.f32 v9, v8  }
0x45: {  	v5 =	vld [tilespmem:s29+$0x0]  }
0x46: {  	v7 =	vld [tilespmem:s28+$0xFFFFFFD0];
	v2 =	vadd.f32 v4, v2  }
0x47: {  	v8 =	vld [tilespmem:s29+$0xFFFFFFD0]  }
0x48: {  	v9 =	vld [tilespmem:s28+$0x10];
	(xrf2) =	vadd.scan.msk.f32 $0xffff, v2  }
0x49: {  	v4 =	vld [tilespmem:s29+$0x10]  }
0x4a: {  	v6 =	vld [tilespmem:s29+$0xFFFFFF90]  }
0x4b: {  	v19 =	vld [tilespmem:s28+$0x20]  }
0x4c: {  	v20 =	vld [tilespmem:s29+$0x20];
	v3 =	vmul.f32 v3, v12  }
0x4d: {  	s15 =	simm.s32 $0x3;
	v58 =	vld [tilespmem:s29+$0xFFFFFFB0];
	v5 =	vmul.f32 v5, v13;
	v2 =	vmul.f32 v11, v10  }
0x4e: {  	v10 =	vld [tilespmem:s28+$0xFFFFFFB0];
	v11 =	vmov s15;
	v7 =	vmul.f32 v8, v7;
	v8 =	vmul.f32 v4, v9  }
0x4f: {  	v60 =	vadd.f32 $0.0e+00, v3;
	v3 =	vld [tilespmem:s29+$0xFFFFFFF0];
	v6 =	vmul.f32 v6, v14;
	v59 =	vadd.f32 $0.0e+00, v2  }
0x50: {  	v5 =	vadd.f32 $0.0e+00, v5;
	v2 =	vld [tilespmem:s28+$0xFFFFFFF0]  }
0x51: {  	v62 =	vmul.f32 v18, v17;
	v9 =	vmul.f32 v16, v15;
	v4 =	vld [tilespmem:s28+$0x30];
	v6 =	vadd.f32 v6, v59  }
0x52: {  	v63 =	vmul.f32 v20, v19;
	s15 =	simm.s32 $0x5580;
	v61 =	vadd.f32 v7, v60;
	v7 =	vld [tilespmem:s29+$0x30];
	v5 =	vadd.f32 v8, v5;
	v8, _, _ =	vpop (xrf2)  }
0x53: {  	s16 =	simm.s32 $0xD580;
	v10 =	vmul.f32 v58, v10;
	[tilespmem:v11+s25+$0x0] =	vst.idx.msk vm0, v8;
	v8 =	vadd.f32 v9, v6;
	v9 =	vld [tilespmem:s15+$0x40]  }
0x54: {  	s0 =	simm.s32 $0x4;
	s17 =	simm.s32 $0x8;
	s1 =	simm.s32 $0x0;
	v5 =	vadd.f32 v63, v5;
	v6 =	vadd.f32 v62, v61;
	v11 =	vld [tilespmem:s16+$0x40]  }
.LBB2_2:
0x55: {  	p0 =	slt.u32 s17, $0x7C;
	v12 =	vld [tilespmem:s15+$0x50];
	v8 =	vadd.f32 v10, v8;
	v2 =	vmul.f32 v3, v2  }
0x56: {  	v3 =	vld [tilespmem:s16+$0x50]  }
0x57: {  	v10 =	vld [tilespmem:s15+$0x60];
	v2 =	vadd.f32 v2, v6;
	v4 =	vmul.f32 v7, v4;
	(xrf2) =	vadd.scan.msk.f32 $0xffff, v8  }
0x58: {  	v6 =	vld [tilespmem:s16+$0x60]  }
0x59: {  	v7 =	vmul.f32 v11, v9;
	v8 =	vld [tilespmem:s15+$0x70];
	v4 =	vadd.f32 v4, v5  }
0x5a: {  	v9 =	vmov s1;
	v5 =	vld [tilespmem:s16+$0x70];
	(xrf2) =	vadd.scan.msk.f32 $0xffff, v2  }
0x5b: {  	v9 =	vand.u32 $0xFFFFFFFC, v9;
	v2 =	vld [tilespmem:s15+$0xFFFFFF80];
	v7 =	vadd.f32 $0.0e+00, v7;
	v3 =	vmul.f32 v3, v12  }
0x5c: {  	s18 =	sadd.s32 $0x1, s1;
	v9 =	vbroadcast v9, $0x0;
	v11 =	vld [tilespmem:s16+$0xFFFFFF80]  }
0x5d: {  	v12 =	vld [tilespmem:s15+$0xFFFFFFC0];
	v3 =	vadd.f32 v3, v7;
	v6 =	vmul.f32 v6, v10;
	v7 =	vmov s18;
	(xrf2) =	vadd.scan.msk.f32 $0xffff, v4  }
0x5e: {  	v4 =	vld [tilespmem:s16+$0xFFFFFFC0];
	v7 =	vand.u32 $0xFFFFFFFD, v7  }
0x5f: {  	s18 =	sadd.s32 $0x2, s1;
	s1 =	smov.u32 s0;
	s0 =	smov.u32 s17;
	v10 =	vld [tilespmem:s15+$0x0];
	v3 =	vadd.f32 v6, v3;
	v5 =	vmul.f32 v5, v8;
	v6 =	vbroadcast v7, $0x0  }
0x60: {  	v13 =	vmov s18;
	v7 =	vld [tilespmem:s16+$0x0]  }
0x61: {  	v2 =	vmul.f32 v11, v2;
	v11 =	vld [tilespmem:s15+$0xFFFFFF90];
	v3 =	vadd.f32 v5, v3;
	v5 =	vand.u32 $0xFFFFFFFE, v13;
	v8, _, _ =	vpop (xrf2)  }
0x62: {  	v13 =	vld [tilespmem:s16+$0xFFFFFF90];
	[tilespmem:v9+s25+$0x0] =	vst.idx.msk vm0, v8;
	v5 =	vbroadcast v5, $0x0  }
0x63: {  	v2 =	vadd.f32 $0.0e+00, v2;
	v4 =	vmul.f32 v4, v12;
	v8 =	vld [tilespmem:s15+$0xFFFFFFD0];
	(xrf2) =	vadd.scan.msk.f32 $0xffff, v3  }
0x64: {  	v3 =	vld [tilespmem:s16+$0xFFFFFFD0];
	v9, _, _ =	vpop (xrf2)  }
0x65: {  	v4 =	vadd.f32 $0.0e+00, v4;
	v7 =	vmul.f32 v7, v10;
	v10 =	vld [tilespmem:s15+$0x10];
	[tilespmem:v6+s25+$0x0] =	vst.idx.msk vm0, v9  }
0x66: {  	v6 =	vld [tilespmem:s16+$0x10]  }
0x67: {  	v9 =	vmul.f32 v13, v11;
	v11 =	vld [tilespmem:s15+$0xFFFFFFA0];
	v7 =	vadd.f32 $0.0e+00, v7;
	v12, _, _ =	vpop (xrf2)  }
0x68: {  	s18 =	sadd.s32 $0x3, s1;
	v13 =	vld [tilespmem:s16+$0xFFFFFFA0];
	[tilespmem:v5+s25+$0x0] =	vst.idx.msk vm0, v12  }
0x69: {  	v2 =	vadd.f32 v9, v2;
	v3 =	vmul.f32 v3, v8;
	v5 =	vld [tilespmem:s15+$0xFFFFFFE0];
	v8 =	vmov s18  }
0x6a: {  	v9 =	vld [tilespmem:s16+$0xFFFFFFE0]  }
0x6b: {  	v4 =	vadd.f32 v3, v4;
	v14 =	vmul.f32 v6, v10;
	v10 =	vld [tilespmem:s15+$0x20]  }
0x6c: {  	v12 =	vld [tilespmem:s16+$0x20]  }
0x6d: {  	v6 =	vmul.f32 v13, v11;
	v11 =	vld [tilespmem:s15+$0xFFFFFFB0];
	v13 =	vadd.f32 v14, v7;
	v3, _, _ =	vpop (xrf2)  }
0x6e: {  	v14 =	vld [tilespmem:s16+$0xFFFFFFB0];
	[tilespmem:v8+s25+$0x0] =	vst.idx.msk vm0, v3  }
0x6f: {  	v8 =	vadd.f32 v6, v2;
	v5 =	vmul.f32 v9, v5;
	v2 =	vld [tilespmem:s15+$0xFFFFFFF0]  }
.Ltmp0:
0x70: {  	v3 =	vld [tilespmem:s16+$0xFFFFFFF0];
	(pc) =	sbr.rel @p0 .LBB2_2-.Ltmp0, $4  }
0x71: {  	v6 =	vadd.f32 v5, v4;
	v5 =	vmul.f32 v12, v10;
	v4 =	vld [tilespmem:s15+$0x30]  }
0x72: {  	s15 =	sadd.s32 $0x100, s15;
	v7 =	vld [tilespmem:s16+$0x30]  }
0x73: {  	s16 =	sadd.s32 $0x100, s16;
	v9 =	vld [tilespmem:s15+$0x40];
	v10 =	vmul.f32 v14, v11;
	v5 =	vadd.f32 v5, v13  }
0x74: {  	s17 =	sadd.s32 $0x4, s17;
	v11 =	vld [tilespmem:s16+$0x40]  }
0x75: {  	v12 =	vld [tilespmem:s15+$0x50]  }
0x76: {  	v13 =	vld [tilespmem:s16+$0x50]  }
0x77: {  	v14 =	vld [tilespmem:s15+$0x60]  }
0x78: {  	v15 =	vld [tilespmem:s16+$0x60]  }
0x79: {  	v16 =	vld [tilespmem:s15+$0x70]  }
0x7a: {  	v17 =	vld [tilespmem:s16+$0x70]  }
0x7b: {  	v18 =	vld [tilespmem:s15+$0xFFFFFF80]  }
0x7c: {  	v19 =	vld [tilespmem:s16+$0xFFFFFF80]  }
0x7d: {  	v20 =	vld [tilespmem:s15+$0xFFFFFFC0]  }
0x7e: {  	v21 =	vld [tilespmem:s16+$0xFFFFFFC0]  }
0x7f: {  	v22 =	vld [tilespmem:s15+$0x0]  }
0x80: {  	v23 =	vld [tilespmem:s16+$0x0]  }
0x81: {  	v24 =	vld [tilespmem:s15+$0xFFFFFF90]  }
0x82: {  	v25 =	vld [tilespmem:s16+$0xFFFFFF90]  }
0x83: {  	v26 =	vld [tilespmem:s15+$0xFFFFFFD0]  }
0x84: {  	v27 =	vld [tilespmem:s16+$0xFFFFFFD0]  }
0x85: {  	v28 =	vld [tilespmem:s15+$0x10]  }
0x86: {  	v29 =	vld [tilespmem:s16+$0x10]  }
0x87: {  	v30 =	vld [tilespmem:s15+$0xFFFFFFA0]  }
0x88: {  	v31 =	vld [tilespmem:s16+$0xFFFFFFA0]  }
0x89: {  	v32 =	vld [tilespmem:s15+$0xFFFFFFE0]  }
0x8a: {  	v33 =	vld [tilespmem:s15+$0x20]  }
0x8b: {  	v40 =	vld [tilespmem:s16+$0x20];
	v9 =	vmul.f32 v11, v9  }
0x8c: {  	v2 =	vmul.f32 v3, v2;
	v3 =	vld [tilespmem:s15+$0xFFFFFFB0]  }
0x8d: {  	v8 =	vadd.f32 v10, v8;
	v10 =	vld [tilespmem:s16+$0xFFFFFFB0];
	v12 =	vmul.f32 v13, v12;
	v9 =	vadd.f32 $0.0e+00, v9  }
0x8e: {  	v42 =	vld [tilespmem:s15+$0xFFFFFFF0];
	v4 =	vmul.f32 v7, v4;
	v2 =	vadd.f32 v2, v6;
	v6 =	vmul.f32 v19, v18  }
0x8f: {  	v11 =	vld [tilespmem:s16+$0xFFFFFFE0];
	v41 =	vmul.f32 v21, v20;
	v7 =	vadd.f32 v12, v9;
	v9 =	vmul.f32 v15, v14  }
0x90: {  	v44 =	vld [tilespmem:s15+$0x30];
	v4 =	vadd.f32 v4, v5;
	v43 =	vmul.f32 v25, v24;
	v45 =	vmul.f32 v27, v26  }
0x91: {  	v6 =	vadd.f32 $0.0e+00, v6;
	v5 =	vadd.f32 v9, v7;
	v7 =	vmul.f32 v23, v22;
	v9 =	vld [tilespmem:s16+$0xFFFFFFF0]  }
0x92: {  	v47 =	vld [tilespmem:s16+$0x30];
	v46 =	vmul.f32 v29, v28;
	v16 =	vmul.f32 v17, v16;
	v12 =	vadd.f32 $0.0e+00, v41  }
0x93: {  	v48 =	vmul.f32 v31, v30;
	v6 =	vadd.f32 v43, v6;
	v7 =	vadd.f32 $0.0e+00, v7  }
0x94: {  	(xrf2) =	vadd.scan.msk.f32 $0xffff, v8;
	v8 =	vmul.f32 v40, v33;
	v11 =	vmul.f32 v11, v32;
	v12 =	vadd.f32 v45, v12  }
0x95: {  	v3 =	vmul.f32 v10, v3;
	v6 =	vadd.f32 v48, v6;
	v7 =	vadd.f32 v46, v7  }
0x96: {  	(xrf2) =	vadd.scan.msk.f32 $0xffff, v2;
	v2 =	vadd.f32 v16, v5;
	v5 =	vadd.f32 v11, v12;
	v9 =	vmul.f32 v9, v42  }
0x97: {  	(xrf2) =	vadd.scan.msk.f32 $0xffff, v4;
	v3 =	vadd.f32 v3, v6;
	v6 =	vmul.f32 v47, v44;
	v4 =	vadd.f32 v8, v7  }
0x98: {  	s29 =	sadd.s32 $0x1, s1;
	(xrf2) =	vadd.scan.msk.f32 $0xffff, v2;
	v7 =	vmov s1;
	v2 =	vadd.f32 v9, v5  }
0x99: {  	s16 =	sadd.s32 $0x2, s1;
	(xrf2) =	vadd.scan.msk.f32 $0xffff, v3;
	v5 =	vand.u32 $0xFFFFFFFC, v7;
	v7 =	vmov s29;
	v3 =	vadd.f32 v6, v4  }
0x9a: {  	v4 =	vbroadcast v5, $0x0;
	v5 =	vand.u32 $0xFFFFFFFD, v7;
	v6 =	vmov s16;
	(xrf2) =	vadd.scan.msk.f32 $0xffff, v2  }
0x9b: {  	s19 =	sadd.s32 $0x2, s0;
	v2 =	vbroadcast v5, $0x0;
	v5 =	vand.u32 $0xFFFFFFFE, v6;
	(xrf2) =	vadd.scan.msk.f32 $0xffff, v3  }
0x9c: {  	s18 =	sadd.s32 $0x1, s0;
	v8 =	vmov s19;
	v3 =	vbroadcast v5, $0x0;
	v5 =	vmov s0  }
0x9d: {  	s17 =	sadd.s32 $0x3, s0;
	v8 =	vand.u32 $0xFFFFFFFE, v8;
	v7 =	vmov s18;
	v5 =	vand.u32 $0xFFFFFFFC, v5  }
0x9e: {  	v6 =	vmov s17;
	v7 =	vand.u32 $0xFFFFFFFD, v7;
	v5 =	vbroadcast v5, $0x0  }
0x9f: {  	v9, _, _ =	vpop (xrf2);
	v7 =	vbroadcast v7, $0x0  }
0xa0: {  	v10, _, _ =	vpop (xrf2);
	[tilespmem:v4+s25+$0x0] =	vst.idx.msk vm0, v9;
	v4 =	vbroadcast v8, $0x0  }
0xa1: {  	v8, _, _ =	vpop (xrf2);
	[tilespmem:v2+s25+$0x0] =	vst.idx.msk vm0, v10  }
0xa2: {  	v2, _, _ =	vpop (xrf2);
	[tilespmem:v3+s25+$0x0] =	vst.idx.msk vm0, v8  }
0xa3: {  	[tilespmem:v6+s25+$0x0] =	vst.idx.msk vm0, v2;
	v2, _, _ =	vpop (xrf2)  }
0xa4: {  	[tilespmem:v5+s25+$0x0] =	vst.idx.msk vm0, v2;
	v2, _, _ =	vpop (xrf2)  }
0xa5: {  	[tilespmem:v7+s25+$0x0] =	vst.idx.msk vm0, v2;
	v2, _, _ =	vpop (xrf2)  }
0xa6: {  	[tilespmem:v4+s25+$0x0] =	vst.idx.msk vm0, v2  }
0xa7: {  	v2 =	vld [tilespmem:$0x11400];
	_ =	sdelay $0x4  }
0xa8: {  	v3 =	vand.u32 $0x7FFFFFFF, v2  }
0xa9: {  	v3 =	vsub.f32 $0.0e+00, v3;
	_ =	sdelay $0x1  }
0xaa: {  	v3 =	vmul.f32 $1.442695020e+00, v3;
	_ =	sdelay $0x1  }
0xab: {  	(erf) = vpow2.f32 v3;
	_ =	sdelay $0x2  }
0xac: {  	v3 =	vld [tilespmem:$0x11410];
	_ =	sdelay $0x4  }
0xad: {  	v4 =	vand.u32 $0x7FFFFFFF, v3  }
0xae: {  	v4 =	vsub.f32 $0.0e+00, v4;
	v5 =	vpop (erf)  }
0xaf: {  	v6 =	vadd.f32 $2.000000000e+00, v5  }
0xb0: {  	v4 =	vmul.f32 $1.442695020e+00, v4  }
0xb1: {  	(erf) = vrcp.f32 v6  }
0xb2: {  	(erf) = vpow2.f32 v4;
	_ =	sdelay $0x2  }
0xb3: {  	v4 =	vld [tilespmem:$0x11420];
	_ =	sdelay $0x4  }
0xb4: {  	v7 =	vand.u32 $0x7FFFFFFF, v4;
	v6 =	vpop (erf)  }
0xb5: {  	v7 =	vsub.f32 $0.0e+00, v7;
	v8 =	vpop (erf)  }
0xb6: {  	v9 =	vadd.f32 $2.000000000e+00, v8  }
0xb7: {  	v7 =	vmul.f32 $1.442695020e+00, v7  }
0xb8: {  	(erf) = vrcp.f32 v9  }
0xb9: {  	(erf) = vpow2.f32 v7;
	_ =	sdelay $0x2  }
0xba: {  	v7 =	vld [tilespmem:$0x11430];
	_ =	sdelay $0x4  }
0xbb: {  	v10 =	vand.u32 $0x7FFFFFFF, v7;
	v9 =	vpop (erf)  }
0xbc: {  	v10 =	vsub.f32 $0.0e+00, v10;
	v11 =	vpop (erf)  }
0xbd: {  	v49 =	vadd.f32 $2.000000000e+00, v11  }
0xbe: {  	v10 =	vmul.f32 $1.442695020e+00, v10  }
0xbf: {  	(erf) = vrcp.f32 v49  }
0xc0: {  	(erf) = vpow2.f32 v10;
	_ =	sdelay $0x2  }
0xc1: {  	v10 =	vld [tilespmem:$0x11440];
	_ =	sdelay $0x4  }
0xc2: {  	v50 =	vand.u32 $0x7FFFFFFF, v10;
	v12 =	vpop (erf)  }
0xc3: {  	v13 =	vsub.f32 $0.0e+00, v50;
	v51 =	vpop (erf)  }
0xc4: {  	v52 =	vadd.f32 $2.000000000e+00, v51  }
0xc5: {  	v13 =	vmul.f32 $1.442695020e+00, v13  }
0xc6: {  	(erf) = vrcp.f32 v52  }
0xc7: {  	(erf) = vpow2.f32 v13;
	_ =	sdelay $0x2  }
0xc8: {  	v53 =	vld [tilespmem:$0x11450];
	_ =	sdelay $0x4  }
0xc9: {  	v54 =	vand.u32 $0x7FFFFFFF, v53;
	v15 =	vpop (erf)  }
0xca: {  	v16 =	vsub.f32 $0.0e+00, v54;
	v55 =	vpop (erf)  }
0xcb: {  	v56 =	vadd.f32 $2.000000000e+00, v55  }
0xcc: {  	v16 =	vmul.f32 $1.442695020e+00, v16  }
0xcd: {  	(erf) = vrcp.f32 v56  }
0xce: {  	(erf) = vpow2.f32 v16;
	_ =	sdelay $0x2  }
0xcf: {  	v57 =	vld [tilespmem:$0x11460];
	_ =	sdelay $0x4  }
0xd0: {  	v58 =	vand.u32 $0x7FFFFFFF, v57;
	v18 =	vpop (erf)  }
0xd1: {  	v19 =	vsub.f32 $0.0e+00, v58;
	v59 =	vpop (erf)  }
0xd2: {  	v60 =	vadd.f32 $2.000000000e+00, v59  }
0xd3: {  	v19 =	vmul.f32 $1.442695020e+00, v19  }
0xd4: {  	(erf) = vrcp.f32 v60  }
0xd5: {  	(erf) = vpow2.f32 v19;
	_ =	sdelay $0x2  }
0xd6: {  	v61 =	vld [tilespmem:$0x11470];
	_ =	sdelay $0x4  }
0xd7: {  	v62 =	vand.u32 $0x7FFFFFFF, v61;
	v21 =	vpop (erf)  }
0xd8: {  	v22 =	vsub.f32 $0.0e+00, v62;
	v63 =	vpop (erf)  }
0xd9: {  	v5 =	vmul.f32 v6, v5;
	v6 =	vadd.f32 $2.000000000e+00, v63  }
0xda: {  	v22 =	vmul.f32 $1.442695020e+00, v22  }
0xdb: {  	v29 =	vmul.f32 v5, v5;
	(erf) = vrcp.f32 v6  }
0xdc: {  	(erf) = vpow2.f32 v22  }
0xdd: {  	v6 =	vmul.f32 $2.857142980e-01, v29  }
0xde: {  	v8 =	vmul.f32 v9, v8  }
0xdf: {  	v6 =	vadd.f32 $4.000000060e-01, v6  }
0xe0: {  	v9 =	vmul.f32 v8, v8;
	v11 =	vmul.f32 v12, v11  }
0xe1: {  	v6 =	vmul.f32 v6, v29  }
0xe2: {  	v30 =	vmul.f32 $2.857142980e-01, v9;
	v31 =	vmul.f32 v11, v11  }
0xe3: {  	v6 =	vadd.f32 $6.666666860e-01, v6  }
0xe4: {  	v12 =	vadd.f32 $4.000000060e-01, v30;
	v33 =	vmul.f32 $2.857142980e-01, v31;
	v32 =	vpop (erf)  }
0xe5: {  	v6 =	vmul.f32 v6, v29;
	v34 =	vpop (erf)  }
0xe6: {  	v12 =	vmul.f32 v12, v9;
	v26 =	vadd.f32 $4.000000060e-01, v33;
	v35 =	vadd.f32 $2.000000000e+00, v34  }
0xe7: {  	v6 =	vadd.f32 $2.000000000e+00, v6  }
0xe8: {  	v12 =	vadd.f32 $6.666666860e-01, v12;
	v26 =	vmul.f32 v26, v31;
	(erf) = vrcp.f32 v35  }
0xe9: {  	v14 =	vmul.f32 v15, v51;
	v5 =	vmul.f32 v6, v5  }
0xea: {  	v36 =	vld [tilespmem:$0x11480];
	v2 =	vmin.f32 v2, $0.0e+00;
	v6 =	vmul.f32 v12, v9;
	v9 =	vadd.f32 $6.666666860e-01, v26  }
0xeb: {  	v37 =	vmul.f32 v14, v14;
	v2 =	vsub.f32 v2, v5;
	v5 =	vmul.f32 v18, v55  }
0xec: {  	v40 =	vmul.f32 v21, v59;
	v6 =	vadd.f32 $2.000000000e+00, v6;
	v9 =	vmul.f32 v9, v31  }
0xed: {  	v3 =	vmin.f32 v3, $0.0e+00;
	v38 =	vmul.f32 $2.857142980e-01, v37;
	v39 =	vmul.f32 v5, v5  }
0xee: {  	v20 =	vmul.f32 v40, v40;
	v6 =	vmul.f32 v6, v8;
	v8 =	vadd.f32 $2.000000000e+00, v9  }
0xef: {  	v2 =	vadd.f32 v2, v36;
	v9 =	vadd.f32 $4.000000060e-01, v38;
	v41 =	vmul.f32 $2.857142980e-01, v39  }
0xf0: {  	v3 =	vsub.f32 v3, v6;
	v6 =	vmul.f32 v8, v11;
	v8 =	vmul.f32 v32, v63  }
0xf1: {  	v42 =	vmul.f32 $2.857142980e-01, v20;
	v9 =	vmul.f32 v9, v37;
	v11 =	vadd.f32 $4.000000060e-01, v41;
	v43 =	vpop (erf)  }
0xf2: {  	v2 =	vadd.f32 v3, v2;
	v3 =	vmul.f32 v8, v8;
	v21 =	vmul.f32 v43, v34  }
0xf3: {  	v4 =	vmin.f32 v4, $0.0e+00;
	v9 =	vadd.f32 $6.666666860e-01, v9;
	v11 =	vmul.f32 v11, v39  }
0xf4: {  	v17 =	vadd.f32 $4.000000060e-01, v42;
	v44 =	vmul.f32 $2.857142980e-01, v3;
	v45 =	vmul.f32 v21, v21  }
0xf5: {  	v4 =	vsub.f32 v4, v6;
	v6 =	vmul.f32 v9, v37;
	v9 =	vadd.f32 $6.666666860e-01, v11  }
0xf6: {  	v11 =	vmul.f32 v17, v20;
	v46 =	vadd.f32 $4.000000060e-01, v44;
	v47 =	vmul.f32 $2.857142980e-01, v45  }
0xf7: {  	v2 =	vadd.f32 v4, v2;
	v6 =	vadd.f32 $2.000000000e+00, v6;
	v4 =	vmul.f32 v9, v39  }
0xf8: {  	v9 =	vadd.f32 $6.666666860e-01, v11;
	v11 =	vmul.f32 v46, v3;
	v48 =	vadd.f32 $4.000000060e-01, v47  }
0xf9: {  	v7 =	vmin.f32 v7, $0.0e+00;
	v6 =	vmul.f32 v6, v14;
	v4 =	vadd.f32 $2.000000000e+00, v4  }
0xfa: {  	v9 =	vmul.f32 v9, v20;
	v11 =	vadd.f32 $6.666666860e-01, v11;
	v12 =	vmul.f32 v48, v45  }
0xfb: {  	v6 =	vsub.f32 v7, v6;
	v4 =	vmul.f32 v4, v5;
	v5 =	vmin.f32 v10, $0.0e+00  }
0xfc: {  	v7 =	vadd.f32 $2.000000000e+00, v9;
	v3 =	vmul.f32 v11, v3;
	v9 =	vadd.f32 $6.666666860e-01, v12  }
0xfd: {  	v2 =	vadd.f32 v6, v2;
	v4 =	vsub.f32 v5, v4  }
0xfe: {  	v5 =	vmul.f32 v7, v40;
	v3 =	vadd.f32 $2.000000000e+00, v3;
	v6 =	vmul.f32 v9, v45  }
0xff: {  	v2 =	vadd.f32 v4, v2;
	v4 =	vmin.f32 v53, $0.0e+00  }
0x100: {  	v3 =	vmul.f32 v3, v8;
	v4 =	vsub.f32 v4, v5;
	v5 =	vadd.f32 $2.000000000e+00, v6  }
0x101: {  	v6 =	vmin.f32 v57, $0.0e+00  }
0x102: {  	v2 =	vadd.f32 v4, v2;
	v3 =	vsub.f32 v6, v3;
	v4 =	vmul.f32 v5, v21  }
0x103: {  	v5 =	vmin.f32 v61, $0.0e+00  }
0x104: {  	v2 =	vadd.f32 v3, v2;
	v3 =	vsub.f32 v5, v4;
	_ =	sdelay $0x1  }
0x105: {  	v2 =	vadd.f32 v3, v2;
	_ =	sdelay $0x1  }
0x106: {  	[tilespmem:$0x11480] =	vst v2  }
0x107: {  	_ =	swait.ge [sflag:s26], $0x2000  }
0x108: {  	[sflag:s26] =	ssyncset.done $0x0  }
0x109: {  	s21 =	simm.s32 $0x300;
	s23 =	simm.s32 $0x74F0;
	[sflag:s26] =	ssyncadd.s32 $0xFFFFE000  }
0x10a: {  	[tilespmem:s22], [sflag:$0x1] =	stream.indirect.gather [hbm4b:s4+s13], $0x40, s21, s13, $0xb8;
	[tilespmem:$0x11490] =	vst v63  }
0x10b: {  	s28 =	simm.s32 $0xF480;
	v2 =	vld [tilespmem:s23+$0xFFFFFFD0]  }
0x10c: {  	v3 =	vld [tilespmem:s28+$0x40]  }
0x10d: {  	v4 =	vld [tilespmem:s23+$0xFFFFFFE0]  }
0x10e: {  	v5 =	vld [tilespmem:s28+$0x50]  }
0x10f: {  	v6 =	vld [tilespmem:s23+$0xFFFFFFF0]  }
0x110: {  	v7 =	vld [tilespmem:s28+$0x60]  }
0x111: {  	v8 =	vld [tilespmem:s23+$0x0]  }
0x112: {  	v9 =	vld [tilespmem:s28+$0x70]  }
0x113: {  	v10 =	vld [tilespmem:s23+$0xFFFFFF10]  }
0x114: {  	v11 =	vld [tilespmem:s28+$0xFFFFFF80]  }
0x115: {  	v49 =	vld [tilespmem:s23+$0xFFFFFF50]  }
0x116: {  	v50 =	vld [tilespmem:s23+$0xFFFFFF90];
	v2 =	vmul.f32 v3, v2  }
0x117: {  	v51 =	vld [tilespmem:s23+$0xFFFFFF20]  }
0x118: {  	v52 =	vld [tilespmem:s23+$0xFFFFFF30];
	v4 =	vmul.f32 v5, v4;
	v2 =	vadd.f32 $0.0e+00, v2  }
0x119: {  	v53 =	vld [tilespmem:s28+$0xFFFFFFA0]  }
0x11a: {  	v54 =	vld [tilespmem:s23+$0xFFFFFF70];
	v2 =	vadd.f32 v4, v2;
	v4 =	vmul.f32 v7, v6  }
0x11b: {  	v55 =	vld [tilespmem:s28+$0xFFFFFFE0]  }
0x11c: {  	v3 =	vld [tilespmem:s28+$0xFFFFFFC0];
	v2 =	vadd.f32 v4, v2;
	v4 =	vmul.f32 v9, v8  }
0x11d: {  	v5 =	vld [tilespmem:s28+$0x0]  }
0x11e: {  	v7 =	vld [tilespmem:s23+$0xFFFFFF60];
	v2 =	vadd.f32 v4, v2  }
0x11f: {  	v8 =	vld [tilespmem:s28+$0xFFFFFFD0]  }
0x120: {  	v9 =	vld [tilespmem:s23+$0xFFFFFFA0];
	(xrf2) =	vadd.scan.msk.f32 $0xffff, v2  }
0x121: {  	v4 =	vld [tilespmem:s28+$0x10]  }
0x122: {  	v6 =	vld [tilespmem:s28+$0xFFFFFF90]  }
0x123: {  	v56 =	vld [tilespmem:s23+$0xFFFFFFB0]  }
0x124: {  	v57 =	vld [tilespmem:s28+$0x20];
	v3 =	vmul.f32 v3, v49  }
0x125: {  	s29 =	simm.s32 $0x3;
	v58 =	vld [tilespmem:s28+$0xFFFFFFB0];
	v5 =	vmul.f32 v5, v50;
	v2 =	vmul.f32 v11, v10  }
0x126: {  	v10 =	vld [tilespmem:s23+$0xFFFFFF40];
	v11 =	vmov s29;
	v7 =	vmul.f32 v8, v7;
	v8 =	vmul.f32 v4, v9  }
0x127: {  	v60 =	vadd.f32 $0.0e+00, v3;
	v3 =	vld [tilespmem:s28+$0xFFFFFFF0];
	v6 =	vmul.f32 v6, v51;
	v59 =	vadd.f32 $0.0e+00, v2  }
0x128: {  	v5 =	vadd.f32 $0.0e+00, v5;
	v2 =	vld [tilespmem:s23+$0xFFFFFF80]  }
0x129: {  	v62 =	vmul.f32 v55, v54;
	v9 =	vmul.f32 v53, v52;
	v4 =	vld [tilespmem:s23+$0xFFFFFFC0];
	v6 =	vadd.f32 v6, v59  }
0x12a: {  	s15 =	simm.s32 $0x75F0;
	v63 =	vmul.f32 v57, v56;
	v7 =	vadd.f32 v7, v60;
	v61 =	vadd.f32 v8, v5;
	v5 =	vld [tilespmem:s28+$0x30];
	v8, _, _ =	vpop (xrf2)  }
0x12b: {  	s16 =	simm.s32 $0xF580;
	v10 =	vmul.f32 v58, v10;
	[tilespmem:v11+s25+$0x0] =	vst.idx.msk vm0, v8;
	v8 =	vadd.f32 v9, v6;
	v9 =	vld [tilespmem:s15+$0xFFFFFFD0]  }
0x12c: {  	s1 =	simm.s32 $0x0;
	s17 =	simm.s32 $0x8;
	s0 =	simm.s32 $0x4;
	v7 =	vadd.f32 v62, v7;
	v6 =	vadd.f32 v63, v61;
	v11 =	vld [tilespmem:s16+$0x40]  }
.LBB2_4:
0x12d: {  	p0 =	slt.u32 s17, $0x7C;
	v12 =	vld [tilespmem:s15+$0xFFFFFFE0];
	v8 =	vadd.f32 v10, v8;
	v2 =	vmul.f32 v3, v2  }
0x12e: {  	v3 =	vld [tilespmem:s16+$0x50]  }
0x12f: {  	v10 =	vld [tilespmem:s15+$0xFFFFFFF0];
	v2 =	vadd.f32 v2, v7;
	v4 =	vmul.f32 v5, v4;
	(xrf2) =	vadd.scan.msk.f32 $0xffff, v8  }
0x130: {  	v5 =	vld [tilespmem:s16+$0x60]  }
0x131: {  	v7 =	vmul.f32 v11, v9;
	v8 =	vld [tilespmem:s15+$0x0];
	v4 =	vadd.f32 v4, v6  }
0x132: {  	v9 =	vmov s1;
	v6 =	vld [tilespmem:s16+$0x70];
	(xrf2) =	vadd.scan.msk.f32 $0xffff, v2  }
0x133: {  	v9 =	vand.u32 $0xFFFFFFFC, v9;
	v2 =	vld [tilespmem:s15+$0xFFFFFF10];
	v7 =	vadd.f32 $0.0e+00, v7;
	v3 =	vmul.f32 v3, v12  }
0x134: {  	s18 =	sadd.s32 $0x1, s1;
	v9 =	vbroadcast v9, $0x0;
	v11 =	vld [tilespmem:s16+$0xFFFFFF80]  }
0x135: {  	v12 =	vld [tilespmem:s15+$0xFFFFFF50];
	v3 =	vadd.f32 v3, v7;
	v5 =	vmul.f32 v5, v10;
	v7 =	vmov s18;
	(xrf2) =	vadd.scan.msk.f32 $0xffff, v4  }
0x136: {  	v4 =	vld [tilespmem:s16+$0xFFFFFFC0];
	v7 =	vand.u32 $0xFFFFFFFD, v7  }
0x137: {  	s18 =	sadd.s32 $0x2, s1;
	s1 =	smov.u32 s0;
	s0 =	smov.u32 s17;
	v10 =	vld [tilespmem:s15+$0xFFFFFF90];
	v3 =	vadd.f32 v5, v3;
	v5 =	vmul.f32 v6, v8;
	v6 =	vbroadcast v7, $0x0  }
0x138: {  	v13 =	vmov s18;
	v7 =	vld [tilespmem:s16+$0x0]  }
0x139: {  	v2 =	vmul.f32 v11, v2;
	v11 =	vld [tilespmem:s15+$0xFFFFFF20];
	v3 =	vadd.f32 v5, v3;
	v5 =	vand.u32 $0xFFFFFFFE, v13;
	v8, _, _ =	vpop (xrf2)  }
0x13a: {  	v13 =	vld [tilespmem:s16+$0xFFFFFF90];
	[tilespmem:v9+s25+$0x0] =	vst.idx.msk vm0, v8;
	v5 =	vbroadcast v5, $0x0  }
0x13b: {  	v2 =	vadd.f32 $0.0e+00, v2;
	v4 =	vmul.f32 v4, v12;
	v8 =	vld [tilespmem:s15+$0xFFFFFF60];
	(xrf2) =	vadd.scan.msk.f32 $0xffff, v3  }
0x13c: {  	v3 =	vld [tilespmem:s16+$0xFFFFFFD0];
	v9, _, _ =	vpop (xrf2)  }
0x13d: {  	v4 =	vadd.f32 $0.0e+00, v4;
	v7 =	vmul.f32 v7, v10;
	v10 =	vld [tilespmem:s15+$0xFFFFFFA0];
	[tilespmem:v6+s25+$0x0] =	vst.idx.msk vm0, v9  }
0x13e: {  	v6 =	vld [tilespmem:s16+$0x10]  }
0x13f: {  	v9 =	vmul.f32 v13, v11;
	v11 =	vld [tilespmem:s15+$0xFFFFFF30];
	v7 =	vadd.f32 $0.0e+00, v7;
	v12, _, _ =	vpop (xrf2)  }
0x140: {  	s18 =	sadd.s32 $0x3, s1;
	v13 =	vld [tilespmem:s16+$0xFFFFFFA0];
	[tilespmem:v5+s25+$0x0] =	vst.idx.msk vm0, v12  }
0x141: {  	v2 =	vadd.f32 v9, v2;
	v3 =	vmul.f32 v3, v8;
	v5 =	vld [tilespmem:s15+$0xFFFFFF70];
	v8 =	vmov s18  }
0x142: {  	v9 =	vld [tilespmem:s16+$0xFFFFFFE0]  }
0x143: {  	v4 =	vadd.f32 v3, v4;
	v14 =	vmul.f32 v6, v10;
	v6 =	vld [tilespmem:s15+$0xFFFFFFB0]  }
0x144: {  	v10 =	vld [tilespmem:s16+$0x20]  }
0x145: {  	v11 =	vmul.f32 v13, v11;
	v12 =	vld [tilespmem:s15+$0xFFFFFF40];
	v13 =	vadd.f32 v14, v7;
	v3, _, _ =	vpop (xrf2)  }
0x146: {  	v14 =	vld [tilespmem:s16+$0xFFFFFFB0];
	[tilespmem:v8+s25+$0x0] =	vst.idx.msk vm0, v3  }
0x147: {  	v8 =	vadd.f32 v11, v2;
	v5 =	vmul.f32 v9, v5;
	v2 =	vld [tilespmem:s15+$0xFFFFFF80]  }
.Ltmp1:
0x148: {  	v3 =	vld [tilespmem:s16+$0xFFFFFFF0];
	(pc) =	sbr.rel @p0 .LBB2_4-.Ltmp1, $4  }
0x149: {  	v7 =	vadd.f32 v5, v4;
	v6 =	vmul.f32 v10, v6;
	v4 =	vld [tilespmem:s15+$0xFFFFFFC0]  }
0x14a: {  	s15 =	sadd.s32 $0x100, s15;
	v5 =	vld [tilespmem:s16+$0x30]  }
0x14b: {  	s16 =	sadd.s32 $0x100, s16;
	v9 =	vld [tilespmem:s15+$0xFFFFFFD0];
	v10 =	vmul.f32 v14, v12;
	v6 =	vadd.f32 v6, v13  }
0x14c: {  	s17 =	sadd.s32 $0x4, s17;
	v11 =	vld [tilespmem:s16+$0x40]  }
0x14d: {  	v12 =	vld [tilespmem:s15+$0xFFFFFFE0]  }
0x14e: {  	v13 =	vld [tilespmem:s16+$0x50]  }
0x14f: {  	v14 =	vld [tilespmem:s15+$0xFFFFFFF0]  }
0x150: {  	v15 =	vld [tilespmem:s16+$0x60]  }
0x151: {  	v16 =	vld [tilespmem:s15+$0x0]  }
0x152: {  	v17 =	vld [tilespmem:s16+$0x70]  }
0x153: {  	v18 =	vld [tilespmem:s15+$0xFFFFFF10]  }
0x154: {  	v19 =	vld [tilespmem:s16+$0xFFFFFF80]  }
0x155: {  	v20 =	vld [tilespmem:s15+$0xFFFFFF50]  }
0x156: {  	v21 =	vld [tilespmem:s16+$0xFFFFFFC0]  }
0x157: {  	v22 =	vld [tilespmem:s15+$0xFFFFFF90]  }
0x158: {  	v23 =	vld [tilespmem:s16+$0x0]  }
0x159: {  	v24 =	vld [tilespmem:s15+$0xFFFFFF20]  }
0x15a: {  	v25 =	vld [tilespmem:s16+$0xFFFFFF90]  }
0x15b: {  	v26 =	vld [tilespmem:s15+$0xFFFFFF60]  }
0x15c: {  	v27 =	vld [tilespmem:s16+$0xFFFFFFD0]  }
0x15d: {  	v28 =	vld [tilespmem:s15+$0xFFFFFFA0]  }
0x15e: {  	v29 =	vld [tilespmem:s16+$0x10]  }
0x15f: {  	v30 =	vld [tilespmem:s15+$0xFFFFFF30]  }
0x160: {  	v31 =	vld [tilespmem:s16+$0xFFFFFFA0]  }
0x161: {  	v32 =	vld [tilespmem:s15+$0xFFFFFF70]  }
0x162: {  	v33 =	vld [tilespmem:s15+$0xFFFFFFB0]  }
0x163: {  	v44 =	vld [tilespmem:s16+$0x20];
	v9 =	vmul.f32 v11, v9  }
0x164: {  	v2 =	vmul.f32 v3, v2;
	v3 =	vld [tilespmem:s15+$0xFFFFFF40]  }
0x165: {  	v8 =	vadd.f32 v10, v8;
	v10 =	vld [tilespmem:s16+$0xFFFFFFB0];
	v12 =	vmul.f32 v13, v12;
	v9 =	vadd.f32 $0.0e+00, v9  }
0x166: {  	v46 =	vld [tilespmem:s15+$0xFFFFFF80];
	v4 =	vmul.f32 v5, v4;
	v2 =	vadd.f32 v2, v7;
	v7 =	vmul.f32 v19, v18  }
0x167: {  	v11 =	vld [tilespmem:s16+$0xFFFFFFE0];
	v45 =	vmul.f32 v21, v20;
	v5 =	vadd.f32 v12, v9;
	v9 =	vmul.f32 v15, v14  }
0x168: {  	v48 =	vld [tilespmem:s15+$0xFFFFFFC0];
	v4 =	vadd.f32 v4, v6;
	v6 =	vmul.f32 v23, v22;
	v47 =	vmul.f32 v25, v24  }
0x169: {  	v49 =	vmul.f32 v27, v26;
	v7 =	vadd.f32 $0.0e+00, v7;
	v5 =	vadd.f32 v9, v5;
	v9 =	vld [tilespmem:s16+$0xFFFFFFF0]  }
0x16a: {  	v51 =	vld [tilespmem:s16+$0x30];
	v50 =	vmul.f32 v29, v28;
	v16 =	vmul.f32 v17, v16;
	v12 =	vadd.f32 $0.0e+00, v45  }
0x16b: {  	v52 =	vmul.f32 v31, v30;
	v6 =	vadd.f32 $0.0e+00, v6;
	v7 =	vadd.f32 v47, v7  }
0x16c: {  	(xrf2) =	vadd.scan.msk.f32 $0xffff, v8;
	v8 =	vmul.f32 v44, v33;
	v11 =	vmul.f32 v11, v32;
	v12 =	vadd.f32 v49, v12  }
0x16d: {  	v3 =	vmul.f32 v10, v3;
	v6 =	vadd.f32 v50, v6;
	v7 =	vadd.f32 v52, v7  }
0x16e: {  	(xrf2) =	vadd.scan.msk.f32 $0xffff, v2;
	v2 =	vadd.f32 v16, v5;
	v5 =	vadd.f32 v11, v12;
	v9 =	vmul.f32 v9, v46  }
0x16f: {  	(xrf2) =	vadd.scan.msk.f32 $0xffff, v4;
	v4 =	vadd.f32 v8, v6;
	v6 =	vmul.f32 v51, v48;
	v3 =	vadd.f32 v3, v7  }
0x170: {  	s16 =	sadd.s32 $0x1, s1;
	v7 =	vmov s1;
	(xrf2) =	vadd.scan.msk.f32 $0xffff, v2;
	v2 =	vadd.f32 v9, v5  }
0x171: {  	s17 =	sadd.s32 $0x2, s1;
	(xrf2) =	vadd.scan.msk.f32 $0xffff, v3;
	v3 =	vadd.f32 v6, v4;
	v5 =	vand.u32 $0xFFFFFFFC, v7;
	v7 =	vmov s16  }
0x172: {  	v6 =	vmov s17;
	v4 =	vbroadcast v5, $0x0;
	v5 =	vand.u32 $0xFFFFFFFD, v7;
	(xrf2) =	vadd.scan.msk.f32 $0xffff, v2  }
0x173: {  	s21 =	sadd.s32 $0x2, s0;
	v2 =	vbroadcast v5, $0x0;
	v5 =	vand.u32 $0xFFFFFFFE, v6;
	(xrf2) =	vadd.scan.msk.f32 $0xffff, v3  }
0x174: {  	s19 =	sadd.s32 $0x1, s0;
	v8 =	vmov s21;
	v3 =	vbroadcast v5, $0x0;
	v5 =	vmov s0  }
0x175: {  	s18 =	sadd.s32 $0x3, s0;
	v8 =	vand.u32 $0xFFFFFFFE, v8;
	v7 =	vmov s19;
	v5 =	vand.u32 $0xFFFFFFFC, v5  }
0x176: {  	v6 =	vmov s18;
	v7 =	vand.u32 $0xFFFFFFFD, v7;
	v5 =	vbroadcast v5, $0x0  }
0x177: {  	v9, _, _ =	vpop (xrf2);
	v7 =	vbroadcast v7, $0x0  }
0x178: {  	v10, _, _ =	vpop (xrf2);
	[tilespmem:v4+s25+$0x0] =	vst.idx.msk vm0, v9;
	v4 =	vbroadcast v8, $0x0  }
0x179: {  	v8, _, _ =	vpop (xrf2);
	[tilespmem:v2+s25+$0x0] =	vst.idx.msk vm0, v10  }
0x17a: {  	v2, _, _ =	vpop (xrf2);
	[tilespmem:v3+s25+$0x0] =	vst.idx.msk vm0, v8  }
0x17b: {  	[tilespmem:v6+s25+$0x0] =	vst.idx.msk vm0, v2;
	v2, _, _ =	vpop (xrf2)  }
0x17c: {  	[tilespmem:v5+s25+$0x0] =	vst.idx.msk vm0, v2;
	v2, _, _ =	vpop (xrf2)  }
0x17d: {  	[tilespmem:v7+s25+$0x0] =	vst.idx.msk vm0, v2;
	v2, _, _ =	vpop (xrf2)  }
0x17e: {  	[tilespmem:v4+s25+$0x0] =	vst.idx.msk vm0, v2  }
0x17f: {  	v2 =	vld [tilespmem:$0x11400];
	_ =	sdelay $0x4  }
0x180: {  	v3 =	vand.u32 $0x7FFFFFFF, v2  }
0x181: {  	v3 =	vsub.f32 $0.0e+00, v3;
	_ =	sdelay $0x1  }
0x182: {  	v3 =	vmul.f32 $1.442695020e+00, v3;
	_ =	sdelay $0x1  }
0x183: {  	(erf) = vpow2.f32 v3;
	_ =	sdelay $0x2  }
0x184: {  	v3 =	vld [tilespmem:$0x11410];
	_ =	sdelay $0x4  }
0x185: {  	v4 =	vand.u32 $0x7FFFFFFF, v3  }
0x186: {  	v4 =	vsub.f32 $0.0e+00, v4;
	v5 =	vpop (erf)  }
0x187: {  	v6 =	vadd.f32 $2.000000000e+00, v5  }
0x188: {  	v4 =	vmul.f32 $1.442695020e+00, v4  }
0x189: {  	(erf) = vrcp.f32 v6  }
0x18a: {  	(erf) = vpow2.f32 v4;
	_ =	sdelay $0x2  }
0x18b: {  	v4 =	vld [tilespmem:$0x11420];
	_ =	sdelay $0x4  }
0x18c: {  	v7 =	vand.u32 $0x7FFFFFFF, v4;
	v6 =	vpop (erf)  }
0x18d: {  	v7 =	vsub.f32 $0.0e+00, v7;
	v8 =	vpop (erf)  }
0x18e: {  	v9 =	vadd.f32 $2.000000000e+00, v8  }
0x18f: {  	v7 =	vmul.f32 $1.442695020e+00, v7  }
0x190: {  	(erf) = vrcp.f32 v9  }
0x191: {  	(erf) = vpow2.f32 v7;
	_ =	sdelay $0x2  }
0x192: {  	v7 =	vld [tilespmem:$0x11430];
	_ =	sdelay $0x4  }
0x193: {  	v10 =	vand.u32 $0x7FFFFFFF, v7;
	v9 =	vpop (erf)  }
0x194: {  	v10 =	vsub.f32 $0.0e+00, v10;
	v11 =	vpop (erf)  }
0x195: {  	v53 =	vadd.f32 $2.000000000e+00, v11  }
0x196: {  	v10 =	vmul.f32 $1.442695020e+00, v10  }
0x197: {  	(erf) = vrcp.f32 v53  }
0x198: {  	(erf) = vpow2.f32 v10;
	_ =	sdelay $0x2  }
0x199: {  	v10 =	vld [tilespmem:$0x11440];
	_ =	sdelay $0x4  }
0x19a: {  	v54 =	vand.u32 $0x7FFFFFFF, v10;
	v12 =	vpop (erf)  }
0x19b: {  	v13 =	vsub.f32 $0.0e+00, v54;
	v55 =	vpop (erf)  }
0x19c: {  	v56 =	vadd.f32 $2.000000000e+00, v55  }
0x19d: {  	v13 =	vmul.f32 $1.442695020e+00, v13  }
0x19e: {  	(erf) = vrcp.f32 v56  }
0x19f: {  	(erf) = vpow2.f32 v13;
	_ =	sdelay $0x2  }
0x1a0: {  	v57 =	vld [tilespmem:$0x11450];
	_ =	sdelay $0x4  }
0x1a1: {  	v58 =	vand.u32 $0x7FFFFFFF, v57;
	v15 =	vpop (erf)  }
0x1a2: {  	v16 =	vsub.f32 $0.0e+00, v58;
	v59 =	vpop (erf)  }
0x1a3: {  	v60 =	vadd.f32 $2.000000000e+00, v59  }
0x1a4: {  	v16 =	vmul.f32 $1.442695020e+00, v16  }
0x1a5: {  	(erf) = vrcp.f32 v60  }
0x1a6: {  	(erf) = vpow2.f32 v16;
	_ =	sdelay $0x2  }
0x1a7: {  	v61 =	vld [tilespmem:$0x11460];
	_ =	sdelay $0x4  }
0x1a8: {  	v62 =	vand.u32 $0x7FFFFFFF, v61;
	v18 =	vpop (erf)  }
0x1a9: {  	v19 =	vsub.f32 $0.0e+00, v62;
	v63 =	vpop (erf)  }
0x1aa: {  	v27 =	vadd.f32 $2.000000000e+00, v63  }
0x1ab: {  	v19 =	vmul.f32 $1.442695020e+00, v19  }
0x1ac: {  	(erf) = vrcp.f32 v27  }
0x1ad: {  	(erf) = vpow2.f32 v19;
	_ =	sdelay $0x2  }
0x1ae: {  	v28 =	vld [tilespmem:$0x11470];
	_ =	sdelay $0x4  }
0x1af: {  	v29 =	vand.u32 $0x7FFFFFFF, v28;
	v21 =	vpop (erf)  }
0x1b0: {  	v22 =	vsub.f32 $0.0e+00, v29;
	v30 =	vpop (erf)  }
0x1b1: {  	v5 =	vmul.f32 v6, v5;
	v6 =	vadd.f32 $2.000000000e+00, v30  }
0x1b2: {  	v22 =	vmul.f32 $1.442695020e+00, v22  }
0x1b3: {  	(erf) = vrcp.f32 v6  }
0x1b4: {  	v31 =	vmul.f32 v5, v5;
	(erf) = vpow2.f32 v22;
	_ =	sdelay $0x1  }
0x1b5: {  	v8 =	vmul.f32 v9, v8;
	v6 =	vmul.f32 $2.857142980e-01, v31  }
0x1b6: {  	v9 =	vmul.f32 v12, v11  }
0x1b7: {  	v11 =	vmul.f32 v8, v8;
	v6 =	vadd.f32 $4.000000060e-01, v6  }
0x1b8: {  	v12 =	vmul.f32 v9, v9  }
0x1b9: {  	v32 =	vmul.f32 $2.857142980e-01, v11;
	v6 =	vmul.f32 v6, v31  }
0x1ba: {  	v33 =	vmul.f32 $2.857142980e-01, v12  }
0x1bb: {  	v22 =	vadd.f32 $4.000000060e-01, v32;
	v6 =	vadd.f32 $6.666666860e-01, v6;
	v34 =	vpop (erf)  }
0x1bc: {  	v35 =	vadd.f32 $4.000000060e-01, v33;
	v36 =	vpop (erf)  }
0x1bd: {  	v22 =	vmul.f32 v22, v11;
	v6 =	vmul.f32 v6, v31;
	v37 =	vadd.f32 $2.000000000e+00, v36  }
0x1be: {  	v24 =	vmul.f32 v35, v12;
	v14 =	vmul.f32 v15, v55  }
0x1bf: {  	v22 =	vadd.f32 $6.666666860e-01, v22;
	v6 =	vadd.f32 $2.000000000e+00, v6;
	(erf) = vrcp.f32 v37  }
0x1c0: {  	v38 =	vmul.f32 v14, v14;
	v41 =	vmul.f32 v18, v59  }
0x1c1: {  	v11 =	vmul.f32 v22, v11;
	v5 =	vmul.f32 v6, v5;
	v6 =	vadd.f32 $6.666666860e-01, v24  }
0x1c2: {  	v2 =	vmin.f32 v2, $0.0e+00;
	v40 =	vmul.f32 $2.857142980e-01, v38  }
0x1c3: {  	v39 =	vld [tilespmem:$0x11480];
	v18 =	vmul.f32 v41, v41;
	v11 =	vadd.f32 $2.000000000e+00, v11;
	v6 =	vmul.f32 v6, v12  }
0x1c4: {  	v42 =	vadd.f32 $4.000000060e-01, v40;
	v2 =	vsub.f32 v2, v5;
	v5 =	vmul.f32 v21, v63  }
0x1c5: {  	v43 =	vmul.f32 $2.857142980e-01, v18;
	v8 =	vmul.f32 v11, v8;
	v6 =	vadd.f32 $2.000000000e+00, v6  }
0x1c6: {  	v3 =	vmin.f32 v3, $0.0e+00;
	v11 =	vmul.f32 v42, v38;
	v20 =	vmul.f32 v5, v5  }
0x1c7: {  	v17 =	vadd.f32 $4.000000060e-01, v43;
	v6 =	vmul.f32 v6, v9;
	v9 =	vmul.f32 v34, v30  }
0x1c8: {  	v3 =	vsub.f32 v3, v8;
	v2 =	vadd.f32 v2, v39;
	v44 =	vmul.f32 $2.857142980e-01, v20;
	v45 =	vpop (erf)  }
0x1c9: {  	v4 =	vmin.f32 v4, $0.0e+00;
	v46 =	vmul.f32 v9, v9;
	v8 =	vmul.f32 v45, v36  }
0x1ca: {  	v47 =	vmul.f32 v17, v18;
	v11 =	vadd.f32 $6.666666860e-01, v11;
	v2 =	vadd.f32 v3, v2  }
0x1cb: {  	v48 =	vadd.f32 $4.000000060e-01, v44;
	v3 =	vmul.f32 $2.857142980e-01, v46;
	v49 =	vmul.f32 v8, v8  }
0x1cc: {  	v15 =	vadd.f32 $6.666666860e-01, v47;
	v11 =	vmul.f32 v11, v38;
	v4 =	vsub.f32 v4, v6  }
0x1cd: {  	v17 =	vmul.f32 v48, v20;
	v3 =	vadd.f32 $4.000000060e-01, v3;
	v6 =	vmul.f32 $2.857142980e-01, v49  }
0x1ce: {  	v15 =	vmul.f32 v15, v18;
	v11 =	vadd.f32 $2.000000000e+00, v11;
	v2 =	vadd.f32 v4, v2  }
0x1cf: {  	v17 =	vadd.f32 $6.666666860e-01, v17;
	v3 =	vmul.f32 v3, v46;
	v4 =	vadd.f32 $4.000000060e-01, v6  }
0x1d0: {  	v7 =	vmin.f32 v7, $0.0e+00;
	v50 =	vadd.f32 $2.000000000e+00, v15;
	v6 =	vmul.f32 v11, v14  }
0x1d1: {  	v3 =	vadd.f32 $6.666666860e-01, v3;
	v11 =	vmul.f32 v17, v20;
	v4 =	vmul.f32 v4, v49  }
0x1d2: {  	v10 =	vmin.f32 v10, $0.0e+00;
	v6 =	vsub.f32 v7, v6;
	v7 =	vmul.f32 v50, v41  }
0x1d3: {  	v3 =	vmul.f32 v3, v46;
	v11 =	vadd.f32 $2.000000000e+00, v11;
	v4 =	vadd.f32 $6.666666860e-01, v4  }
0x1d4: {  	v2 =	vadd.f32 v6, v2;
	v6 =	vsub.f32 v10, v7  }
0x1d5: {  	v3 =	vadd.f32 $2.000000000e+00, v3;
	v5 =	vmul.f32 v11, v5;
	v4 =	vmul.f32 v4, v49  }
0x1d6: {  	v2 =	vadd.f32 v6, v2;
	v6 =	vmin.f32 v57, $0.0e+00  }
0x1d7: {  	v3 =	vmul.f32 v3, v9;
	v5 =	vsub.f32 v6, v5;
	v4 =	vadd.f32 $2.000000000e+00, v4  }
0x1d8: {  	v6 =	vmin.f32 v61, $0.0e+00  }
0x1d9: {  	v3 =	vsub.f32 v6, v3;
	v2 =	vadd.f32 v5, v2;
	v4 =	vmul.f32 v4, v8  }
0x1da: {  	v5 =	vmin.f32 v28, $0.0e+00  }
0x1db: {  	v2 =	vadd.f32 v3, v2;
	v3 =	vsub.f32 v5, v4;
	_ =	sdelay $0x1  }
0x1dc: {  	v2 =	vadd.f32 v3, v2;
	_ =	sdelay $0x1  }
0x1dd: {  	[tilespmem:$0x11480] =	vst v2  }
0x1de: {  	_ =	swait.ge [sflag:s20], $0x2000  }
0x1df: {  	[sflag:s20] =	ssyncset.done $0x0  }
0x1e0: {  	s23 =	simm.s32 $0x380;
	s28 =	simm.s32 $0x0;
	[sflag:s20] =	ssyncadd.s32 $0xFFFFE000  }
0x1e1: {  	[tilespmem:s24], [sflag:$0x2] =	stream.indirect.gather [hbm4b:s4+s13], $0x40, s23, s13, $0xb8;
	[tilespmem:$0x11490] =	vst v63  }
0x1e2: {  	v2 =	vld [tilespmem:s28+$0x94C0]  }
0x1e3: {  	v3 =	vld [tilespmem:s28+$0xD4C0]  }
0x1e4: {  	v4 =	vld [tilespmem:s28+$0x94D0]  }
0x1e5: {  	v5 =	vld [tilespmem:s28+$0xD4D0]  }
0x1e6: {  	v6 =	vld [tilespmem:s28+$0x94E0]  }
0x1e7: {  	v7 =	vld [tilespmem:s28+$0xD4E0]  }
0x1e8: {  	v8 =	vld [tilespmem:s28+$0x94F0]  }
0x1e9: {  	v9 =	vld [tilespmem:s28+$0xD4F0]  }
0x1ea: {  	v10 =	vld [tilespmem:s28+$0x9400]  }
0x1eb: {  	v11 =	vld [tilespmem:s28+$0xD400]  }
0x1ec: {  	v51 =	vld [tilespmem:s28+$0xD440]  }
0x1ed: {  	v52 =	vld [tilespmem:s28+$0xD480]  }
0x1ee: {  	v53 =	vld [tilespmem:s28+$0xD490];
	v2 =	vmul.f32 v3, v2  }
0x1ef: {  	v54 =	vld [tilespmem:s28+$0x9420]  }
0x1f0: {  	v55 =	vld [tilespmem:s28+$0xD420];
	v4 =	vmul.f32 v5, v4;
	v2 =	vadd.f32 $0.0e+00, v2  }
0x1f1: {  	v56 =	vld [tilespmem:s28+$0x9460]  }
0x1f2: {  	v57 =	vld [tilespmem:s28+$0xD460];
	v2 =	vadd.f32 v4, v2;
	v4 =	vmul.f32 v7, v6  }
0x1f3: {  	v58 =	vld [tilespmem:s28+$0x94A0]  }
0x1f4: {  	v3 =	vld [tilespmem:s28+$0x9440];
	v2 =	vadd.f32 v4, v2;
	v4 =	vmul.f32 v9, v8  }
0x1f5: {  	v5 =	vld [tilespmem:s28+$0x9480]  }
0x1f6: {  	v6 =	vld [tilespmem:s28+$0x9410];
	v2 =	vadd.f32 v4, v2  }
0x1f7: {  	v7 =	vld [tilespmem:s28+$0xD410]  }
0x1f8: {  	v8 =	vld [tilespmem:s28+$0x9450];
	(xrf2) =	vadd.scan.msk.f32 $0xffff, v2  }
0x1f9: {  	v9 =	vld [tilespmem:s28+$0xD450]  }
0x1fa: {  	v4 =	vld [tilespmem:s28+$0x9490]  }
0x1fb: {  	v60 =	vld [tilespmem:s28+$0xD430];
	v3 =	vmul.f32 v51, v3  }
0x1fc: {  	v2 =	vmul.f32 v11, v10;
	v10 =	vld [tilespmem:s28+$0xD4A0]  }
0x1fd: {  	s29 =	simm.s32 $0x3;
	v5 =	vmul.f32 v52, v5;
	v3 =	vadd.f32 $0.0e+00, v3;
	v6 =	vmul.f32 v7, v6;
	v11 =	vld [tilespmem:s28+$0x9430]  }
0x1fe: {  	v7 =	vmov s29;
	v8 =	vmul.f32 v9, v8;
	v59 =	vadd.f32 $0.0e+00, v2  }
0x1ff: {  	v5 =	vadd.f32 $0.0e+00, v5;
	v2 =	vld [tilespmem:s28+$0x9470];
	v4 =	vmul.f32 v53, v4  }
0x200: {  	v9 =	vadd.f32 v8, v3;
	v8 =	vmul.f32 v55, v54;
	v3 =	vld [tilespmem:s28+$0xD470];
	v6 =	vadd.f32 v6, v59  }
0x201: {  	v61 =	vadd.f32 v4, v5;
	v5 =	vmul.f32 v57, v56;
	v63 =	vmul.f32 v10, v58;
	v4 =	vld [tilespmem:s28+$0x94B0]  }
0x202: {  	s15 =	simm.s32 $0x100;
	s1 =	simm.s32 $0x0;
	v10 =	vmul.f32 v60, v11;
	v6 =	vadd.f32 v8, v6;
	v8 =	vld [tilespmem:s28+$0xD4B0];
	v62, _, _ =	vpop (xrf2)  }
0x203: {  	s17 =	simm.s32 $0x8;
	s16 =	simm.s32 $0x400;
	s0 =	simm.s32 $0x4;
	v5 =	vadd.f32 v5, v9;
	v9 =	vld [tilespmem:s15+$0x94C0];
	[tilespmem:v7+s25+$0x0] =	vst.idx.msk vm0, v62;
	v7 =	vadd.f32 v63, v61  }
.LBB2_6:
0x204: {  	p0 =	slt.u32 s17, $0x7C;
	v11 =	vld [tilespmem:s15+$0xD4C0]  }
0x205: {  	v12 =	vld [tilespmem:s15+$0x94D0];
	v6 =	vadd.f32 v10, v6;
	v2 =	vmul.f32 v3, v2  }
0x206: {  	v3 =	vld [tilespmem:s15+$0xD4D0]  }
0x207: {  	v10 =	vld [tilespmem:s15+$0x94E0];
	v2 =	vadd.f32 v2, v5;
	v4 =	vmul.f32 v8, v4;
	(xrf2) =	vadd.scan.msk.f32 $0xffff, v6  }
0x208: {  	v5 =	vld [tilespmem:s15+$0xD4E0]  }
0x209: {  	v6 =	vmul.f32 v11, v9;
	v8 =	vld [tilespmem:s15+$0x94F0];
	v4 =	vadd.f32 v4, v7  }
0x20a: {  	v9 =	vmov s1;
	v7 =	vld [tilespmem:s15+$0xD4F0];
	(xrf2) =	vadd.scan.msk.f32 $0xffff, v2  }
0x20b: {  	v9 =	vand.u32 $0xFFFFFFFC, v9;
	v2 =	vld [tilespmem:s15+$0x9400];
	v6 =	vadd.f32 $0.0e+00, v6;
	v3 =	vmul.f32 v3, v12  }
0x20c: {  	s18 =	sadd.s32 $0x1, s1;
	v9 =	vbroadcast v9, $0x0;
	v11 =	vld [tilespmem:s15+$0xD400]  }
0x20d: {  	v12 =	vld [tilespmem:s15+$0x9440];
	v3 =	vadd.f32 v3, v6;
	v5 =	vmul.f32 v5, v10;
	v6 =	vmov s18;
	(xrf2) =	vadd.scan.msk.f32 $0xffff, v4  }
0x20e: {  	v4 =	vld [tilespmem:s15+$0xD440];
	v6 =	vand.u32 $0xFFFFFFFD, v6  }
0x20f: {  	s18 =	sadd.s32 $0x2, s1;
	s1 =	smov.u32 s0;
	s0 =	smov.u32 s17;
	v10 =	vld [tilespmem:s15+$0x9480];
	v3 =	vadd.f32 v5, v3;
	v5 =	vmul.f32 v7, v8;
	v6 =	vbroadcast v6, $0x0  }
0x210: {  	v13 =	vmov s18;
	v7 =	vld [tilespmem:s15+$0xD480]  }
0x211: {  	v2 =	vmul.f32 v11, v2;
	v11 =	vld [tilespmem:s15+$0x9410];
	v3 =	vadd.f32 v5, v3;
	v5 =	vand.u32 $0xFFFFFFFE, v13;
	v8, _, _ =	vpop (xrf2)  }
0x212: {  	v13 =	vld [tilespmem:s15+$0xD410];
	[tilespmem:v9+s25+$0x0] =	vst.idx.msk vm0, v8;
	v5 =	vbroadcast v5, $0x0  }
0x213: {  	v2 =	vadd.f32 $0.0e+00, v2;
	v4 =	vmul.f32 v4, v12;
	v8 =	vld [tilespmem:s15+$0x9450];
	(xrf2) =	vadd.scan.msk.f32 $0xffff, v3  }
0x214: {  	v3 =	vld [tilespmem:s15+$0xD450];
	v9, _, _ =	vpop (xrf2)  }
0x215: {  	v4 =	vadd.f32 $0.0e+00, v4;
	v7 =	vmul.f32 v7, v10;
	v10 =	vld [tilespmem:s15+$0x9490];
	[tilespmem:v6+s25+$0x0] =	vst.idx.msk vm0, v9  }
0x216: {  	v6 =	vld [tilespmem:s15+$0xD490]  }
0x217: {  	v9 =	vmul.f32 v13, v11;
	v11 =	vld [tilespmem:s15+$0x9420];
	v7 =	vadd.f32 $0.0e+00, v7;
	v12, _, _ =	vpop (xrf2)  }
0x218: {  	s18 =	sadd.s32 $0x3, s1;
	v13 =	vld [tilespmem:s15+$0xD420];
	[tilespmem:v5+s25+$0x0] =	vst.idx.msk vm0, v12  }
0x219: {  	v2 =	vadd.f32 v9, v2;
	v3 =	vmul.f32 v3, v8;
	v5 =	vld [tilespmem:s15+$0x9460];
	v8 =	vmov s18  }
0x21a: {  	v9 =	vld [tilespmem:s15+$0xD460]  }
0x21b: {  	v4 =	vadd.f32 v3, v4;
	v14 =	vmul.f32 v6, v10;
	v10 =	vld [tilespmem:s15+$0x94A0]  }
0x21c: {  	v12 =	vld [tilespmem:s15+$0xD4A0]  }
0x21d: {  	v6 =	vmul.f32 v13, v11;
	v11 =	vld [tilespmem:s15+$0x9430];
	v7 =	vadd.f32 v14, v7;
	v3, _, _ =	vpop (xrf2)  }
0x21e: {  	v13 =	vld [tilespmem:s15+$0xD430];
	[tilespmem:v8+s25+$0x0] =	vst.idx.msk vm0, v3  }
.Ltmp2:
0x21f: {  	v6 =	vadd.f32 v6, v2;
	v5 =	vmul.f32 v9, v5;
	v2 =	vld [tilespmem:s15+$0x9470];
	(pc) =	sbr.rel @p0 .LBB2_6-.Ltmp2, $4  }
0x220: {  	v3 =	vld [tilespmem:s15+$0xD470]  }
0x221: {  	s16 =	sadd.s32 $0x400, s16;
	v5 =	vadd.f32 v5, v4;
	v12 =	vmul.f32 v12, v10;
	v4 =	vld [tilespmem:s15+$0x94B0]  }
0x222: {  	v8 =	vld [tilespmem:s15+$0xD4B0];
	s15 =	sshra.s32 s16, $0x2  }
0x223: {  	s17 =	sadd.s32 $0x4, s17;
	v9 =	vld [tilespmem:s15+$0x94C0];
	v10 =	vmul.f32 v13, v11;
	v7 =	vadd.f32 v12, v7  }
0x224: {  	v11 =	vld [tilespmem:s15+$0xD4C0]  }
0x225: {  	v12 =	vld [tilespmem:s15+$0x94D0]  }
0x226: {  	v13 =	vld [tilespmem:s15+$0xD4D0]  }
0x227: {  	v14 =	vld [tilespmem:s15+$0x94E0]  }
0x228: {  	v15 =	vld [tilespmem:s15+$0xD4E0]  }
0x229: {  	v16 =	vld [tilespmem:s15+$0x94F0]  }
0x22a: {  	v17 =	vld [tilespmem:s15+$0xD4F0]  }
0x22b: {  	v18 =	vld [tilespmem:s15+$0x9400]  }
0x22c: {  	v19 =	vld [tilespmem:s15+$0xD400]  }
0x22d: {  	v20 =	vld [tilespmem:s15+$0x9440]  }
0x22e: {  	v21 =	vld [tilespmem:s15+$0xD440]  }
0x22f: {  	v22 =	vld [tilespmem:s15+$0x9480]  }
0x230: {  	v23 =	vld [tilespmem:s15+$0xD480]  }
0x231: {  	v24 =	vld [tilespmem:s15+$0x9410]  }
0x232: {  	v25 =	vld [tilespmem:s15+$0xD410]  }
0x233: {  	v26 =	vld [tilespmem:s15+$0x9450]  }
0x234: {  	v27 =	vld [tilespmem:s15+$0xD450]  }
0x235: {  	v28 =	vld [tilespmem:s15+$0x9490]  }
0x236: {  	v29 =	vld [tilespmem:s15+$0xD490]  }
0x237: {  	v30 =	vld [tilespmem:s15+$0x9420]  }
0x238: {  	v31 =	vld [tilespmem:s15+$0xD420]  }
0x239: {  	v32 =	vld [tilespmem:s15+$0x9460]  }
0x23a: {  	v33 =	vld [tilespmem:s15+$0x94A0]  }
0x23b: {  	v44 =	vld [tilespmem:s15+$0xD4A0];
	v9 =	vmul.f32 v11, v9  }
0x23c: {  	v46 =	vld [tilespmem:s15+$0x9470];
	v2 =	vmul.f32 v3, v2  }
0x23d: {  	v48 =	vld [tilespmem:s15+$0x94B0];
	v6 =	vadd.f32 v10, v6;
	v12 =	vmul.f32 v13, v12;
	v9 =	vadd.f32 $0.0e+00, v9  }
0x23e: {  	v3 =	vld [tilespmem:s15+$0x9430];
	v4 =	vmul.f32 v8, v4;
	v2 =	vadd.f32 v2, v5;
	v5 =	vmul.f32 v19, v18  }
0x23f: {  	v11 =	vld [tilespmem:s15+$0xD460];
	v45 =	vmul.f32 v21, v20;
	v8 =	vadd.f32 v12, v9;
	v9 =	vmul.f32 v15, v14  }
0x240: {  	v10 =	vld [tilespmem:s15+$0xD430];
	v4 =	vadd.f32 v4, v7;
	v47 =	vmul.f32 v25, v24;
	v49 =	vmul.f32 v27, v26  }
0x241: {  	v5 =	vadd.f32 $0.0e+00, v5;
	v7 =	vadd.f32 v9, v8;
	v8 =	vmul.f32 v23, v22;
	v9 =	vld [tilespmem:s15+$0xD470]  }
0x242: {  	v51 =	vld [tilespmem:s15+$0xD4B0];
	v50 =	vmul.f32 v29, v28;
	v16 =	vmul.f32 v17, v16;
	v12 =	vadd.f32 $0.0e+00, v45  }
0x243: {  	v52 =	vmul.f32 v31, v30;
	v5 =	vadd.f32 v47, v5;
	v8 =	vadd.f32 $0.0e+00, v8  }
0x244: {  	(xrf2) =	vadd.scan.msk.f32 $0xffff, v6;
	v6 =	vmul.f32 v44, v33;
	v11 =	vmul.f32 v11, v32;
	v12 =	vadd.f32 v49, v12  }
0x245: {  	v3 =	vmul.f32 v10, v3;
	v5 =	vadd.f32 v52, v5;
	v8 =	vadd.f32 v50, v8  }
0x246: {  	(xrf2) =	vadd.scan.msk.f32 $0xffff, v2;
	v2 =	vadd.f32 v16, v7;
	v7 =	vadd.f32 v11, v12;
	v9 =	vmul.f32 v9, v46  }
0x247: {  	(xrf2) =	vadd.scan.msk.f32 $0xffff, v4;
	v3 =	vadd.f32 v3, v5;
	v5 =	vmul.f32 v51, v48;
	v4 =	vadd.f32 v6, v8  }
0x248: {  	s17 =	sadd.s32 $0x1, s1;
	(xrf2) =	vadd.scan.msk.f32 $0xffff, v2;
	v6 =	vmov s1;
	v2 =	vadd.f32 v9, v7  }
0x249: {  	s18 =	sadd.s32 $0x2, s1;
	(xrf2) =	vadd.scan.msk.f32 $0xffff, v3;
	v6 =	vand.u32 $0xFFFFFFFC, v6;
	v7 =	vmov s17;
	v3 =	vadd.f32 v5, v4  }
0x24a: {  	v4 =	vbroadcast v6, $0x0;
	v5 =	vand.u32 $0xFFFFFFFD, v7;
	v6 =	vmov s18;
	(xrf2) =	vadd.scan.msk.f32 $0xffff, v2  }
0x24b: {  	s23 =	sadd.s32 $0x2, s0;
	v2 =	vbroadcast v5, $0x0;
	v5 =	vand.u32 $0xFFFFFFFE, v6;
	(xrf2) =	vadd.scan.msk.f32 $0xffff, v3  }
0x24c: {  	s21 =	sadd.s32 $0x1, s0;
	v8 =	vmov s23;
	v3 =	vbroadcast v5, $0x0;
	v5 =	vmov s0  }
0x24d: {  	s19 =	sadd.s32 $0x3, s0;
	v8 =	vand.u32 $0xFFFFFFFE, v8;
	v7 =	vmov s21;
	v5 =	vand.u32 $0xFFFFFFFC, v5  }
0x24e: {  	v6 =	vmov s19;
	v7 =	vand.u32 $0xFFFFFFFD, v7;
	v5 =	vbroadcast v5, $0x0  }
0x24f: {  	v9, _, _ =	vpop (xrf2);
	v7 =	vbroadcast v7, $0x0  }
0x250: {  	v10, _, _ =	vpop (xrf2);
	[tilespmem:v4+s25+$0x0] =	vst.idx.msk vm0, v9;
	v4 =	vbroadcast v8, $0x0  }
0x251: {  	v8, _, _ =	vpop (xrf2);
	[tilespmem:v2+s25+$0x0] =	vst.idx.msk vm0, v10  }
0x252: {  	v2, _, _ =	vpop (xrf2);
	[tilespmem:v3+s25+$0x0] =	vst.idx.msk vm0, v8  }
0x253: {  	[tilespmem:v6+s25+$0x0] =	vst.idx.msk vm0, v2;
	v2, _, _ =	vpop (xrf2)  }
0x254: {  	[tilespmem:v5+s25+$0x0] =	vst.idx.msk vm0, v2;
	v2, _, _ =	vpop (xrf2)  }
0x255: {  	[tilespmem:v7+s25+$0x0] =	vst.idx.msk vm0, v2;
	v2, _, _ =	vpop (xrf2)  }
0x256: {  	[tilespmem:v4+s25+$0x0] =	vst.idx.msk vm0, v2  }
0x257: {  	v2 =	vld [tilespmem:$0x11400];
	_ =	sdelay $0x4  }
0x258: {  	v3 =	vand.u32 $0x7FFFFFFF, v2  }
0x259: {  	v3 =	vsub.f32 $0.0e+00, v3;
	_ =	sdelay $0x1  }
0x25a: {  	v3 =	vmul.f32 $1.442695020e+00, v3;
	_ =	sdelay $0x1  }
0x25b: {  	(erf) = vpow2.f32 v3;
	_ =	sdelay $0x2  }
0x25c: {  	v3 =	vld [tilespmem:$0x11410];
	_ =	sdelay $0x4  }
0x25d: {  	v4 =	vand.u32 $0x7FFFFFFF, v3  }
0x25e: {  	v4 =	vsub.f32 $0.0e+00, v4;
	v5 =	vpop (erf)  }
0x25f: {  	v6 =	vadd.f32 $2.000000000e+00, v5  }
0x260: {  	v4 =	vmul.f32 $1.442695020e+00, v4  }
0x261: {  	(erf) = vrcp.f32 v6  }
0x262: {  	(erf) = vpow2.f32 v4;
	_ =	sdelay $0x2  }
0x263: {  	v4 =	vld [tilespmem:$0x11420];
	_ =	sdelay $0x4  }
0x264: {  	v7 =	vand.u32 $0x7FFFFFFF, v4;
	v6 =	vpop (erf)  }
0x265: {  	v7 =	vsub.f32 $0.0e+00, v7;
	v8 =	vpop (erf)  }
0x266: {  	v9 =	vadd.f32 $2.000000000e+00, v8  }
0x267: {  	v7 =	vmul.f32 $1.442695020e+00, v7  }
0x268: {  	(erf) = vrcp.f32 v9  }
0x269: {  	(erf) = vpow2.f32 v7;
	_ =	sdelay $0x2  }
0x26a: {  	v7 =	vld [tilespmem:$0x11430];
	_ =	sdelay $0x4  }
0x26b: {  	v10 =	vand.u32 $0x7FFFFFFF, v7;
	v9 =	vpop (erf)  }
0x26c: {  	v10 =	vsub.f32 $0.0e+00, v10;
	v11 =	vpop (erf)  }
0x26d: {  	v53 =	vadd.f32 $2.000000000e+00, v11  }
0x26e: {  	v10 =	vmul.f32 $1.442695020e+00, v10  }
0x26f: {  	(erf) = vrcp.f32 v53  }
0x270: {  	(erf) = vpow2.f32 v10;
	_ =	sdelay $0x2  }
0x271: {  	v10 =	vld [tilespmem:$0x11440];
	_ =	sdelay $0x4  }
0x272: {  	v54 =	vand.u32 $0x7FFFFFFF, v10;
	v12 =	vpop (erf)  }
0x273: {  	v13 =	vsub.f32 $0.0e+00, v54;
	v55 =	vpop (erf)  }
0x274: {  	v56 =	vadd.f32 $2.000000000e+00, v55  }
0x275: {  	v13 =	vmul.f32 $1.442695020e+00, v13  }
0x276: {  	(erf) = vrcp.f32 v56  }
0x277: {  	(erf) = vpow2.f32 v13;
	_ =	sdelay $0x2  }
0x278: {  	v57 =	vld [tilespmem:$0x11450];
	_ =	sdelay $0x4  }
0x279: {  	v58 =	vand.u32 $0x7FFFFFFF, v57;
	v15 =	vpop (erf)  }
0x27a: {  	v16 =	vsub.f32 $0.0e+00, v58;
	v59 =	vpop (erf)  }
0x27b: {  	v60 =	vadd.f32 $2.000000000e+00, v59  }
0x27c: {  	v16 =	vmul.f32 $1.442695020e+00, v16  }
0x27d: {  	(erf) = vrcp.f32 v60  }
0x27e: {  	(erf) = vpow2.f32 v16;
	_ =	sdelay $0x2  }
0x27f: {  	v61 =	vld [tilespmem:$0x11460];
	_ =	sdelay $0x4  }
0x280: {  	v62 =	vand.u32 $0x7FFFFFFF, v61;
	v18 =	vpop (erf)  }
0x281: {  	v19 =	vsub.f32 $0.0e+00, v62;
	v63 =	vpop (erf)  }
0x282: {  	v27 =	vadd.f32 $2.000000000e+00, v63  }
0x283: {  	v19 =	vmul.f32 $1.442695020e+00, v19  }
0x284: {  	(erf) = vrcp.f32 v27  }
0x285: {  	(erf) = vpow2.f32 v19;
	_ =	sdelay $0x2  }
0x286: {  	v28 =	vld [tilespmem:$0x11470];
	_ =	sdelay $0x4  }
0x287: {  	v29 =	vand.u32 $0x7FFFFFFF, v28;
	v21 =	vpop (erf)  }
0x288: {  	v22 =	vsub.f32 $0.0e+00, v29;
	v30 =	vpop (erf)  }
0x289: {  	v5 =	vmul.f32 v6, v5;
	v6 =	vadd.f32 $2.000000000e+00, v30  }
0x28a: {  	v22 =	vmul.f32 $1.442695020e+00, v22  }
0x28b: {  	(erf) = vrcp.f32 v6  }
0x28c: {  	v31 =	vmul.f32 v5, v5;
	(erf) = vpow2.f32 v22;
	_ =	sdelay $0x1  }
0x28d: {  	v8 =	vmul.f32 v9, v8;
	v6 =	vmul.f32 $2.857142980e-01, v31  }
0x28e: {  	v9 =	vmul.f32 v12, v11  }
0x28f: {  	v11 =	vmul.f32 v8, v8;
	v6 =	vadd.f32 $4.000000060e-01, v6  }
0x290: {  	v12 =	vmul.f32 v9, v9  }
0x291: {  	v32 =	vmul.f32 $2.857142980e-01, v11;
	v6 =	vmul.f32 v6, v31  }
0x292: {  	v33 =	vmul.f32 $2.857142980e-01, v12  }
0x293: {  	v22 =	vadd.f32 $4.000000060e-01, v32;
	v6 =	vadd.f32 $6.666666860e-01, v6;
	v34 =	vpop (erf)  }
0x294: {  	v35 =	vadd.f32 $4.000000060e-01, v33;
	v36 =	vpop (erf)  }
0x295: {  	v22 =	vmul.f32 v22, v11;
	v6 =	vmul.f32 v6, v31;
	v37 =	vadd.f32 $2.000000000e+00, v36  }
0x296: {  	v24 =	vmul.f32 v35, v12;
	v14 =	vmul.f32 v15, v55  }
0x297: {  	v22 =	vadd.f32 $6.666666860e-01, v22;
	v6 =	vadd.f32 $2.000000000e+00, v6;
	(erf) = vrcp.f32 v37  }
0x298: {  	v38 =	vmul.f32 v14, v14;
	v41 =	vmul.f32 v18, v59  }
0x299: {  	v11 =	vmul.f32 v22, v11;
	v5 =	vmul.f32 v6, v5;
	v6 =	vadd.f32 $6.666666860e-01, v24  }
0x29a: {  	v2 =	vmin.f32 v2, $0.0e+00;
	v40 =	vmul.f32 $2.857142980e-01, v38  }
0x29b: {  	v39 =	vld [tilespmem:$0x11480];
	v18 =	vmul.f32 v41, v41;
	v11 =	vadd.f32 $2.000000000e+00, v11;
	v6 =	vmul.f32 v6, v12  }
0x29c: {  	v42 =	vadd.f32 $4.000000060e-01, v40;
	v2 =	vsub.f32 v2, v5;
	v5 =	vmul.f32 v21, v63  }
0x29d: {  	v43 =	vmul.f32 $2.857142980e-01, v18;
	v8 =	vmul.f32 v11, v8;
	v6 =	vadd.f32 $2.000000000e+00, v6  }
0x29e: {  	v3 =	vmin.f32 v3, $0.0e+00;
	v11 =	vmul.f32 v42, v38;
	v20 =	vmul.f32 v5, v5  }
0x29f: {  	v17 =	vadd.f32 $4.000000060e-01, v43;
	v6 =	vmul.f32 v6, v9;
	v9 =	vmul.f32 v34, v30  }
0x2a0: {  	v3 =	vsub.f32 v3, v8;
	v2 =	vadd.f32 v2, v39;
	v44 =	vmul.f32 $2.857142980e-01, v20;
	v45 =	vpop (erf)  }
0x2a1: {  	v4 =	vmin.f32 v4, $0.0e+00;
	v46 =	vmul.f32 v9, v9;
	v8 =	vmul.f32 v45, v36  }
0x2a2: {  	v47 =	vmul.f32 v17, v18;
	v11 =	vadd.f32 $6.666666860e-01, v11;
	v2 =	vadd.f32 v3, v2  }
0x2a3: {  	v48 =	vadd.f32 $4.000000060e-01, v44;
	v3 =	vmul.f32 $2.857142980e-01, v46;
	v49 =	vmul.f32 v8, v8  }
0x2a4: {  	v15 =	vadd.f32 $6.666666860e-01, v47;
	v11 =	vmul.f32 v11, v38;
	v4 =	vsub.f32 v4, v6  }
0x2a5: {  	v17 =	vmul.f32 v48, v20;
	v3 =	vadd.f32 $4.000000060e-01, v3;
	v6 =	vmul.f32 $2.857142980e-01, v49  }
0x2a6: {  	v15 =	vmul.f32 v15, v18;
	v11 =	vadd.f32 $2.000000000e+00, v11;
	v2 =	vadd.f32 v4, v2  }
0x2a7: {  	v17 =	vadd.f32 $6.666666860e-01, v17;
	v3 =	vmul.f32 v3, v46;
	v4 =	vadd.f32 $4.000000060e-01, v6  }
0x2a8: {  	v7 =	vmin.f32 v7, $0.0e+00;
	v50 =	vadd.f32 $2.000000000e+00, v15;
	v6 =	vmul.f32 v11, v14  }
0x2a9: {  	v3 =	vadd.f32 $6.666666860e-01, v3;
	v11 =	vmul.f32 v17, v20;
	v4 =	vmul.f32 v4, v49  }
0x2aa: {  	v10 =	vmin.f32 v10, $0.0e+00;
	v6 =	vsub.f32 v7, v6;
	v7 =	vmul.f32 v50, v41  }
0x2ab: {  	v3 =	vmul.f32 v3, v46;
	v11 =	vadd.f32 $2.000000000e+00, v11;
	v4 =	vadd.f32 $6.666666860e-01, v4  }
0x2ac: {  	v2 =	vadd.f32 v6, v2;
	v6 =	vsub.f32 v10, v7  }
0x2ad: {  	v3 =	vadd.f32 $2.000000000e+00, v3;
	v5 =	vmul.f32 v11, v5;
	v4 =	vmul.f32 v4, v49  }
0x2ae: {  	v2 =	vadd.f32 v6, v2;
	v6 =	vmin.f32 v57, $0.0e+00  }
0x2af: {  	v3 =	vmul.f32 v3, v9;
	v5 =	vsub.f32 v6, v5;
	v4 =	vadd.f32 $2.000000000e+00, v4  }
0x2b0: {  	v6 =	vmin.f32 v61, $0.0e+00  }
0x2b1: {  	v3 =	vsub.f32 v6, v3;
	v2 =	vadd.f32 v5, v2;
	v4 =	vmul.f32 v4, v8  }
0x2b2: {  	v5 =	vmin.f32 v28, $0.0e+00  }
0x2b3: {  	v2 =	vadd.f32 v3, v2;
	v3 =	vsub.f32 v5, v4;
	_ =	sdelay $0x1  }
0x2b4: {  	v2 =	vadd.f32 v3, v2;
	_ =	sdelay $0x1  }
0x2b5: {  	[tilespmem:$0x11480] =	vst v2  }
0x2b6: {  	_ =	swait.ge [sflag:s26], $0x2000  }
0x2b7: {  	[sflag:s26] =	ssyncset.done $0x0  }
0x2b8: {  	s28 =	simm.s32 $0x0;
	[sflag:s26] =	ssyncadd.s32 $0xFFFFE000  }
0x2b9: {  	v2 =	vld [tilespmem:s28+$0xB4C0]  }
0x2ba: {  	v3 =	vld [tilespmem:s28+$0xF4C0]  }
0x2bb: {  	v4 =	vld [tilespmem:s28+$0xB4D0]  }
0x2bc: {  	v5 =	vld [tilespmem:s28+$0xF4D0]  }
0x2bd: {  	v6 =	vld [tilespmem:s28+$0xB4E0]  }
0x2be: {  	v7 =	vld [tilespmem:s28+$0xF4E0]  }
0x2bf: {  	v8 =	vld [tilespmem:s28+$0xB4F0]  }
0x2c0: {  	v9 =	vld [tilespmem:s28+$0xF4F0]  }
0x2c1: {  	v10 =	vld [tilespmem:s28+$0xB400]  }
0x2c2: {  	v11 =	vld [tilespmem:s28+$0xF400]  }
0x2c3: {  	v51 =	vld [tilespmem:s28+$0xF440]  }
0x2c4: {  	v52 =	vld [tilespmem:s28+$0xF480]  }
0x2c5: {  	v53 =	vld [tilespmem:s28+$0xF490];
	v2 =	vmul.f32 v3, v2  }
0x2c6: {  	v54 =	vld [tilespmem:s28+$0xB420]  }
0x2c7: {  	v55 =	vld [tilespmem:s28+$0xF420];
	v4 =	vmul.f32 v5, v4;
	v2 =	vadd.f32 $0.0e+00, v2  }
0x2c8: {  	v56 =	vld [tilespmem:s28+$0xB460]  }
0x2c9: {  	v57 =	vld [tilespmem:s28+$0xF460];
	v2 =	vadd.f32 v4, v2;
	v4 =	vmul.f32 v7, v6  }
0x2ca: {  	v58 =	vld [tilespmem:s28+$0xB4A0]  }
0x2cb: {  	v3 =	vld [tilespmem:s28+$0xB440];
	v2 =	vadd.f32 v4, v2;
	v4 =	vmul.f32 v9, v8  }
0x2cc: {  	v5 =	vld [tilespmem:s28+$0xB480]  }
0x2cd: {  	v6 =	vld [tilespmem:s28+$0xB410];
	v2 =	vadd.f32 v4, v2  }
0x2ce: {  	v7 =	vld [tilespmem:s28+$0xF410]  }
0x2cf: {  	v8 =	vld [tilespmem:s28+$0xB450];
	(xrf2) =	vadd.scan.msk.f32 $0xffff, v2  }
0x2d0: {  	v9 =	vld [tilespmem:s28+$0xF450]  }
0x2d1: {  	v4 =	vld [tilespmem:s28+$0xB490]  }
0x2d2: {  	v60 =	vld [tilespmem:s28+$0xF430];
	v3 =	vmul.f32 v51, v3  }
0x2d3: {  	v2 =	vmul.f32 v11, v10;
	v10 =	vld [tilespmem:s28+$0xF4A0]  }
0x2d4: {  	s29 =	simm.s32 $0x3;
	v5 =	vmul.f32 v52, v5;
	v3 =	vadd.f32 $0.0e+00, v3;
	v6 =	vmul.f32 v7, v6;
	v11 =	vld [tilespmem:s28+$0xB430]  }
0x2d5: {  	v7 =	vmov s29;
	v8 =	vmul.f32 v9, v8;
	v59 =	vadd.f32 $0.0e+00, v2  }
0x2d6: {  	v5 =	vadd.f32 $0.0e+00, v5;
	v2 =	vld [tilespmem:s28+$0xB470];
	v4 =	vmul.f32 v53, v4  }
0x2d7: {  	v9 =	vadd.f32 v8, v3;
	v8 =	vmul.f32 v55, v54;
	v3 =	vld [tilespmem:s28+$0xF470];
	v6 =	vadd.f32 v6, v59  }
0x2d8: {  	v61 =	vadd.f32 v4, v5;
	v5 =	vmul.f32 v57, v56;
	v63 =	vmul.f32 v10, v58;
	v4 =	vld [tilespmem:s28+$0xB4B0]  }
0x2d9: {  	s16 =	simm.s32 $0x400;
	s15 =	simm.s32 $0x100;
	v10 =	vmul.f32 v60, v11;
	v6 =	vadd.f32 v8, v6;
	v8 =	vld [tilespmem:s28+$0xF4B0];
	v62, _, _ =	vpop (xrf2)  }
0x2da: {  	s1 =	simm.s32 $0x0;
	s17 =	simm.s32 $0x8;
	s0 =	simm.s32 $0x4;
	v5 =	vadd.f32 v5, v9;
	v9 =	vld [tilespmem:s15+$0xB4C0];
	[tilespmem:v7+s25+$0x0] =	vst.idx.msk vm0, v62;
	v7 =	vadd.f32 v63, v61  }
.LBB2_8:
0x2db: {  	p0 =	slt.u32 s17, $0x7C;
	v11 =	vld [tilespmem:s15+$0xF4C0]  }
0x2dc: {  	v12 =	vld [tilespmem:s15+$0xB4D0];
	v6 =	vadd.f32 v10, v6;
	v2 =	vmul.f32 v3, v2  }
0x2dd: {  	v3 =	vld [tilespmem:s15+$0xF4D0]  }
0x2de: {  	v10 =	vld [tilespmem:s15+$0xB4E0];
	v2 =	vadd.f32 v2, v5;
	v4 =	vmul.f32 v8, v4;
	(xrf2) =	vadd.scan.msk.f32 $0xffff, v6  }
0x2df: {  	v5 =	vld [tilespmem:s15+$0xF4E0]  }
0x2e0: {  	v6 =	vmul.f32 v11, v9;
	v8 =	vld [tilespmem:s15+$0xB4F0];
	v4 =	vadd.f32 v4, v7  }
0x2e1: {  	v9 =	vmov s1;
	v7 =	vld [tilespmem:s15+$0xF4F0];
	(xrf2) =	vadd.scan.msk.f32 $0xffff, v2  }
0x2e2: {  	v9 =	vand.u32 $0xFFFFFFFC, v9;
	v2 =	vld [tilespmem:s15+$0xB400];
	v6 =	vadd.f32 $0.0e+00, v6;
	v3 =	vmul.f32 v3, v12  }
0x2e3: {  	s18 =	sadd.s32 $0x1, s1;
	v9 =	vbroadcast v9, $0x0;
	v11 =	vld [tilespmem:s15+$0xF400]  }
0x2e4: {  	v12 =	vld [tilespmem:s15+$0xB440];
	v3 =	vadd.f32 v3, v6;
	v5 =	vmul.f32 v5, v10;
	v6 =	vmov s18;
	(xrf2) =	vadd.scan.msk.f32 $0xffff, v4  }
0x2e5: {  	v4 =	vld [tilespmem:s15+$0xF440];
	v6 =	vand.u32 $0xFFFFFFFD, v6  }
0x2e6: {  	s18 =	sadd.s32 $0x2, s1;
	s1 =	smov.u32 s0;
	s0 =	smov.u32 s17;
	v10 =	vld [tilespmem:s15+$0xB480];
	v3 =	vadd.f32 v5, v3;
	v5 =	vmul.f32 v7, v8;
	v6 =	vbroadcast v6, $0x0  }
0x2e7: {  	v13 =	vmov s18;
	v7 =	vld [tilespmem:s15+$0xF480]  }
0x2e8: {  	v2 =	vmul.f32 v11, v2;
	v11 =	vld [tilespmem:s15+$0xB410];
	v3 =	vadd.f32 v5, v3;
	v5 =	vand.u32 $0xFFFFFFFE, v13;
	v8, _, _ =	vpop (xrf2)  }
0x2e9: {  	v13 =	vld [tilespmem:s15+$0xF410];
	[tilespmem:v9+s25+$0x0] =	vst.idx.msk vm0, v8;
	v5 =	vbroadcast v5, $0x0  }
0x2ea: {  	v2 =	vadd.f32 $0.0e+00, v2;
	v4 =	vmul.f32 v4, v12;
	v8 =	vld [tilespmem:s15+$0xB450];
	(xrf2) =	vadd.scan.msk.f32 $0xffff, v3  }
0x2eb: {  	v3 =	vld [tilespmem:s15+$0xF450];
	v9, _, _ =	vpop (xrf2)  }
0x2ec: {  	v4 =	vadd.f32 $0.0e+00, v4;
	v7 =	vmul.f32 v7, v10;
	v10 =	vld [tilespmem:s15+$0xB490];
	[tilespmem:v6+s25+$0x0] =	vst.idx.msk vm0, v9  }
0x2ed: {  	v6 =	vld [tilespmem:s15+$0xF490]  }
0x2ee: {  	v9 =	vmul.f32 v13, v11;
	v11 =	vld [tilespmem:s15+$0xB420];
	v7 =	vadd.f32 $0.0e+00, v7;
	v12, _, _ =	vpop (xrf2)  }
0x2ef: {  	s18 =	sadd.s32 $0x3, s1;
	v13 =	vld [tilespmem:s15+$0xF420];
	[tilespmem:v5+s25+$0x0] =	vst.idx.msk vm0, v12  }
0x2f0: {  	v2 =	vadd.f32 v9, v2;
	v3 =	vmul.f32 v3, v8;
	v5 =	vld [tilespmem:s15+$0xB460];
	v8 =	vmov s18  }
0x2f1: {  	v9 =	vld [tilespmem:s15+$0xF460]  }
0x2f2: {  	v4 =	vadd.f32 v3, v4;
	v14 =	vmul.f32 v6, v10;
	v10 =	vld [tilespmem:s15+$0xB4A0]  }
0x2f3: {  	v12 =	vld [tilespmem:s15+$0xF4A0]  }
0x2f4: {  	v6 =	vmul.f32 v13, v11;
	v11 =	vld [tilespmem:s15+$0xB430];
	v7 =	vadd.f32 v14, v7;
	v3, _, _ =	vpop (xrf2)  }
0x2f5: {  	v13 =	vld [tilespmem:s15+$0xF430];
	[tilespmem:v8+s25+$0x0] =	vst.idx.msk vm0, v3  }
.Ltmp3:
0x2f6: {  	v6 =	vadd.f32 v6, v2;
	v5 =	vmul.f32 v9, v5;
	v2 =	vld [tilespmem:s15+$0xB470];
	(pc) =	sbr.rel @p0 .LBB2_8-.Ltmp3, $4  }
0x2f7: {  	v3 =	vld [tilespmem:s15+$0xF470]  }
0x2f8: {  	s16 =	sadd.s32 $0x400, s16;
	v5 =	vadd.f32 v5, v4;
	v12 =	vmul.f32 v12, v10;
	v4 =	vld [tilespmem:s15+$0xB4B0]  }
0x2f9: {  	v8 =	vld [tilespmem:s15+$0xF4B0];
	s15 =	sshra.s32 s16, $0x2  }
0x2fa: {  	s17 =	sadd.s32 $0x4, s17;
	v9 =	vld [tilespmem:s15+$0xB4C0];
	v10 =	vmul.f32 v13, v11;
	v7 =	vadd.f32 v12, v7  }
0x2fb: {  	v11 =	vld [tilespmem:s15+$0xF4C0]  }
0x2fc: {  	v12 =	vld [tilespmem:s15+$0xB4D0]  }
0x2fd: {  	v13 =	vld [tilespmem:s15+$0xF4D0]  }
0x2fe: {  	v14 =	vld [tilespmem:s15+$0xB4E0]  }
0x2ff: {  	v15 =	vld [tilespmem:s15+$0xF4E0]  }
0x300: {  	v16 =	vld [tilespmem:s15+$0xB4F0]  }
0x301: {  	v17 =	vld [tilespmem:s15+$0xF4F0]  }
0x302: {  	v18 =	vld [tilespmem:s15+$0xB400]  }
0x303: {  	v19 =	vld [tilespmem:s15+$0xF400]  }
0x304: {  	v20 =	vld [tilespmem:s15+$0xB440]  }
0x305: {  	v21 =	vld [tilespmem:s15+$0xF440]  }
0x306: {  	v22 =	vld [tilespmem:s15+$0xB480]  }
0x307: {  	v23 =	vld [tilespmem:s15+$0xF480]  }
0x308: {  	v24 =	vld [tilespmem:s15+$0xB410]  }
0x309: {  	v25 =	vld [tilespmem:s15+$0xF410]  }
0x30a: {  	v26 =	vld [tilespmem:s15+$0xB450]  }
0x30b: {  	v27 =	vld [tilespmem:s15+$0xF450]  }
0x30c: {  	v28 =	vld [tilespmem:s15+$0xB490]  }
0x30d: {  	v29 =	vld [tilespmem:s15+$0xF490]  }
0x30e: {  	v30 =	vld [tilespmem:s15+$0xB420]  }
0x30f: {  	v31 =	vld [tilespmem:s15+$0xF420]  }
0x310: {  	v32 =	vld [tilespmem:s15+$0xB460]  }
0x311: {  	v46 =	vld [tilespmem:s15+$0xF460]  }
0x312: {  	v33 =	vld [tilespmem:s15+$0xB4A0]  }
0x313: {  	v47 =	vld [tilespmem:s15+$0xF4A0];
	v2 =	vmul.f32 v3, v2;
	v4 =	vmul.f32 v8, v4  }
0x314: {  	v50 =	vld [tilespmem:s15+$0xF430];
	v6 =	vadd.f32 v10, v6;
	v9 =	vmul.f32 v11, v9;
	v12 =	vmul.f32 v13, v12  }
0x315: {  	v53 =	vld [tilespmem:s15+$0xB470];
	v2 =	vadd.f32 v2, v5;
	v49 =	vmul.f32 v15, v14;
	v51 =	vmul.f32 v19, v18  }
0x316: {  	v56 =	vld [tilespmem:s15+$0xF470];
	v52 =	vmul.f32 v21, v20;
	v4 =	vadd.f32 v4, v7;
	v55 =	vmul.f32 v23, v22  }
0x317: {  	v3 =	vld [tilespmem:s15+$0xB430];
	v57 =	vmul.f32 v25, v24;
	v59 =	vmul.f32 v27, v26;
	v9 =	vadd.f32 $0.0e+00, v9  }
0x318: {  	v58 =	vld [tilespmem:s15+$0xB4B0];
	v60 =	vmul.f32 v29, v28;
	v16 =	vmul.f32 v17, v16;
	v5 =	vadd.f32 $0.0e+00, v51  }
0x319: {  	v61 =	vld [tilespmem:s15+$0xF4B0];
	v62 =	vmul.f32 v31, v30;
	v48 =	vadd.f32 v12, v9;
	v12 =	vadd.f32 $0.0e+00, v52  }
0x31a: {  	v11 =	vmul.f32 v46, v32;
	v8 =	vadd.f32 $0.0e+00, v55;
	v5 =	vadd.f32 v57, v5  }
0x31b: {  	v63 =	vmul.f32 v47, v33;
	v54 =	vadd.f32 v49, v48;
	v12 =	vadd.f32 v59, v12  }
0x31c: {  	(xrf2) =	vadd.scan.msk.f32 $0xffff, v6;
	v3 =	vmul.f32 v50, v3;
	v8 =	vadd.f32 v60, v8;
	v5 =	vadd.f32 v62, v5  }
0x31d: {  	(xrf2) =	vadd.scan.msk.f32 $0xffff, v2;
	v9 =	vmul.f32 v56, v53;
	v2 =	vadd.f32 v16, v54;
	v13 =	vadd.f32 v11, v12  }
0x31e: {  	(xrf2) =	vadd.scan.msk.f32 $0xffff, v4;
	v15 =	vadd.f32 v63, v8;
	v3 =	vadd.f32 v3, v5;
	v16 =	vmul.f32 v61, v58  }
0x31f: {  	s19 =	sadd.s32 $0x1, s1;
	v17 =	vmov s1;
	(xrf2) =	vadd.scan.msk.f32 $0xffff, v2;
	v2 =	vadd.f32 v9, v13  }
0x320: {  	s21 =	sadd.s32 $0x2, s1;
	v18 =	vmov s19;
	v6 =	vand.u32 $0xFFFFFFFC, v17;
	(xrf2) =	vadd.scan.msk.f32 $0xffff, v3;
	v3 =	vadd.f32 v16, v15  }
0x321: {  	v21 =	vmov s21;
	v20 =	vand.u32 $0xFFFFFFFD, v18;
	v19 =	vbroadcast v6, $0x0;
	(xrf2) =	vadd.scan.msk.f32 $0xffff, v2  }
0x322: {  	v22 =	vand.u32 $0xFFFFFFFE, v21;
	v2 =	vbroadcast v20, $0x0;
	(xrf2) =	vadd.scan.msk.f32 $0xffff, v3  }
0x323: {  	s23 =	sadd.s32 $0x3, s0;
	s28 =	sadd.s32 $0x1, s0;
	v23 =	vmov s0;
	v3 =	vbroadcast v22, $0x0  }
0x324: {  	s29 =	sadd.s32 $0x2, s0;
	v24 =	vmov s23;
	v25 =	vmov s28;
	v5 =	vand.u32 $0xFFFFFFFC, v23  }
0x325: {  	v26 =	vmov s29;
	v7 =	vand.u32 $0xFFFFFFFD, v25;
	v5 =	vbroadcast v5, $0x0  }
0x326: {  	v7 =	vbroadcast v7, $0x0;
	v8 =	vand.u32 $0xFFFFFFFE, v26;
	v27, _, _ =	vpop (xrf2)  }
0x327: {  	v29 =	vbroadcast v8, $0x0;
	[tilespmem:v19+s25+$0x0] =	vst.idx.msk vm0, v27;
	v28, _, _ =	vpop (xrf2)  }
0x328: {  	v30, _, _ =	vpop (xrf2);
	[tilespmem:v2+s25+$0x0] =	vst.idx.msk vm0, v28  }
0x329: {  	[tilespmem:v3+s25+$0x0] =	vst.idx.msk vm0, v30;
	v2, _, _ =	vpop (xrf2)  }
0x32a: {  	[tilespmem:v24+s25+$0x0] =	vst.idx.msk vm0, v2;
	v2, _, _ =	vpop (xrf2)  }
0x32b: {  	[tilespmem:v5+s25+$0x0] =	vst.idx.msk vm0, v2;
	v2, _, _ =	vpop (xrf2)  }
0x32c: {  	[tilespmem:v7+s25+$0x0] =	vst.idx.msk vm0, v2;
	v2, _, _ =	vpop (xrf2)  }
0x32d: {  	[tilespmem:v29+s25+$0x0] =	vst.idx.msk vm0, v2  }
0x32e: {  	v2 =	vld [tilespmem:$0x11400];
	_ =	sdelay $0x4  }
0x32f: {  	v3 =	vand.u32 $0x7FFFFFFF, v2  }
0x330: {  	v3 =	vsub.f32 $0.0e+00, v3;
	_ =	sdelay $0x1  }
0x331: {  	v3 =	vmul.f32 $1.442695020e+00, v3;
	_ =	sdelay $0x1  }
0x332: {  	(erf) = vpow2.f32 v3;
	_ =	sdelay $0x2  }
0x333: {  	v3 =	vld [tilespmem:$0x11410];
	_ =	sdelay $0x4  }
0x334: {  	v31 =	vand.u32 $0x7FFFFFFF, v3  }
0x335: {  	v4 =	vsub.f32 $0.0e+00, v31;
	v32 =	vpop (erf)  }
0x336: {  	v33 =	vadd.f32 $2.000000000e+00, v32  }
0x337: {  	v4 =	vmul.f32 $1.442695020e+00, v4  }
0x338: {  	(erf) = vrcp.f32 v33  }
0x339: {  	(erf) = vpow2.f32 v4;
	_ =	sdelay $0x2  }
0x33a: {  	v4 =	vld [tilespmem:$0x11420];
	_ =	sdelay $0x4  }
0x33b: {  	v34 =	vand.u32 $0x7FFFFFFF, v4;
	v6 =	vpop (erf)  }
0x33c: {  	v7 =	vsub.f32 $0.0e+00, v34;
	v35 =	vpop (erf)  }
0x33d: {  	v36 =	vadd.f32 $2.000000000e+00, v35  }
0x33e: {  	v7 =	vmul.f32 $1.442695020e+00, v7  }
0x33f: {  	(erf) = vrcp.f32 v36  }
0x340: {  	(erf) = vpow2.f32 v7;
	_ =	sdelay $0x2  }
0x341: {  	v7 =	vld [tilespmem:$0x11430];
	_ =	sdelay $0x4  }
0x342: {  	v37 =	vand.u32 $0x7FFFFFFF, v7;
	v9 =	vpop (erf)  }
0x343: {  	v10 =	vsub.f32 $0.0e+00, v37;
	v38 =	vpop (erf)  }
0x344: {  	v39 =	vadd.f32 $2.000000000e+00, v38  }
0x345: {  	v10 =	vmul.f32 $1.442695020e+00, v10  }
0x346: {  	(erf) = vrcp.f32 v39  }
0x347: {  	(erf) = vpow2.f32 v10;
	_ =	sdelay $0x2  }
0x348: {  	v10 =	vld [tilespmem:$0x11440];
	_ =	sdelay $0x4  }
0x349: {  	v40 =	vand.u32 $0x7FFFFFFF, v10;
	v12 =	vpop (erf)  }
0x34a: {  	v13 =	vsub.f32 $0.0e+00, v40;
	v41 =	vpop (erf)  }
0x34b: {  	v42 =	vadd.f32 $2.000000000e+00, v41  }
0x34c: {  	v13 =	vmul.f32 $1.442695020e+00, v13  }
0x34d: {  	(erf) = vrcp.f32 v42  }
0x34e: {  	(erf) = vpow2.f32 v13;
	_ =	sdelay $0x2  }
0x34f: {  	v13 =	vld [tilespmem:$0x11450];
	_ =	sdelay $0x4  }
0x350: {  	v43 =	vand.u32 $0x7FFFFFFF, v13;
	v15 =	vpop (erf)  }
0x351: {  	v16 =	vsub.f32 $0.0e+00, v43;
	v44 =	vpop (erf)  }
0x352: {  	v45 =	vadd.f32 $2.000000000e+00, v44  }
0x353: {  	v16 =	vmul.f32 $1.442695020e+00, v16  }
0x354: {  	(erf) = vrcp.f32 v45  }
0x355: {  	(erf) = vpow2.f32 v16;
	_ =	sdelay $0x2  }
0x356: {  	v16 =	vld [tilespmem:$0x11460];
	_ =	sdelay $0x4  }
0x357: {  	v46 =	vand.u32 $0x7FFFFFFF, v16;
	v18 =	vpop (erf)  }
0x358: {  	v19 =	vsub.f32 $0.0e+00, v46;
	v47 =	vpop (erf)  }
0x359: {  	v48 =	vadd.f32 $2.000000000e+00, v47  }
0x35a: {  	v19 =	vmul.f32 $1.442695020e+00, v19  }
0x35b: {  	(erf) = vrcp.f32 v48  }
0x35c: {  	(erf) = vpow2.f32 v19;
	_ =	sdelay $0x2  }
0x35d: {  	v19 =	vld [tilespmem:$0x11470];
	_ =	sdelay $0x4  }
0x35e: {  	v50 =	vand.u32 $0x7FFFFFFF, v19;
	v49 =	vpop (erf)  }
0x35f: {  	v5 =	vmul.f32 v6, v32;
	v21 =	vsub.f32 $0.0e+00, v50;
	v52 =	vpop (erf)  }
0x360: {  	v53 =	vadd.f32 $2.000000000e+00, v52  }
0x361: {  	v51 =	vmul.f32 v5, v5;
	v21 =	vmul.f32 $1.442695020e+00, v21  }
0x362: {  	v8 =	vmul.f32 v9, v35;
	(erf) = vrcp.f32 v53  }
0x363: {  	(erf) = vpow2.f32 v21  }
0x364: {  	v54 =	vmul.f32 $2.857142980e-01, v51;
	v56 =	vmul.f32 v8, v8;
	_ =	sdelay $0x1  }
0x365: {  	v55 =	vadd.f32 $4.000000060e-01, v54;
	v57 =	vmul.f32 $2.857142980e-01, v56;
	v11 =	vmul.f32 v12, v38;
	_ =	sdelay $0x1  }
0x366: {  	v9 =	vmul.f32 v55, v51;
	v58 =	vadd.f32 $4.000000060e-01, v57;
	v59 =	vmul.f32 v11, v11;
	_ =	sdelay $0x1  }
0x367: {  	v9 =	vadd.f32 $6.666666860e-01, v9;
	v12 =	vmul.f32 v58, v56;
	v61 =	vmul.f32 $2.857142980e-01, v59  }
0x368: {  	v60 =	vpop (erf)  }
0x369: {  	v9 =	vmul.f32 v9, v51;
	v12 =	vadd.f32 $6.666666860e-01, v12;
	v25 =	vadd.f32 $4.000000060e-01, v61;
	v62 =	vpop (erf)  }
0x36a: {  	v63 =	vadd.f32 $2.000000000e+00, v62  }
0x36b: {  	v9 =	vadd.f32 $2.000000000e+00, v9;
	v28 =	vmul.f32 v12, v56;
	v30 =	vmul.f32 v25, v59  }
0x36c: {  	v29 =	vld [tilespmem:$0x11480];
	v31 =	vmul.f32 v15, v41;
	(erf) = vrcp.f32 v63  }
0x36d: {  	v5 =	vmul.f32 v9, v5;
	v9 =	vadd.f32 $2.000000000e+00, v28  }
0x36e: {  	v2 =	vmin.f32 v2, $0.0e+00;
	v32 =	vadd.f32 $6.666666860e-01, v30;
	v34 =	vmul.f32 v31, v31  }
0x36f: {  	v2 =	vsub.f32 v2, v5;
	v8 =	vmul.f32 v9, v8;
	v33 =	vmul.f32 v18, v44  }
0x370: {  	v3 =	vmin.f32 v3, $0.0e+00;
	v35 =	vmul.f32 v32, v59;
	v36 =	vmul.f32 $2.857142980e-01, v34  }
0x371: {  	v2 =	vadd.f32 v2, v29;
	v37 =	vmul.f32 v33, v33;
	v6 =	vmul.f32 v49, v47  }
0x372: {  	v3 =	vsub.f32 v3, v8;
	v38 =	vadd.f32 $2.000000000e+00, v35  }
0x373: {  	v39 =	vadd.f32 $4.000000060e-01, v36;
	v40 =	vmul.f32 $2.857142980e-01, v37;
	v42 =	vmul.f32 v6, v6  }
0x374: {  	v2 =	vadd.f32 v3, v2;
	v3 =	vmul.f32 v38, v11;
	v41 =	vmul.f32 v60, v52  }
0x375: {  	v9 =	vmul.f32 v39, v34;
	v43 =	vadd.f32 $4.000000060e-01, v40;
	v46 =	vmul.f32 $2.857142980e-01, v42;
	v45 =	vpop (erf)  }
0x376: {  	v4 =	vmin.f32 v4, $0.0e+00;
	v44 =	vmul.f32 v41, v41;
	v20 =	vmul.f32 v45, v62  }
0x377: {  	v3 =	vsub.f32 v4, v3;
	v9 =	vadd.f32 $6.666666860e-01, v9;
	v11 =	vmul.f32 v43, v37  }
0x378: {  	v48 =	vadd.f32 $4.000000060e-01, v46;
	v47 =	vmul.f32 $2.857142980e-01, v44;
	v49 =	vmul.f32 v20, v20  }
0x379: {  	v2 =	vadd.f32 v3, v2;
	v9 =	vmul.f32 v9, v34;
	v11 =	vadd.f32 $6.666666860e-01, v11  }
0x37a: {  	v3 =	vmul.f32 v48, v42;
	v50 =	vadd.f32 $4.000000060e-01, v47;
	v51 =	vmul.f32 $2.857142980e-01, v49  }
0x37b: {  	v9 =	vadd.f32 $2.000000000e+00, v9;
	v11 =	vmul.f32 v11, v37  }
0x37c: {  	v3 =	vadd.f32 $6.666666860e-01, v3;
	v52 =	vmul.f32 v50, v44;
	v4 =	vadd.f32 $4.000000060e-01, v51  }
0x37d: {  	v7 =	vmin.f32 v7, $0.0e+00;
	v5 =	vmul.f32 v9, v31;
	v53 =	vadd.f32 $2.000000000e+00, v11  }
0x37e: {  	v3 =	vmul.f32 v3, v42;
	v54 =	vadd.f32 $6.666666860e-01, v52;
	v4 =	vmul.f32 v4, v49  }
0x37f: {  	v57 =	vmin.f32 v10, $0.0e+00;
	v5 =	vsub.f32 v7, v5;
	v55 =	vmul.f32 v53, v33  }
0x380: {  	v3 =	vadd.f32 $2.000000000e+00, v3;
	v56 =	vmul.f32 v54, v44;
	v4 =	vadd.f32 $6.666666860e-01, v4  }
0x381: {  	v2 =	vadd.f32 v5, v2;
	v58 =	vsub.f32 v57, v55  }
0x382: {  	v3 =	vmul.f32 v3, v6;
	v59 =	vadd.f32 $2.000000000e+00, v56;
	v4 =	vmul.f32 v4, v49  }
0x383: {  	v2 =	vadd.f32 v58, v2;
	v60 =	vmin.f32 v13, $0.0e+00  }
0x384: {  	v3 =	vsub.f32 v60, v3;
	v61 =	vmul.f32 v59, v41;
	v4 =	vadd.f32 $2.000000000e+00, v4  }
0x385: {  	v62 =	vmin.f32 v16, $0.0e+00  }
0x386: {  	v2 =	vadd.f32 v3, v2;
	v3 =	vsub.f32 v62, v61;
	v4 =	vmul.f32 v4, v20  }
0x387: {  	v63 =	vmin.f32 v19, $0.0e+00  }
0x388: {  	v2 =	vadd.f32 v3, v2;
	v3 =	vsub.f32 v63, v4;
	_ =	sdelay $0x1  }
0x389: {  	v2 =	vadd.f32 v3, v2;
	_ =	sdelay $0x1  }
0x38a: {  	s15 =	simm.s32 $0x0;
	s1 =	simm.s32 $0x0;
	s0 =	simm.s32 $0x0;
	[tilespmem:$0x11480] =	vst v2  }
0x38b: {  	[tilespmem:s22], [sflag:$0x1] =	stream.indirect.gather [hbm4b:s4+s13], $0x40, s11, s13, $0xb8;
	[tilespmem:$0x11490] =	vst v63  }
.LBB2_10:
0x38c: {  	s16 =	sadd.s32 $0x0, s0  }
0x38d: {  	s23 =	sshll.u32 s15, $0x8;
	s17 =	sadd.s32 $0x2, s16  }
0x38e: {  	_ =	swait.ge [sflag:s20], $0x2000;
	v3 =	vmov s17;
	s17 =	sor.u32 $0x80, s23  }
0x38f: {  	[sflag:s20] =	ssyncset.done $0x0;
	s17 =	sand.u32 $0x3FFFFF80, s17  }
0x390: {  	s29 =	simm.s32 $0xD480;
	v2 =	vmov s16;
	[sflag:s20] =	ssyncadd.s32 $0xFFFFE000;
	s17 =	sadd.s32 $0x400, s17  }
0x391: {  	v2 =	vand.u32 $0xFFFFFFFC, v2;
	[tilespmem:s24], [sflag:$0x2] =	stream.indirect.gather [hbm4b:s4+s13], $0x40, s17, s13, $0xb8;
	[tilespmem:$0x11490] =	vst v63  }
0x392: {  	v2 =	vbroadcast v2, $0x0;
	v3 =	vand.u32 $0xFFFFFFFE, v3;
	v13 =	vld [tilespmem:s29+$0x0]  }
0x393: {  	v3 =	vbroadcast v3, $0x0;
	v15 =	vld [tilespmem:s29+$0x10]  }
0x394: {  	s28 =	sadd.s32 $0x1, s16;
	s16 =	sadd.s32 $0x3, s16;
	v16 =	vld [tilespmem:s29+$0x20]  }
0x395: {  	v6 =	vmov s16;
	v19 =	vld [tilespmem:s29+$0x30]  }
0x396: {  	v21 =	vld [tilespmem:s29+$0xFFFFFF80]  }
0x397: {  	v22 =	vld [tilespmem:s29+$0xFFFFFFC0]  }
0x398: {  	v4 =	vmov s28;
	v2 =	vld.idx.msk [tilespmem:v2+s12+$0x0], $0xffff  }
0x399: {  	v4 =	vand.u32 $0xFFFFFFFD, v4;
	v3 =	vld.idx.msk [tilespmem:v3+s12+$0x0], $0xffff  }
0x39a: {  	v5 =	vbroadcast v4, $0x0;
	v6 =	vld.idx.msk [tilespmem:v6+s12+$0x0], $0xffff  }
0x39b: {  	v27 =	vld [tilespmem:s29+$0xFFFFFF90]  }
0x39c: {  	v29 =	vld [tilespmem:s29+$0xFFFFFFD0]  }
0x39d: {  	v48 =	vld [tilespmem:s29+$0xFFFFFFA0];
	v7 =	vshll.u32 v2, $0x6  }
0x39e: {  	s21 =	sadd.s32 $0x4, s0;
	v50 =	vld [tilespmem:s29+$0xFFFFFFB0];
	v2 =	vor.u32 v1, v7;
	v8 =	vshll.u32 v3, $0x6  }
0x39f: {  	s18 =	sadd.s32 $0x2, s21;
	v31 =	vld [tilespmem:s29+$0x70];
	v6 =	vshll.u32 v6, $0x6;
	v9 =	vor.u32 v1, v8  }
0x3a0: {  	v28 =	vmov s18;
	s18 =	simm.s32 $0xD580;
	v4 =	vor.u32 $0x10, v1;
	v5 =	vld.idx.msk [tilespmem:v5+s12+$0x0], $0xffff;
	v20 =	vor.u32 v1, v6  }
0x3a1: {  	v56 =	vld [tilespmem:s18+$0x0];
	v10 =	vor.u32 v4, v8  }
0x3a2: {  	v60 =	vld [tilespmem:s18+$0x20];
	v25 =	vor.u32 v4, v6;
	v3 =	vor.u32 $0x20, v1  }
0x3a3: {  	v12 =	vor.u32 v3, v8;
	v11 =	vld.idx.msk [tilespmem:v2+s14+$0x0], $0xffff  }
0x3a4: {  	v18 =	vor.u32 v4, v7;
	v2 =	vor.u32 $0x30, v1;
	v9 =	vld.idx.msk [tilespmem:v9+s14+$0x0], $0xffff  }
0x3a5: {  	v5 =	vshll.u32 v5, $0x6;
	v20 =	vld.idx.msk [tilespmem:v20+s14+$0x0], $0xffff;
	v8 =	vor.u32 v2, v8  }
0x3a6: {  	v14 =	vor.u32 v1, v5;
	v10 =	vld.idx.msk [tilespmem:v10+s14+$0x0], $0xffff  }
0x3a7: {  	v17 =	vor.u32 v4, v5;
	v25 =	vld.idx.msk [tilespmem:v25+s14+$0x0], $0xffff  }
0x3a8: {  	v23 =	vor.u32 v3, v5;
	v12 =	vld.idx.msk [tilespmem:v12+s14+$0x0], $0xffff  }
0x3a9: {  	v24 =	vor.u32 v3, v7;
	v18 =	vld.idx.msk [tilespmem:v18+s14+$0x0], $0xffff;
	v9 =	vmul.f32 v13, v9  }
0x3aa: {  	v26 =	vmov s21;
	v28 =	vand.u32 $0xFFFFFFFE, v28;
	v8 =	vld.idx.msk [tilespmem:v8+s14+$0x0], $0xffff  }
0x3ab: {  	v28 =	vbroadcast v28, $0x0;
	v14 =	vld.idx.msk [tilespmem:v14+s14+$0x0], $0xffff;
	v10 =	vmul.f32 v15, v10;
	v9 =	vadd.f32 $0.0e+00, v9  }
0x3ac: {  	v26 =	vand.u32 $0xFFFFFFFC, v26;
	v17 =	vld.idx.msk [tilespmem:v17+s14+$0x0], $0xffff  }
0x3ad: {  	v23 =	vld.idx.msk [tilespmem:v23+s14+$0x0], $0xffff;
	v5 =	vor.u32 v2, v5;
	v9 =	vadd.f32 v10, v9;
	v10 =	vmul.f32 v16, v12  }
0x3ae: {  	v26 =	vbroadcast v26, $0x0;
	v49 =	vor.u32 v3, v6;
	v24 =	vld.idx.msk [tilespmem:v24+s14+$0x0], $0xffff;
	v6 =	vor.u32 v2, v6  }
0x3af: {  	s19 =	sadd.s32 $0x1, s21;
	v11 =	vmul.f32 v21, v11;
	v21 =	vld [tilespmem:s29+$0x60];
	v8 =	vmul.f32 v19, v8;
	v9 =	vadd.f32 v10, v9  }
0x3b0: {  	v30 =	vmov s19;
	v13 =	vld [tilespmem:s29+$0x40]  }
0x3b1: {  	v15 =	vand.u32 $0xFFFFFFFD, v30;
	v8 =	vadd.f32 v8, v9;
	v9 =	vld.idx.msk [tilespmem:v28+s12+$0x0], $0xffff  }
0x3b2: {  	v5 =	vld.idx.msk [tilespmem:v5+s14+$0x0], $0xffff;
	v15 =	vbroadcast v15, $0x0  }
0x3b3: {  	v6 =	vld.idx.msk [tilespmem:v6+s14+$0x0], $0xffff  }
0x3b4: {  	s17 =	sadd.s32 $0x3, s21;
	v7 =	vor.u32 v2, v7;
	v14 =	vmul.f32 v22, v14;
	v12 =	vld [tilespmem:s29+$0x50]  }
0x3b5: {  	v18 =	vmul.f32 v27, v18;
	v17 =	vmul.f32 v29, v17;
	v16 =	vmov s17;
	v19 =	vld.idx.msk [tilespmem:v26+s12+$0x0], $0xffff;
	(xrf2) =	vadd.scan.msk.f32 $0xffff, v8  }
0x3b6: {  	s23 =	simm.s32 $0x2;
	v11 =	vadd.f32 $0.0e+00, v11;
	v14 =	vadd.f32 $0.0e+00, v14;
	v10 =	vld [tilespmem:s29+$0xFFFFFFE0];
	v9 =	vshll.u32 v9, $0x6  }
0x3b7: {  	v52 =	vmov s23;
	v13 =	vmul.f32 v13, v20;
	v20 =	vld [tilespmem:s29+$0xFFFFFFF0];
	v22 =	vor.u32 v1, v9  }
0x3b8: {  	v11 =	vadd.f32 v18, v11;
	v14 =	vadd.f32 v17, v14;
	v17 =	vmul.f32 v48, v24;
	v15 =	vld.idx.msk [tilespmem:v15+s12+$0x0], $0xffff  }
0x3b9: {  	v7 =	vld.idx.msk [tilespmem:v7+s14+$0x0], $0xffff;
	v6 =	vmul.f32 v31, v6;
	v28 =	vand.u32 $0xFFFFFFFE, v52;
	v51 =	vor.u32 v4, v9  }
0x3ba: {  	v17 =	vadd.f32 v17, v11;
	v13 =	vadd.f32 $0.0e+00, v13;
	v18 =	vbroadcast v28, $0x0;
	v8 =	vld.idx.msk [tilespmem:v16+s12+$0x0], $0xffff  }
0x3bb: {  	v12 =	vmul.f32 v12, v25;
	v16 =	vld.idx.msk [tilespmem:v49+s14+$0x0], $0xffff;
	v10 =	vmul.f32 v10, v23;
	v54 =	vor.u32 v3, v9  }
0x3bc: {  	v19 =	vshll.u32 v19, $0x6;
	v5 =	vmul.f32 v20, v5;
	v9 =	vor.u32 v2, v9;
	v22 =	vld.idx.msk [tilespmem:v22+s14+$0x0], $0xffff  }
0x3bd: {  	v53 =	vor.u32 v1, v19;
	v58 =	vshll.u32 v15, $0x6;
	v15 =	vld [tilespmem:s18+$0x10];
	v14 =	vadd.f32 v10, v14  }
0x3be: {  	v12 =	vadd.f32 v12, v13;
	v32 =	vor.u32 v4, v19;
	v13 =	vor.u32 v3, v19;
	v57 =	vld.idx.msk [tilespmem:v51+s14+$0x0], $0xffff  }
0x3bf: {  	v61 =	vld [tilespmem:s18+$0xFFFFFF80];
	v10 =	vor.u32 v1, v58;
	v59 =	vshll.u32 v8, $0x6;
	v5 =	vadd.f32 v5, v14;
	v55, _, _ =	vpop (xrf2)  }
0x3c0: {  	v8 =	vmul.f32 v21, v16;
	v21 =	vmul.f32 v50, v7;
	v28 =	vld.idx.msk [tilespmem:v54+s14+$0x0], $0xffff;
	v23 =	vsub.f32 $0.0e+00, v55  }
0x3c1: {  	s28 =	simm.s32 $0x1;
	v33 =	vor.u32 v4, v58;
	(xrf2) =	vadd.scan.msk.f32 $0xffff, v5;
	v20 =	vld.idx.msk [tilespmem:v9+s14+$0x0], $0xffff;
	v7 =	vmul.f32 v56, v22  }
0x3c2: {  	v63 =	vmov s28;
	v16 =	vor.u32 v3, v58;
	[tilespmem:v18+s25+$0x0] =	vst.idx.msk vm0, v23;
	v18 =	vadd.f32 v21, v17;
	v22 =	vld [tilespmem:s18+$0x30]  }
0x3c3: {  	v29 =	vld.idx.msk [tilespmem:v53+s14+$0x0], $0xffff;
	v12 =	vadd.f32 v8, v12;
	v24 =	vmul.f32 v15, v57;
	v25 =	vadd.f32 $0.0e+00, v7  }
0x3c4: {  	v34 =	vor.u32 v1, v59;
	v11 =	vor.u32 v4, v59;
	v9 =	vor.u32 v2, v19;
	v19 =	vld [tilespmem:s18+$0xFFFFFFC0];
	(xrf2) =	vadd.scan.msk.f32 $0xffff, v18  }
0x3c5: {  	v21 =	vadd.f32 v6, v12;
	v15 =	vld.idx.msk [tilespmem:v10+s14+$0x0], $0xffff;
	v62 =	vmul.f32 v60, v28;
	v14 =	vadd.f32 v24, v25  }
0x3c6: {  	v8 =	vor.u32 v3, v59;
	v12 =	vld.idx.msk [tilespmem:v33+s14+$0x0], $0xffff;
	v6 =	vmov s1;
	v10 =	vor.u32 v2, v58  }
0x3c7: {  	s29 =	simm.s32 $0x3;
	v17 =	vld.idx.msk [tilespmem:v32+s14+$0x0], $0xffff;
	v5 =	vand.u32 $0xFFFFFFFC, v6;
	(xrf2) =	vadd.scan.msk.f32 $0xffff, v21;
	v23 =	vmul.f32 v22, v20;
	v14 =	vadd.f32 v62, v14  }
0x3c8: {  	s16 =	simm.s32 $0x8;
	v6 =	vbroadcast v5, $0x0;
	v5 =	vmov s29;
	v7 =	vor.u32 v2, v59;
	v21 =	vld [tilespmem:s18+$0x40]  }
0x3c9: {  	s19 =	simm.s32 $0xC;
	s21 =	sadd.s32 $0x8, s0;
	s17 =	simm.s32 $0x4;
	v20 =	vld.idx.msk [tilespmem:v34+s14+$0x0], $0xffff;
	v22 =	vmul.f32 v61, v29;
	v18 =	vadd.f32 v23, v14;
	v14 =	vand.u32 $0xFFFFFFFD, v63  }
.LBB2_11:
0x3ca: {  	p0 =	slt.u32 s19, $0x7C;
	v23 =	vmov s21;
	s23 =	sadd.s32 $0x1, s21;
	s28 =	sadd.s32 $0x2, s21;
	v24 =	vld [tilespmem:s18+$0xFFFFFF90];
	v15 =	vmul.f32 v19, v15;
	v14 =	vbroadcast v14, $0x0  }
0x3cb: {  	s21 =	sadd.s32 $0x3, s21;
	v19 =	vand.u32 $0xFFFFFFFC, v23;
	v23 =	vmov s23;
	v25 =	vmov s28;
	v26 =	vld [tilespmem:s18+$0xFFFFFFD0];
	(xrf2) =	vadd.scan.msk.f32 $0xffff, v18;
	v18, _, _ =	vpop (xrf2)  }
0x3cc: {  	v19 =	vbroadcast v19, $0x0;
	v23 =	vand.u32 $0xFFFFFFFD, v23;
	v25 =	vand.u32 $0xFFFFFFFE, v25;
	v16 =	vld.idx.msk [tilespmem:v16+s14+$0x0], $0xffff  }
0x3cd: {  	v27 =	vmov s21;
	v23 =	vbroadcast v23, $0x0;
	v25 =	vbroadcast v25, $0x0;
	v13 =	vld.idx.msk [tilespmem:v13+s14+$0x0], $0xffff  }
0x3ce: {  	v22 =	vadd.f32 $0.0e+00, v22;
	v15 =	vadd.f32 $0.0e+00, v15;
	v20 =	vmul.f32 v21, v20;
	v11 =	vld.idx.msk [tilespmem:v11+s14+$0x0], $0xffff;
	v21, _, _ =	vpop (xrf2)  }
0x3cf: {  	s21 =	sadd.s32 $0x2, s17;
	v18 =	vsub.f32 $0.0e+00, v18;
	v17 =	vmul.f32 v24, v17;
	v24 =	vld [tilespmem:s18+$0x50];
	v21 =	vsub.f32 $0.0e+00, v21  }
0x3d0: {  	v28 =	vld [tilespmem:s18+$0xFFFFFFA0];
	v12 =	vmul.f32 v26, v12;
	v26 =	vmov s21;
	v20 =	vadd.f32 $0.0e+00, v20  }
0x3d1: {  	v17 =	vadd.f32 v17, v22;
	v22 =	vld [tilespmem:s18+$0xFFFFFFE0];
	v26 =	vand.u32 $0xFFFFFFFE, v26;
	[tilespmem:v14+s25+$0x0] =	vst.idx.msk vm0, v18;
	v14, _, _ =	vpop (xrf2)  }
0x3d2: {  	v18 =	vld.idx.msk [tilespmem:v19+s12+$0x0], $0xffff;
	v12 =	vadd.f32 v12, v15;
	v15 =	vbroadcast v26, $0x0;
	[tilespmem:v6+s25+$0x0] =	vst.idx.msk vm0, v21;
	v6 =	vsub.f32 $0.0e+00, v14  }
0x3d3: {  	v14 =	vld.idx.msk [tilespmem:v25+s12+$0x0], $0xffff  }
0x3d4: {  	v19 =	vld.idx.msk [tilespmem:v23+s12+$0x0], $0xffff;
	v11 =	vmul.f32 v24, v11;
	[tilespmem:v5+s25+$0x0] =	vst.idx.msk vm0, v6  }
0x3d5: {  	v5 =	vld.idx.msk [tilespmem:v27+s12+$0x0], $0xffff;
	v6 =	vmul.f32 v28, v13;
	v13, _, _ =	vpop (xrf2)  }
0x3d6: {  	v16 =	vmul.f32 v22, v16;
	v21 =	vld.idx.msk [tilespmem:v10+s14+$0x0], $0xffff;
	v10 =	vsub.f32 $0.0e+00, v13;
	v20 =	vadd.f32 v11, v20  }
0x3d7: {  	v6 =	vadd.f32 v6, v17;
	v17 =	vld.idx.msk [tilespmem:v9+s14+$0x0], $0xffff  }
0x3d8: {  	v9 =	vshll.u32 v18, $0x6;
	v12 =	vadd.f32 v16, v12;
	[tilespmem:v15+s25+$0x0] =	vst.idx.msk vm0, v10;
	v10 =	vld.idx.msk [tilespmem:v8+s14+$0x0], $0xffff  }
0x3d9: {  	v8 =	vor.u32 v1, v9;
	v14 =	vshll.u32 v14, $0x6;
	v15 =	vld [tilespmem:s18+$0x60]  }
0x3da: {  	v18 =	vshll.u32 v19, $0x6;
	v19 =	vor.u32 v1, v14;
	v22 =	vld [tilespmem:s18+$0xFFFFFFB0]  }
0x3db: {  	v23 =	vor.u32 v1, v18;
	v5 =	vshll.u32 v5, $0x6;
	v24 =	vld [tilespmem:s18+$0xFFFFFFF0]  }
0x3dc: {  	v25 =	vor.u32 v4, v9;
	v27 =	vor.u32 v4, v14;
	v26 =	vor.u32 v4, v18;
	v28 =	vld.idx.msk [tilespmem:v7+s14+$0x0], $0xffff  }
0x3dd: {  	v29 =	vor.u32 v1, v5;
	v11 =	vor.u32 v4, v5;
	v30 =	vld [tilespmem:s18+$0x70]  }
0x3de: {  	v13 =	vor.u32 v3, v9;
	v32 =	vor.u32 v3, v14;
	v16 =	vor.u32 v3, v18;
	v31 =	vld.idx.msk [tilespmem:v8+s14+$0x0], $0xffff  }
0x3df: {  	s18 =	sadd.s32 $0x100, s18;
	v8 =	vor.u32 v3, v5;
	v15 =	vmul.f32 v15, v10;
	v19 =	vld.idx.msk [tilespmem:v19+s14+$0x0], $0xffff  }
0x3e0: {  	v9 =	vor.u32 v2, v9;
	v14 =	vor.u32 v2, v14;
	v10 =	vor.u32 v2, v18;
	v18 =	vld [tilespmem:s18+$0x0]  }
0x3e1: {  	v7 =	vor.u32 v2, v5;
	v5 =	vmul.f32 v22, v17;
	v17 =	vmul.f32 v24, v21;
	v27 =	vld.idx.msk [tilespmem:v27+s14+$0x0], $0xffff  }
0x3e2: {  	v15 =	vadd.f32 v15, v20;
	v21 =	vld [tilespmem:s18+$0x10];
	v20 =	vmul.f32 v30, v28  }
0x3e3: {  	v5 =	vadd.f32 v5, v6;
	v6 =	vadd.f32 v17, v12;
	v22 =	vld.idx.msk [tilespmem:v32+s14+$0x0], $0xffff  }
0x3e4: {  	v12 =	vld [tilespmem:s18+$0x20];
	v20 =	vadd.f32 v20, v15  }
0x3e5: {  	v17 =	vmul.f32 v18, v19;
	v14 =	vld.idx.msk [tilespmem:v14+s14+$0x0], $0xffff;
	(xrf2) =	vadd.scan.msk.f32 $0xffff, v6  }
0x3e6: {  	v6 =	vld [tilespmem:s18+$0x30]  }
0x3e7: {  	v15 =	vld.idx.msk [tilespmem:v23+s14+$0x0], $0xffff;
	v17 =	vadd.f32 $0.0e+00, v17;
	v18 =	vmul.f32 v21, v27  }
0x3e8: {  	v21 =	vld [tilespmem:s18+$0xFFFFFF80];
	(xrf2) =	vadd.scan.msk.f32 $0xffff, v5  }
.Ltmp4:
0x3e9: {  	v19 =	vld [tilespmem:s18+$0xFFFFFFC0];
	v5 =	vadd.f32 v18, v17;
	v18 =	vmul.f32 v12, v22;
	(pc) =	sbr.rel @p0 .LBB2_11-.Ltmp4, $4  }
0x3ea: {  	v22 =	vmov s17;
	v12 =	vld.idx.msk [tilespmem:v26+s14+$0x0], $0xffff  }
0x3eb: {  	s23 =	sadd.s32 $0x3, s17;
	s21 =	sadd.s32 $0x1, s17;
	s17 =	smov.u32 s16;
	v17 =	vld.idx.msk [tilespmem:v25+s14+$0x0], $0xffff;
	v18 =	vadd.f32 v18, v5;
	v14 =	vmul.f32 v6, v14;
	v5 =	vand.u32 $0xFFFFFFFC, v22;
	(xrf2) =	vadd.scan.msk.f32 $0xffff, v20  }
0x3ec: {  	v23 =	vmov s21;
	s16 =	smov.u32 s19;
	v20 =	vld.idx.msk [tilespmem:v29+s14+$0x0], $0xffff;
	v6 =	vbroadcast v5, $0x0;
	v5 =	vmov s23  }
0x3ed: {  	s19 =	sadd.s32 $0x4, s19;
	s21 =	sadd.s32 s16, s0;
	v22 =	vmul.f32 v21, v31;
	v18 =	vadd.f32 v14, v18;
	v21 =	vld [tilespmem:s18+$0x40];
	v14 =	vand.u32 $0xFFFFFFFD, v23  }
0x3ee: {  	_ =	sdelay $0x1  }
0x3ef: {  	v24 =	vld [tilespmem:s18+$0xFFFFFF90]  }
0x3f0: {  	v26 =	vld [tilespmem:s18+$0xFFFFFFD0]  }
0x3f1: {  	v16 =	vld.idx.msk [tilespmem:v16+s14+$0x0], $0xffff  }
0x3f2: {  	v13 =	vld.idx.msk [tilespmem:v13+s14+$0x0], $0xffff  }
0x3f3: {  	v11 =	vld.idx.msk [tilespmem:v11+s14+$0x0], $0xffff  }
0x3f4: {  	v28 =	vld [tilespmem:s18+$0x50]  }
0x3f5: {  	v30 =	vld [tilespmem:s18+$0xFFFFFFA0]  }
0x3f6: {  	v31 =	vld [tilespmem:s18+$0xFFFFFFE0]  }
0x3f7: {  	v10 =	vld.idx.msk [tilespmem:v10+s14+$0x0], $0xffff  }
0x3f8: {  	v9 =	vld.idx.msk [tilespmem:v9+s14+$0x0], $0xffff  }
0x3f9: {  	v8 =	vld.idx.msk [tilespmem:v8+s14+$0x0], $0xffff  }
0x3fa: {  	v33 =	vld [tilespmem:s18+$0x60]  }
0x3fb: {  	v35 =	vld [tilespmem:s18+$0xFFFFFFB0]  }
0x3fc: {  	v36 =	vld [tilespmem:s18+$0xFFFFFFF0]  }
0x3fd: {  	s23 =	sadd.s32 $0x1, s21;
	v7 =	vld.idx.msk [tilespmem:v7+s14+$0x0], $0xffff  }
0x3fe: {  	v38 =	vld [tilespmem:s18+$0x70];
	v27 =	vmov s23;
	s23 =	sadd.s32 $0x100, s18  }
0x3ff: {  	v40 =	vld [tilespmem:s23+$0x0]  }
0x400: {  	v23 =	vmov s21;
	s19 =	sadd.s32 $0x2, s21;
	s21 =	sadd.s32 $0x3, s21;
	v42 =	vld [tilespmem:s23+$0x10]  }
0x401: {  	v29 =	vmov s21;
	v43 =	vld [tilespmem:s23+$0x20]  }
0x402: {  	v23 =	vand.u32 $0xFFFFFFFC, v23;
	v25 =	vmov s19;
	v46 =	vld [tilespmem:s23+$0x30]  }
0x403: {  	v23 =	vbroadcast v23, $0x0;
	v25 =	vand.u32 $0xFFFFFFFE, v25;
	v48 =	vld [tilespmem:s23+$0xFFFFFF80]  }
0x404: {  	v49 =	vld [tilespmem:s23+$0xFFFFFFC0];
	v25 =	vbroadcast v25, $0x0  }
0x405: {  	v53 =	vld [tilespmem:s23+$0x40]  }
0x406: {  	v29 =	vld.idx.msk [tilespmem:v29+s12+$0x0], $0xffff  }
0x407: {  	v54 =	vld [tilespmem:s23+$0xFFFFFF90]  }
0x408: {  	v15 =	vmul.f32 v19, v15;
	v27 =	vand.u32 $0xFFFFFFFD, v27;
	v63 =	vld [tilespmem:s23+$0xFFFFFFD0]  }
0x409: {  	v27 =	vbroadcast v27, $0x0;
	v23 =	vld.idx.msk [tilespmem:v23+s12+$0x0], $0xffff  }
0x40a: {  	v15 =	vadd.f32 $0.0e+00, v15;
	v25 =	vld.idx.msk [tilespmem:v25+s12+$0x0], $0xffff  }
0x40b: {  	v56 =	vld [tilespmem:s23+$0x50];
	v19 =	vmul.f32 v21, v20;
	v12 =	vmul.f32 v26, v12;
	v29 =	vshll.u32 v29, $0x6  }
0x40c: {  	v58 =	vld [tilespmem:s23+$0xFFFFFFB0];
	v11 =	vmul.f32 v28, v11;
	v47 =	vor.u32 v1, v29  }
0x40d: {  	v59 =	vld [tilespmem:s23+$0x70];
	v19 =	vadd.f32 $0.0e+00, v19;
	v12 =	vadd.f32 v12, v15;
	v52 =	vor.u32 v4, v29  }
0x40e: {  	v15 =	vmul.f32 v31, v16;
	v16 =	vld [tilespmem:s23+$0xFFFFFFA0];
	v55 =	vor.u32 v3, v29;
	v23 =	vshll.u32 v23, $0x6  }
0x40f: {  	v27 =	vld.idx.msk [tilespmem:v27+s12+$0x0], $0xffff;
	v32 =	vor.u32 v1, v23;
	v25 =	vshll.u32 v25, $0x6  }
0x410: {  	v11 =	vadd.f32 v11, v19;
	v19 =	vld [tilespmem:s23+$0xFFFFFFE0];
	v34 =	vor.u32 v1, v25  }
0x411: {  	v8 =	vmul.f32 v33, v8;
	v45 =	vor.u32 v4, v23;
	v47 =	vld.idx.msk [tilespmem:v47+s14+$0x0], $0xffff  }
0x412: {  	v37 =	vor.u32 v4, v25;
	v52 =	vld.idx.msk [tilespmem:v52+s14+$0x0], $0xffff  }
0x413: {  	v8 =	vadd.f32 v8, v11;
	v51 =	vor.u32 v3, v23;
	v11 =	vld.idx.msk [tilespmem:v55+s14+$0x0], $0xffff  }
0x414: {  	v27 =	vshll.u32 v27, $0x6;
	v39 =	vor.u32 v3, v25;
	v32 =	vld.idx.msk [tilespmem:v32+s14+$0x0], $0xffff  }
0x415: {  	v41 =	vor.u32 v1, v27;
	v34 =	vld.idx.msk [tilespmem:v34+s14+$0x0], $0xffff  }
0x416: {  	v22 =	vadd.f32 $0.0e+00, v22;
	v17 =	vmul.f32 v24, v17;
	v44 =	vor.u32 v4, v27;
	v45 =	vld.idx.msk [tilespmem:v45+s14+$0x0], $0xffff  }
0x417: {  	v21 =	vor.u32 v2, v27;
	v37 =	vld.idx.msk [tilespmem:v37+s14+$0x0], $0xffff  }
0x418: {  	v13 =	vmul.f32 v30, v13;
	v17 =	vadd.f32 v17, v22;
	v25 =	vor.u32 v2, v25;
	v22 =	vld.idx.msk [tilespmem:v51+s14+$0x0], $0xffff  }
0x419: {  	v50 =	vor.u32 v3, v27;
	v39 =	vld.idx.msk [tilespmem:v39+s14+$0x0], $0xffff  }
0x41a: {  	v9 =	vmul.f32 v35, v9;
	v13 =	vadd.f32 v13, v17;
	v41 =	vld.idx.msk [tilespmem:v41+s14+$0x0], $0xffff;
	v17 =	vmul.f32 v40, v34  }
0x41b: {  	v10 =	vmul.f32 v36, v10;
	v12 =	vadd.f32 v15, v12;
	v23 =	vor.u32 v2, v23;
	v44 =	vld.idx.msk [tilespmem:v44+s14+$0x0], $0xffff  }
0x41c: {  	v7 =	vmul.f32 v38, v7;
	v15 =	vld.idx.msk [tilespmem:v21+s14+$0x0], $0xffff;
	v21 =	vmul.f32 v42, v37;
	v17 =	vadd.f32 $0.0e+00, v17  }
0x41d: {  	v9 =	vadd.f32 v9, v13;
	v10 =	vadd.f32 v10, v12;
	v29 =	vor.u32 v2, v29;
	v25 =	vld.idx.msk [tilespmem:v25+s14+$0x0], $0xffff  }
0x41e: {  	v20 =	vld.idx.msk [tilespmem:v50+s14+$0x0], $0xffff;
	v12 =	vmul.f32 v48, v32;
	v13 =	vadd.f32 v21, v17;
	v17 =	vmul.f32 v43, v39  }
0x41f: {  	(xrf2) =	vadd.scan.msk.f32 $0xffff, v18;
	v7 =	vadd.f32 v7, v8;
	v18 =	vmul.f32 v54, v45;
	v57 =	vmul.f32 v49, v41;
	v21 =	vld [tilespmem:s23+$0x60]  }
0x420: {  	v23 =	vld.idx.msk [tilespmem:v23+s14+$0x0], $0xffff;
	v12 =	vadd.f32 $0.0e+00, v12;
	v8 =	vadd.f32 v17, v13;
	v13 =	vmul.f32 v53, v47  }
0x421: {  	v26 =	vmul.f32 v56, v52;
	v24 =	vmul.f32 v63, v44;
	v27 =	vadd.f32 $0.0e+00, v57;
	v17 =	vld [tilespmem:s23+$0xFFFFFFF0]  }
0x422: {  	v29 =	vld.idx.msk [tilespmem:v29+s14+$0x0], $0xffff;
	v16 =	vmul.f32 v16, v22;
	v12 =	vadd.f32 v18, v12;
	v13 =	vadd.f32 $0.0e+00, v13  }
0x423: {  	(xrf2) =	vadd.scan.msk.f32 $0xffff, v10;
	v25 =	vmul.f32 v46, v25;
	v19 =	vmul.f32 v19, v20;
	v24 =	vadd.f32 v24, v27  }
0x424: {  	(xrf2) =	vadd.scan.msk.f32 $0xffff, v9;
	v9 =	vadd.f32 v16, v12;
	v11 =	vmul.f32 v21, v11;
	v13 =	vadd.f32 v26, v13  }
0x425: {  	v12 =	vmul.f32 v58, v23;
	v10 =	vadd.f32 v19, v24;
	v8 =	vadd.f32 v25, v8  }
0x426: {  	s28 =	sadd.s32 $0x2, s17;
	v16, _, _ =	vpop (xrf2);
	(xrf2) =	vadd.scan.msk.f32 $0xffff, v7;
	v15 =	vmul.f32 v17, v15;
	v7 =	vadd.f32 v11, v13;
	v13 =	vbroadcast v14, $0x0  }
0x427: {  	v11 =	vmul.f32 v59, v29;
	v14, _, _ =	vpop (xrf2);
	(xrf2) =	vadd.scan.msk.f32 $0xffff, v8;
	v8 =	vadd.f32 v12, v9;
	v12 =	vmov s28  }
0x428: {  	s29 =	sadd.s32 $0x1, s17;
	v10 =	vadd.f32 v15, v10;
	v9 =	vsub.f32 $0.0e+00, v14;
	v14 =	vmov s17  }
0x429: {  	s19 =	sadd.s32 $0x2, s16;
	v7 =	vadd.f32 v11, v7;
	v11 =	vand.u32 $0xFFFFFFFE, v12;
	v12 =	vmov s29  }
0x42a: {  	v15 =	vmov s19;
	(xrf2) =	vadd.scan.msk.f32 $0xffff, v10;
	v10 =	vsub.f32 $0.0e+00, v16;
	v12 =	vand.u32 $0xFFFFFFFD, v12  }
0x42b: {  	s23 =	sadd.s32 $0x1, s16;
	v14 =	vand.u32 $0xFFFFFFFC, v14;
	v11 =	vbroadcast v11, $0x0;
	(xrf2) =	vadd.scan.msk.f32 $0xffff, v8;
	v12 =	vbroadcast v12, $0x0  }
0x42c: {  	v8, _, _ =	vpop (xrf2);
	(xrf2) =	vadd.scan.msk.f32 $0xffff, v7;
	[tilespmem:v13+s25+$0x0] =	vst.idx.msk vm0, v10;
	v13 =	vand.u32 $0xFFFFFFFE, v15;
	v15 =	vmov s23  }
0x42d: {  	[tilespmem:v6+s25+$0x0] =	vst.idx.msk vm0, v9;
	v8 =	vsub.f32 $0.0e+00, v8;
	v7, _, _ =	vpop (xrf2);
	v6 =	vbroadcast v13, $0x0;
	v13 =	vand.u32 $0xFFFFFFFD, v15  }
0x42e: {  	s21 =	sadd.s32 $0x3, s17;
	v14 =	vbroadcast v14, $0x0;
	v16, _, _ =	vpop (xrf2)  }
0x42f: {  	v9 =	vmov s16;
	v10 =	vmov s21;
	[tilespmem:v5+s25+$0x0] =	vst.idx.msk vm0, v8;
	v5 =	vsub.f32 $0.0e+00, v16;
	v15, _, _ =	vpop (xrf2)  }
0x430: {  	v7 =	vsub.f32 $0.0e+00, v7;
	v8 =	vand.u32 $0xFFFFFFFC, v9;
	v9 =	vbroadcast v13, $0x0;
	v13, _, _ =	vpop (xrf2)  }
0x431: {  	[tilespmem:v12+s25+$0x0] =	vst.idx.msk vm0, v5;
	v5 =	vsub.f32 $0.0e+00, v13  }
0x432: {  	v8 =	vbroadcast v8, $0x0;
	[tilespmem:v11+s25+$0x0] =	vst.idx.msk vm0, v7;
	v7 =	vsub.f32 $0.0e+00, v15  }
0x433: {  	s28 =	sadd.s32 $0x3, s16;
	v11, _, _ =	vpop (xrf2)  }
0x434: {  	[tilespmem:v14+s25+$0x0] =	vst.idx.msk vm0, v7;
	v7 =	vsub.f32 $0.0e+00, v11;
	v11 =	vmov s28;
	v12, _, _ =	vpop (xrf2)  }
0x435: {  	[tilespmem:v10+s25+$0x0] =	vst.idx.msk vm0, v5;
	v10 =	vsub.f32 $0.0e+00, v12;
	v5, _, _ =	vpop (xrf2)  }
0x436: {  	[tilespmem:v6+s25+$0x0] =	vst.idx.msk vm0, v7;
	v5 =	vsub.f32 $0.0e+00, v5;
	v6, _, _ =	vpop (xrf2)  }
0x437: {  	[tilespmem:v9+s25+$0x0] =	vst.idx.msk vm0, v10;
	v6 =	vsub.f32 $0.0e+00, v6  }
0x438: {  	[tilespmem:v8+s25+$0x0] =	vst.idx.msk vm0, v5  }
0x439: {  	[tilespmem:v11+s25+$0x0] =	vst.idx.msk vm0, v6  }
0x43a: {  	v5 =	vld [tilespmem:$0x11400];
	_ =	sdelay $0x4  }
0x43b: {  	v6 =	vand.u32 $0x7FFFFFFF, v5  }
0x43c: {  	v6 =	vsub.f32 $0.0e+00, v6;
	_ =	sdelay $0x1  }
0x43d: {  	v6 =	vmul.f32 $1.442695020e+00, v6;
	_ =	sdelay $0x1  }
0x43e: {  	(erf) = vpow2.f32 v6;
	_ =	sdelay $0x2  }
0x43f: {  	v6 =	vld [tilespmem:$0x11410];
	_ =	sdelay $0x4  }
0x440: {  	v7 =	vand.u32 $0x7FFFFFFF, v6  }
0x441: {  	v7 =	vsub.f32 $0.0e+00, v7;
	v8 =	vpop (erf)  }
0x442: {  	v9 =	vadd.f32 $2.000000000e+00, v8  }
0x443: {  	v7 =	vmul.f32 $1.442695020e+00, v7  }
0x444: {  	(erf) = vrcp.f32 v9  }
0x445: {  	(erf) = vpow2.f32 v7;
	_ =	sdelay $0x2  }
0x446: {  	v7 =	vld [tilespmem:$0x11420];
	_ =	sdelay $0x4  }
0x447: {  	v10 =	vand.u32 $0x7FFFFFFF, v7;
	v9 =	vpop (erf)  }
0x448: {  	v10 =	vsub.f32 $0.0e+00, v10;
	v11 =	vpop (erf)  }
0x449: {  	v12 =	vadd.f32 $2.000000000e+00, v11  }
0x44a: {  	v10 =	vmul.f32 $1.442695020e+00, v10  }
0x44b: {  	(erf) = vrcp.f32 v12  }
0x44c: {  	(erf) = vpow2.f32 v10;
	_ =	sdelay $0x2  }
0x44d: {  	v10 =	vld [tilespmem:$0x11430];
	_ =	sdelay $0x4  }
0x44e: {  	v13 =	vand.u32 $0x7FFFFFFF, v10;
	v12 =	vpop (erf)  }
0x44f: {  	v13 =	vsub.f32 $0.0e+00, v13;
	v14 =	vpop (erf)  }
0x450: {  	v15 =	vadd.f32 $2.000000000e+00, v14  }
0x451: {  	v13 =	vmul.f32 $1.442695020e+00, v13  }
0x452: {  	(erf) = vrcp.f32 v15  }
0x453: {  	(erf) = vpow2.f32 v13;
	_ =	sdelay $0x2  }
0x454: {  	v13 =	vld [tilespmem:$0x11440];
	_ =	sdelay $0x4  }
0x455: {  	v16 =	vand.u32 $0x7FFFFFFF, v13;
	v15 =	vpop (erf)  }
0x456: {  	v16 =	vsub.f32 $0.0e+00, v16;
	v17 =	vpop (erf)  }
0x457: {  	v18 =	vadd.f32 $2.000000000e+00, v17  }
0x458: {  	v16 =	vmul.f32 $1.442695020e+00, v16  }
0x459: {  	(erf) = vrcp.f32 v18  }
0x45a: {  	(erf) = vpow2.f32 v16;
	_ =	sdelay $0x2  }
0x45b: {  	v16 =	vld [tilespmem:$0x11450];
	_ =	sdelay $0x4  }
0x45c: {  	v19 =	vand.u32 $0x7FFFFFFF, v16;
	v18 =	vpop (erf)  }
0x45d: {  	v19 =	vsub.f32 $0.0e+00, v19;
	v20 =	vpop (erf)  }
0x45e: {  	v21 =	vadd.f32 $2.000000000e+00, v20  }
0x45f: {  	v19 =	vmul.f32 $1.442695020e+00, v19  }
0x460: {  	(erf) = vrcp.f32 v21  }
0x461: {  	(erf) = vpow2.f32 v19;
	_ =	sdelay $0x2  }
0x462: {  	v19 =	vld [tilespmem:$0x11460];
	_ =	sdelay $0x4  }
0x463: {  	v22 =	vand.u32 $0x7FFFFFFF, v19;
	v21 =	vpop (erf)  }
0x464: {  	v22 =	vsub.f32 $0.0e+00, v22;
	v23 =	vpop (erf)  }
0x465: {  	v60 =	vadd.f32 $2.000000000e+00, v23  }
0x466: {  	v22 =	vmul.f32 $1.442695020e+00, v22  }
0x467: {  	(erf) = vrcp.f32 v60  }
0x468: {  	(erf) = vpow2.f32 v22;
	_ =	sdelay $0x2  }
0x469: {  	v22 =	vld [tilespmem:$0x11470];
	_ =	sdelay $0x4  }
0x46a: {  	v61 =	vand.u32 $0x7FFFFFFF, v22;
	v24 =	vpop (erf)  }
0x46b: {  	v25 =	vsub.f32 $0.0e+00, v61;
	v62 =	vpop (erf)  }
0x46c: {  	v8 =	vmul.f32 v9, v8;
	v9 =	vadd.f32 $2.000000000e+00, v62  }
0x46d: {  	v25 =	vmul.f32 $1.442695020e+00, v25  }
0x46e: {  	v63 =	vmul.f32 v8, v8;
	(erf) = vrcp.f32 v9  }
0x46f: {  	(erf) = vpow2.f32 v25  }
0x470: {  	v9 =	vmul.f32 $2.857142980e-01, v63  }
0x471: {  	v11 =	vmul.f32 v12, v11  }
0x472: {  	v12 =	vmul.f32 v15, v14;
	v9 =	vadd.f32 $4.000000060e-01, v9  }
0x473: {  	v14 =	vmul.f32 v11, v11  }
0x474: {  	v15 =	vmul.f32 v12, v12;
	v9 =	vmul.f32 v9, v63  }
0x475: {  	v32 =	vmul.f32 $2.857142980e-01, v14  }
0x476: {  	v33 =	vmul.f32 $2.857142980e-01, v15;
	v9 =	vadd.f32 $6.666666860e-01, v9  }
0x477: {  	v25 =	vadd.f32 $4.000000060e-01, v32;
	v34 =	vpop (erf)  }
0x478: {  	v35 =	vadd.f32 $4.000000060e-01, v33;
	v9 =	vmul.f32 v9, v63;
	v36 =	vpop (erf)  }
0x479: {  	v25 =	vmul.f32 v25, v14;
	v37 =	vadd.f32 $2.000000000e+00, v36  }
0x47a: {  	v27 =	vmul.f32 v35, v15;
	v9 =	vadd.f32 $2.000000000e+00, v9  }
0x47b: {  	v17 =	vmul.f32 v18, v17;
	v25 =	vadd.f32 $6.666666860e-01, v25;
	(erf) = vrcp.f32 v37  }
0x47c: {  	v38 =	vld [tilespmem:$0x11480];
	v5 =	vmin.f32 v5, $0.0e+00;
	v8 =	vmul.f32 v9, v8  }
0x47d: {  	v18 =	vmul.f32 v17, v17;
	v9 =	vmul.f32 v25, v14;
	v14 =	vadd.f32 $6.666666860e-01, v27  }
0x47e: {  	v5 =	vsub.f32 v5, v8;
	v8 =	vmul.f32 v21, v20  }
0x47f: {  	v9 =	vadd.f32 $2.000000000e+00, v9;
	v14 =	vmul.f32 v14, v15;
	v15 =	vmul.f32 $2.857142980e-01, v18  }
0x480: {  	v6 =	vmin.f32 v6, $0.0e+00;
	v21 =	vmul.f32 v24, v23;
	v20 =	vmul.f32 v8, v8  }
0x481: {  	v5 =	vadd.f32 v5, v38;
	v9 =	vmul.f32 v9, v11;
	v11 =	vadd.f32 $2.000000000e+00, v14  }
0x482: {  	v14 =	vadd.f32 $4.000000060e-01, v15;
	v23 =	vmul.f32 v21, v21;
	v15 =	vmul.f32 $2.857142980e-01, v20  }
0x483: {  	v6 =	vsub.f32 v6, v9;
	v9 =	vmul.f32 v11, v12;
	v11 =	vmul.f32 v34, v62  }
0x484: {  	v12 =	vmul.f32 v14, v18;
	v14 =	vadd.f32 $4.000000060e-01, v15;
	v15 =	vmul.f32 $2.857142980e-01, v23;
	v39 =	vpop (erf)  }
0x485: {  	v5 =	vadd.f32 v6, v5;
	v6 =	vmul.f32 v11, v11;
	v24 =	vmul.f32 v39, v36  }
0x486: {  	v7 =	vmin.f32 v7, $0.0e+00;
	v12 =	vadd.f32 $6.666666860e-01, v12;
	v14 =	vmul.f32 v14, v20  }
0x487: {  	v15 =	vadd.f32 $4.000000060e-01, v15;
	v40 =	vmul.f32 $2.857142980e-01, v6;
	v41 =	vmul.f32 v24, v24  }
0x488: {  	v7 =	vsub.f32 v7, v9;
	v9 =	vmul.f32 v12, v18;
	v12 =	vadd.f32 $6.666666860e-01, v14  }
0x489: {  	v14 =	vmul.f32 v15, v23;
	v15 =	vadd.f32 $4.000000060e-01, v40;
	v18 =	vmul.f32 $2.857142980e-01, v41  }
0x48a: {  	v5 =	vadd.f32 v7, v5;
	v7 =	vadd.f32 $2.000000000e+00, v9;
	v9 =	vmul.f32 v12, v20  }
0x48b: {  	v12 =	vadd.f32 $6.666666860e-01, v14;
	v14 =	vmul.f32 v15, v6;
	v15 =	vadd.f32 $4.000000060e-01, v18  }
0x48c: {  	v10 =	vmin.f32 v10, $0.0e+00;
	v7 =	vmul.f32 v7, v17;
	v9 =	vadd.f32 $2.000000000e+00, v9  }
0x48d: {  	v12 =	vmul.f32 v12, v23;
	v14 =	vadd.f32 $6.666666860e-01, v14;
	v15 =	vmul.f32 v15, v41  }
0x48e: {  	v7 =	vsub.f32 v10, v7;
	v8 =	vmul.f32 v9, v8;
	v9 =	vmin.f32 v13, $0.0e+00  }
0x48f: {  	v10 =	vadd.f32 $2.000000000e+00, v12;
	v6 =	vmul.f32 v14, v6;
	v12 =	vadd.f32 $6.666666860e-01, v15  }
0x490: {  	v5 =	vadd.f32 v7, v5;
	v7 =	vsub.f32 v9, v8  }
0x491: {  	v8 =	vmul.f32 v10, v21;
	v6 =	vadd.f32 $2.000000000e+00, v6;
	v9 =	vmul.f32 v12, v41  }
0x492: {  	v5 =	vadd.f32 v7, v5;
	v7 =	vmin.f32 v16, $0.0e+00  }
0x493: {  	v6 =	vmul.f32 v6, v11;
	v7 =	vsub.f32 v7, v8;
	v8 =	vadd.f32 $2.000000000e+00, v9  }
0x494: {  	v9 =	vmin.f32 v19, $0.0e+00  }
0x495: {  	v5 =	vadd.f32 v7, v5;
	v6 =	vsub.f32 v9, v6;
	v7 =	vmul.f32 v8, v24  }
0x496: {  	s29 =	sadd.s32 $0x0, s0;
	v8 =	vmin.f32 v22, $0.0e+00  }
0x497: {  	s21 =	sadd.s32 $0x81, s29;
	v5 =	vadd.f32 v6, v5;
	v6 =	vsub.f32 v8, v7  }
0x498: {  	v7 =	vmov s21  }
0x499: {  	v7 =	vand.u32 $0xFFFFFFFD, v7;
	v5 =	vadd.f32 v6, v5  }
0x49a: {  	v7 =	vbroadcast v7, $0x0  }
0x49b: {  	p0 =	seq.s32 s15, $0x27;
	s18 =	sadd.s32 $0x82, s29;
	s16 =	sadd.s32 $0x83, s29;
	[tilespmem:$0x11480] =	vst v5  }
0x49c: {  	s17 =	sshll.u32 @!p0 s15, $0x8;
	v8 =	vmov s16;
	v6 =	vmov s18;
	_ =	swait.ge [sflag:s26], $0x2000  }
0x49d: {  	s19 =	simm.s32 @!p0 $0xD400;
	s17 =	sand.u32 @!p0 $0x3FFFFF00, s17;
	v5 =	vand.u32 $0xFFFFFFFE, v6;
	[sflag:s26] =	ssyncset.done $0x0  }
0x49e: {  	s17 =	sadd.s32 @!p0 $0x500, s17;
	s18 =	simm.s32 @!p0 $0x80;
	v5 =	vbroadcast v5, $0x0;
	[sflag:s26] =	ssyncadd.s32 $0xFFFFE000  }
0x49f: {  	[tilespmem:s19], [sflag:$0x1] =	stream.indirect.gather @!p0 [hbm4b:s4+s18], $0x40, s17, s18, $0xb8;
	[tilespmem:$0x11490] =	vst v63  }
0x4a0: {  	v7 =	vld.idx.msk [tilespmem:v7+s12+$0x0], $0xffff  }
0x4a1: {  	s16 =	simm.s32 $0xF480;
	v8 =	vld.idx.msk [tilespmem:v8+s12+$0x0], $0xffff  }
0x4a2: {  	v12 =	vld [tilespmem:s16+$0x0]  }
0x4a3: {  	v14 =	vld [tilespmem:s16+$0x10]  }
0x4a4: {  	v5 =	vld.idx.msk [tilespmem:v5+s12+$0x0], $0xffff  }
0x4a5: {  	s19 =	sadd.s32 $0x80, s29;
	v16 =	vld [tilespmem:s16+$0x20]  }
0x4a6: {  	v6 =	vmov s19;
	v18 =	vld [tilespmem:s16+$0x30]  }
0x4a7: {  	v21 =	vld [tilespmem:s16+$0xFFFFFF80];
	v6 =	vand.u32 $0xFFFFFFFC, v6  }
0x4a8: {  	v22 =	vld [tilespmem:s16+$0xFFFFFFC0];
	v6 =	vbroadcast v6, $0x0  }
0x4a9: {  	v43 =	vld [tilespmem:s16+$0x40];
	v5 =	vshll.u32 v5, $0x6  }
0x4aa: {  	v45 =	vld [tilespmem:s16+$0xFFFFFF90];
	v9 =	vor.u32 v1, v5  }
0x4ab: {  	v46 =	vld [tilespmem:s16+$0xFFFFFFD0]  }
0x4ac: {  	v48 =	vld [tilespmem:s16+$0xFFFFFFE0];
	v10 =	vor.u32 v4, v5  }
0x4ad: {  	v53 =	vld [tilespmem:s16+$0xFFFFFFF0];
	v11 =	vor.u32 v3, v5  }
0x4ae: {  	v7 =	vshll.u32 v7, $0x6;
	v6 =	vld.idx.msk [tilespmem:v6+s12+$0x0], $0xffff;
	v5 =	vor.u32 v2, v5  }
0x4af: {  	s18 =	simm.s32 $0xF580;
	v15 =	vor.u32 v1, v7;
	v9 =	vld.idx.msk [tilespmem:v9+s14+$0x0], $0xffff  }
0x4b0: {  	v56 =	vld [tilespmem:s18+$0x10];
	v19 =	vor.u32 v4, v7  }
0x4b1: {  	s23 =	sadd.s32 $0x4, s0;
	v8 =	vshll.u32 v8, $0x6;
	v42 =	vor.u32 v3, v7;
	v10 =	vld.idx.msk [tilespmem:v10+s14+$0x0], $0xffff  }
0x4b2: {  	s28 =	sadd.s32 $0x82, s23;
	v20 =	vor.u32 v1, v8;
	v11 =	vld.idx.msk [tilespmem:v11+s14+$0x0], $0xffff  }
0x4b3: {  	v44 =	vmov s28;
	v6 =	vshll.u32 v6, $0x6;
	v5 =	vld.idx.msk [tilespmem:v5+s14+$0x0], $0xffff  }
0x4b4: {  	v26 =	vand.u32 $0xFFFFFFFE, v44;
	v15 =	vld.idx.msk [tilespmem:v15+s14+$0x0], $0xffff;
	v13 =	vor.u32 v1, v6;
	v9 =	vmul.f32 v12, v9  }
0x4b5: {  	v26 =	vbroadcast v26, $0x0;
	v19 =	vld.idx.msk [tilespmem:v19+s14+$0x0], $0xffff;
	v17 =	vor.u32 v4, v6  }
0x4b6: {  	v24 =	vld.idx.msk [tilespmem:v42+s14+$0x0], $0xffff;
	v23 =	vor.u32 v3, v6;
	v10 =	vmul.f32 v14, v10;
	v9 =	vadd.f32 $0.0e+00, v9  }
0x4b7: {  	v6 =	vor.u32 v2, v6;
	v12 =	vld.idx.msk [tilespmem:v20+s14+$0x0], $0xffff  }
0x4b8: {  	v5 =	vmul.f32 v18, v5;
	v18 =	vld [tilespmem:s16+$0xFFFFFFA0];
	v9 =	vadd.f32 v10, v9;
	v10 =	vmul.f32 v16, v11  }
0x4b9: {  	s21 =	sadd.s32 $0x81, s23;
	v7 =	vor.u32 v2, v7;
	v13 =	vld.idx.msk [tilespmem:v13+s14+$0x0], $0xffff  }
0x4ba: {  	v47 =	vmov s21;
	v20 =	vor.u32 v4, v8;
	v17 =	vld.idx.msk [tilespmem:v17+s14+$0x0], $0xffff;
	v9 =	vadd.f32 v10, v9  }
0x4bb: {  	v29 =	vand.u32 $0xFFFFFFFD, v47;
	v23 =	vld.idx.msk [tilespmem:v23+s14+$0x0], $0xffff  }
0x4bc: {  	s29 =	sadd.s32 $0x80, s23;
	v11 =	vbroadcast v29, $0x0;
	v5 =	vadd.f32 v5, v9;
	v9 =	vld.idx.msk [tilespmem:v26+s12+$0x0], $0xffff  }
0x4bd: {  	v14 =	vmov s29;
	v51 =	vld.idx.msk [tilespmem:v6+s14+$0x0], $0xffff  }
0x4be: {  	v49 =	vor.u32 v3, v8;
	v14 =	vand.u32 $0xFFFFFFFC, v14;
	v6 =	vor.u32 v2, v8;
	v8 =	vld.idx.msk [tilespmem:v7+s14+$0x0], $0xffff  }
0x4bf: {  	v14 =	vbroadcast v14, $0x0;
	v16 =	vld.idx.msk [tilespmem:v20+s14+$0x0], $0xffff  }
0x4c0: {  	s17 =	sadd.s32 $0x83, s23;
	v20 =	vld [tilespmem:s16+$0x50]  }
0x4c1: {  	v10 =	vmov s17;
	v7 =	vmul.f32 v21, v13;
	v21 =	vld [tilespmem:s16+$0xFFFFFFB0];
	v9 =	vshll.u32 v9, $0x6  }
0x4c2: {  	(xrf2) =	vadd.scan.msk.f32 $0xffff, v5;
	v5 =	vld.idx.msk [tilespmem:v11+s12+$0x0], $0xffff;
	v11 =	vor.u32 v1, v9  }
0x4c3: {  	v54 =	vld.idx.msk [tilespmem:v6+s14+$0x0], $0xffff  }
0x4c4: {  	v17 =	vmul.f32 v45, v17;
	v18 =	vmul.f32 v18, v23;
	v23 =	vld [tilespmem:s18+$0x0];
	v7 =	vadd.f32 $0.0e+00, v7  }
0x4c5: {  	v12 =	vmul.f32 v43, v12;
	v14 =	vld.idx.msk [tilespmem:v14+s12+$0x0], $0xffff;
	v52 =	vor.u32 v4, v9  }
0x4c6: {  	s23 =	simm.s32 $0x2;
	v6 =	vadd.f32 v17, v7;
	v16 =	vmul.f32 v20, v16;
	v50 =	vld.idx.msk [tilespmem:v10+s12+$0x0], $0xffff;
	v17 =	vor.u32 v3, v9  }
0x4c7: {  	v10 =	vmul.f32 v22, v15;
	v22 =	vmov s23;
	v9 =	vor.u32 v2, v9;
	v20 =	vld.idx.msk [tilespmem:v11+s14+$0x0], $0xffff  }
0x4c8: {  	v19 =	vmul.f32 v46, v19;
	v13 =	vld.idx.msk [tilespmem:v49+s14+$0x0], $0xffff;
	v22 =	vand.u32 $0xFFFFFFFE, v22  }
0x4c9: {  	v12 =	vadd.f32 $0.0e+00, v12;
	v15 =	vld [tilespmem:s16+$0x60];
	v7 =	vbroadcast v22, $0x0  }
0x4ca: {  	v55 =	vadd.f32 v18, v6;
	v10 =	vadd.f32 $0.0e+00, v10;
	v6 =	vshll.u32 v14, $0x6;
	v14 =	vld.idx.msk [tilespmem:v52+s14+$0x0], $0xffff  }
0x4cb: {  	v8 =	vmul.f32 v53, v8;
	v16 =	vadd.f32 v16, v12;
	v18 =	vor.u32 v1, v6;
	v60 =	vld.idx.msk [tilespmem:v17+s14+$0x0], $0xffff  }
0x4cc: {  	v10 =	vadd.f32 v19, v10;
	v19, _, _ =	vpop (xrf2);
	v17 =	vmul.f32 v23, v20;
	v23 =	vld.idx.msk [tilespmem:v9+s14+$0x0], $0xffff;
	v9 =	vmul.f32 v21, v51  }
0x4cd: {  	v22 =	vld [tilespmem:s16+$0x70];
	v5 =	vshll.u32 v5, $0x6;
	v11 =	vsub.f32 $0.0e+00, v19;
	v19 =	vmul.f32 v48, v24  }
0x4ce: {  	v57 =	vor.u32 v4, v6;
	v58 =	vor.u32 v1, v5;
	v21 =	vadd.f32 v9, v55  }
0x4cf: {  	v61 =	vld [tilespmem:s18+$0x20];
	v59 =	vor.u32 v4, v5;
	v19 =	vadd.f32 v19, v10;
	[tilespmem:v7+s25+$0x0] =	vst.idx.msk vm0, v11  }
0x4d0: {  	v10 =	vor.u32 v3, v5;
	v7 =	vor.u32 v2, v5;
	v5 =	vmul.f32 v15, v13;
	(xrf2) =	vadd.scan.msk.f32 $0xffff, v21  }
0x4d1: {  	v30 =	vshll.u32 v50, $0x6;
	v13 =	vld [tilespmem:s18+$0x30];
	v14 =	vmul.f32 v56, v14;
	v63 =	vadd.f32 v8, v19  }
0x4d2: {  	v18 =	vld.idx.msk [tilespmem:v18+s14+$0x0], $0xffff;
	v5 =	vadd.f32 v5, v16;
	v16 =	vmul.f32 v22, v54;
	v15 =	vadd.f32 $0.0e+00, v17  }
0x4d3: {  	v62 =	vor.u32 v1, v30;
	v12 =	vor.u32 v4, v30;
	v20 =	vld [tilespmem:s18+$0xFFFFFF80];
	(xrf2) =	vadd.scan.msk.f32 $0xffff, v63  }
0x4d4: {  	v22 =	vmul.f32 v61, v60;
	v19 =	vld [tilespmem:s18+$0xFFFFFFC0];
	v5 =	vadd.f32 v16, v5;
	v15 =	vadd.f32 v14, v15  }
0x4d5: {  	s28 =	simm.s32 $0x0;
	v11 =	vor.u32 v3, v6;
	v6 =	vor.u32 v2, v6;
	v8 =	vor.u32 v2, v30;
	v17 =	vld.idx.msk [tilespmem:v58+s14+$0x0], $0xffff  }
0x4d6: {  	s29 =	simm.s32 $0x1;
	v16 =	vld.idx.msk [tilespmem:v59+s14+$0x0], $0xffff;
	v21 =	vmov s28;
	v13 =	vmul.f32 v13, v23;
	v15 =	vadd.f32 v22, v15;
	(xrf2) =	vadd.scan.msk.f32 $0xffff, v5  }
0x4d7: {  	s21 =	simm.s32 $0x3;
	s19 =	simm.s32 $0xC;
	v9 =	vor.u32 v3, v30;
	v14 =	vld.idx.msk [tilespmem:v57+s14+$0x0], $0xffff;
	v23 =	vmov s29;
	v22 =	vand.u32 $0xFFFFFFFC, v21  }
0x4d8: {  	s17 =	simm.s32 $0x4;
	s23 =	sadd.s32 $0x8, s0;
	s16 =	simm.s32 $0x8;
	v21 =	vld.idx.msk [tilespmem:v62+s14+$0x0], $0xffff;
	v5 =	vbroadcast v22, $0x0;
	v15 =	vadd.f32 v13, v15;
	v13 =	vand.u32 $0xFFFFFFFD, v23  }
.LBB2_13:
0x4d9: {  	p0 =	slt.u32 s19, $0x7C;
	s28 =	sadd.s32 $0x80, s23;
	s29 =	sadd.s32 $0x82, s23;
	v18 =	vmul.f32 v20, v18;
	v20 =	vld [tilespmem:s18+$0x40];
	v13 =	vbroadcast v13, $0x0;
	v22 =	vmov s21  }
0x4da: {  	s21 =	smov.u32 s17;
	v23 =	vmov s28;
	s28 =	sadd.s32 $0x81, s23;
	v24 =	vmov s29;
	s23 =	sadd.s32 $0x83, s23;
	v25 =	vld [tilespmem:s18+$0xFFFFFF90];
	v17 =	vmul.f32 v19, v17;
	(xrf2) =	vadd.scan.msk.f32 $0xffff, v15;
	v15, _, _ =	vpop (xrf2)  }
0x4db: {  	s17 =	smov.u32 s16;
	s16 =	smov.u32 s19;
	v19 =	vand.u32 $0xFFFFFFFC, v23;
	v23 =	vmov s28;
	v24 =	vand.u32 $0xFFFFFFFE, v24;
	v26 =	vld [tilespmem:s18+$0xFFFFFFD0]  }
0x4dc: {  	v19 =	vbroadcast v19, $0x0;
	v23 =	vand.u32 $0xFFFFFFFD, v23;
	v24 =	vbroadcast v24, $0x0;
	v11 =	vld.idx.msk [tilespmem:v11+s14+$0x0], $0xffff  }
0x4dd: {  	v27 =	vmov s23;
	v18 =	vadd.f32 $0.0e+00, v18;
	v23 =	vbroadcast v23, $0x0;
	v10 =	vld.idx.msk [tilespmem:v10+s14+$0x0], $0xffff;
	v28, _, _ =	vpop (xrf2)  }
0x4de: {  	s23 =	sadd.s32 $0x2, s21;
	v15 =	vsub.f32 $0.0e+00, v15;
	v17 =	vadd.f32 $0.0e+00, v17;
	v20 =	vmul.f32 v20, v21;
	v12 =	vld.idx.msk [tilespmem:v12+s14+$0x0], $0xffff  }
0x4df: {  	v21 =	vmov s23;
	v28 =	vsub.f32 $0.0e+00, v28;
	v14 =	vmul.f32 v25, v14;
	v25 =	vld [tilespmem:s18+$0x50]  }
0x4e0: {  	v21 =	vand.u32 $0xFFFFFFFE, v21;
	v29 =	vld [tilespmem:s18+$0xFFFFFFA0];
	v16 =	vmul.f32 v26, v16;
	v20 =	vadd.f32 $0.0e+00, v20;
	[tilespmem:v5+s25+$0x0] =	vst.idx.msk vm0, v15;
	v5, _, _ =	vpop (xrf2)  }
0x4e1: {  	v14 =	vadd.f32 v14, v18;
	v15 =	vld [tilespmem:s18+$0xFFFFFFE0];
	v18 =	vbroadcast v21, $0x0;
	[tilespmem:v13+s25+$0x0] =	vst.idx.msk vm0, v28;
	v5 =	vsub.f32 $0.0e+00, v5  }
0x4e2: {  	v13 =	vld.idx.msk [tilespmem:v24+s12+$0x0], $0xffff;
	v16 =	vadd.f32 v16, v17  }
0x4e3: {  	v17 =	vld.idx.msk [tilespmem:v19+s12+$0x0], $0xffff;
	[tilespmem:v22+s25+$0x0] =	vst.idx.msk vm0, v5  }
0x4e4: {  	v5 =	vld.idx.msk [tilespmem:v23+s12+$0x0], $0xffff;
	v12 =	vmul.f32 v25, v12;
	v19, _, _ =	vpop (xrf2)  }
0x4e5: {  	v21 =	vld.idx.msk [tilespmem:v27+s12+$0x0], $0xffff;
	v11 =	vmul.f32 v29, v11;
	v19 =	vsub.f32 $0.0e+00, v19  }
0x4e6: {  	v22 =	vld.idx.msk [tilespmem:v6+s14+$0x0], $0xffff;
	v6 =	vmul.f32 v15, v10;
	v15 =	vadd.f32 v12, v20  }
0x4e7: {  	v14 =	vadd.f32 v11, v14;
	v20 =	vld.idx.msk [tilespmem:v7+s14+$0x0], $0xffff;
	[tilespmem:v18+s25+$0x0] =	vst.idx.msk vm0, v19  }
0x4e8: {  	v13 =	vshll.u32 v13, $0x6;
	v16 =	vadd.f32 v6, v16;
	v18 =	vld.idx.msk [tilespmem:v9+s14+$0x0], $0xffff  }
0x4e9: {  	v6 =	vshll.u32 v17, $0x6;
	v9 =	vor.u32 v1, v13;
	v17 =	vld [tilespmem:s18+$0x60]  }
0x4ea: {  	v19 =	vor.u32 v1, v6;
	v23 =	vor.u32 v4, v6;
	v5 =	vshll.u32 v5, $0x6;
	v24 =	vld [tilespmem:s18+$0xFFFFFFB0]  }
0x4eb: {  	v27 =	vor.u32 v4, v13;
	v25 =	vor.u32 v1, v5;
	v26 =	vor.u32 v4, v5;
	v28 =	vld [tilespmem:s18+$0xFFFFFFF0]  }
0x4ec: {  	v11 =	vor.u32 v3, v6;
	v10 =	vor.u32 v3, v5;
	v21 =	vshll.u32 v21, $0x6;
	v29 =	vld.idx.msk [tilespmem:v8+s14+$0x0], $0xffff  }
0x4ed: {  	v30 =	vor.u32 v3, v13;
	v6 =	vor.u32 v2, v6;
	v31 =	vor.u32 v1, v21;
	v32 =	vld [tilespmem:s18+$0x70]  }
0x4ee: {  	v7 =	vor.u32 v2, v5;
	v12 =	vor.u32 v4, v21;
	s18 =	sadd.s32 $0x100, s18;
	v5 =	vld.idx.msk [tilespmem:v9+s14+$0x0], $0xffff;
	v9 =	vor.u32 v3, v21  }
0x4ef: {  	v13 =	vor.u32 v2, v13;
	v8 =	vor.u32 v2, v21;
	v17 =	vmul.f32 v17, v18;
	v33 =	vld [tilespmem:s18+$0x0]  }
0x4f0: {  	v18 =	vmul.f32 v24, v22;
	v21 =	vld.idx.msk [tilespmem:v27+s14+$0x0], $0xffff;
	v20 =	vmul.f32 v28, v20  }
0x4f1: {  	v15 =	vadd.f32 v17, v15;
	v22 =	vld [tilespmem:s18+$0x10]  }
0x4f2: {  	v14 =	vadd.f32 v18, v14;
	v24 =	vld.idx.msk [tilespmem:v30+s14+$0x0], $0xffff;
	v16 =	vadd.f32 v20, v16;
	v17 =	vmul.f32 v32, v29  }
0x4f3: {  	v27 =	vld [tilespmem:s18+$0x20]  }
0x4f4: {  	v5 =	vmul.f32 v33, v5;
	v13 =	vld.idx.msk [tilespmem:v13+s14+$0x0], $0xffff;
	v15 =	vadd.f32 v17, v15;
	(xrf2) =	vadd.scan.msk.f32 $0xffff, v14  }
0x4f5: {  	v28 =	vld [tilespmem:s18+$0x30]  }
0x4f6: {  	v18 =	vld.idx.msk [tilespmem:v19+s14+$0x0], $0xffff;
	v5 =	vadd.f32 $0.0e+00, v5;
	v14 =	vmul.f32 v22, v21  }
0x4f7: {  	v17 =	vld.idx.msk [tilespmem:v25+s14+$0x0], $0xffff;
	(xrf2) =	vadd.scan.msk.f32 $0xffff, v16  }
.Ltmp5:
0x4f8: {  	v20 =	vld [tilespmem:s18+$0xFFFFFF80];
	v5 =	vadd.f32 v14, v5;
	v16 =	vmul.f32 v27, v24;
	(pc) =	sbr.rel @p0 .LBB2_13-.Ltmp5, $4  }
0x4f9: {  	v19 =	vld [tilespmem:s18+$0xFFFFFFC0]  }
0x4fa: {  	s23 =	sadd.s32 $0x1, s21;
	v21 =	vmov s21;
	v14 =	vld.idx.msk [tilespmem:v23+s14+$0x0], $0xffff;
	v5 =	vadd.f32 v16, v5;
	v13 =	vmul.f32 v28, v13;
	(xrf2) =	vadd.scan.msk.f32 $0xffff, v15  }
0x4fb: {  	v22 =	vand.u32 $0xFFFFFFFC, v21;
	v23 =	vmov s23;
	v16 =	vld.idx.msk [tilespmem:v26+s14+$0x0], $0xffff  }
0x4fc: {  	s19 =	sadd.s32 $0x4, s19;
	s21 =	sadd.s32 $0x3, s21;
	s23 =	sadd.s32 s16, s0;
	v15 =	vadd.f32 v13, v5;
	v21 =	vld.idx.msk [tilespmem:v31+s14+$0x0], $0xffff;
	v5 =	vbroadcast v22, $0x0;
	v13 =	vand.u32 $0xFFFFFFFD, v23  }
0x4fd: {  	_ = 	snop  }
0x4fe: {  	v22 =	vld [tilespmem:s18+$0x40]  }
0x4ff: {  	v24 =	vld [tilespmem:s18+$0xFFFFFF90]  }
0x500: {  	v26 =	vld [tilespmem:s18+$0xFFFFFFD0]  }
0x501: {  	v11 =	vld.idx.msk [tilespmem:v11+s14+$0x0], $0xffff  }
0x502: {  	v10 =	vld.idx.msk [tilespmem:v10+s14+$0x0], $0xffff  }
0x503: {  	v12 =	vld.idx.msk [tilespmem:v12+s14+$0x0], $0xffff  }
0x504: {  	v28 =	vld [tilespmem:s18+$0x50]  }
0x505: {  	v30 =	vld [tilespmem:s18+$0xFFFFFFA0]  }
0x506: {  	v31 =	vld [tilespmem:s18+$0xFFFFFFE0]  }
0x507: {  	v6 =	vld.idx.msk [tilespmem:v6+s14+$0x0], $0xffff  }
0x508: {  	v7 =	vld.idx.msk [tilespmem:v7+s14+$0x0], $0xffff  }
0x509: {  	v9 =	vld.idx.msk [tilespmem:v9+s14+$0x0], $0xffff  }
0x50a: {  	v33 =	vld [tilespmem:s18+$0x60]  }
0x50b: {  	v34 =	vld [tilespmem:s18+$0xFFFFFFB0]  }
0x50c: {  	v36 =	vld [tilespmem:s18+$0xFFFFFFF0]  }
0x50d: {  	s19 =	sadd.s32 $0x82, s23;
	s28 =	sadd.s32 $0x80, s23;
	v8 =	vld.idx.msk [tilespmem:v8+s14+$0x0], $0xffff  }
0x50e: {  	s29 =	sadd.s32 $0x81, s23;
	s23 =	sadd.s32 $0x83, s23;
	v38 =	vld [tilespmem:s18+$0x70];
	v25 =	vmov s28;
	s28 =	sadd.s32 $0x100, s18  }
0x50f: {  	v23 =	vmov s19;
	v29 =	vmov s23;
	v39 =	vld [tilespmem:s28+$0x0]  }
0x510: {  	v23 =	vand.u32 $0xFFFFFFFE, v23;
	v41 =	vld [tilespmem:s28+$0x10]  }
0x511: {  	v43 =	vld [tilespmem:s28+$0x20];
	v23 =	vbroadcast v23, $0x0  }
0x512: {  	v27 =	vmov s29;
	v25 =	vand.u32 $0xFFFFFFFC, v25;
	v45 =	vld [tilespmem:s28+$0x30]  }
0x513: {  	v27 =	vand.u32 $0xFFFFFFFD, v27;
	v48 =	vld [tilespmem:s28+$0xFFFFFF80];
	v25 =	vbroadcast v25, $0x0  }
0x514: {  	v27 =	vbroadcast v27, $0x0;
	v29 =	vld.idx.msk [tilespmem:v29+s12+$0x0], $0xffff  }
0x515: {  	v49 =	vld [tilespmem:s28+$0xFFFFFFC0]  }
0x516: {  	v18 =	vmul.f32 v20, v18;
	v20 =	vld [tilespmem:s28+$0x40]  }
0x517: {  	v23 =	vld.idx.msk [tilespmem:v23+s12+$0x0], $0xffff  }
0x518: {  	v52 =	vld [tilespmem:s28+$0xFFFFFF90]  }
0x519: {  	v25 =	vld.idx.msk [tilespmem:v25+s12+$0x0], $0xffff;
	v29 =	vshll.u32 v29, $0x6  }
0x51a: {  	v27 =	vld.idx.msk [tilespmem:v27+s12+$0x0], $0xffff;
	v47 =	vor.u32 v1, v29  }
0x51b: {  	v56 =	vld [tilespmem:s28+$0xFFFFFFD0];
	v63 =	vor.u32 v4, v29  }
0x51c: {  	v62 =	vld [tilespmem:s28+$0x50];
	v23 =	vshll.u32 v23, $0x6  }
0x51d: {  	v11 =	vmul.f32 v30, v11;
	v30 =	vld [tilespmem:s28+$0xFFFFFFE0];
	v32 =	vor.u32 v1, v23  }
0x51e: {  	v8 =	vmul.f32 v38, v8;
	v38 =	vld [tilespmem:s28+$0xFFFFFFB0];
	v35 =	vor.u32 v4, v23  }
0x51f: {  	v25 =	vshll.u32 v25, $0x6;
	v27 =	vshll.u32 v27, $0x6;
	v37 =	vor.u32 v3, v23;
	v47 =	vld.idx.msk [tilespmem:v47+s14+$0x0], $0xffff  }
0x520: {  	v23 =	vor.u32 v2, v23;
	v44 =	vor.u32 v4, v25;
	v46 =	vor.u32 v4, v27;
	v4 =	vld.idx.msk [tilespmem:v63+s14+$0x0], $0xffff  }
0x521: {  	v40 =	vor.u32 v1, v25;
	v63 =	vld [tilespmem:s28+$0xFFFFFFA0]  }
0x522: {  	v42 =	vor.u32 v1, v27;
	v32 =	vld.idx.msk [tilespmem:v32+s14+$0x0], $0xffff  }
0x523: {  	v17 =	vmul.f32 v19, v17;
	v35 =	vld.idx.msk [tilespmem:v35+s14+$0x0], $0xffff  }
0x524: {  	v37 =	vld.idx.msk [tilespmem:v37+s14+$0x0], $0xffff  }
0x525: {  	v18 =	vadd.f32 $0.0e+00, v18;
	v17 =	vadd.f32 $0.0e+00, v17;
	v50 =	vor.u32 v3, v25;
	v23 =	vld.idx.msk [tilespmem:v23+s14+$0x0], $0xffff  }
0x526: {  	v14 =	vmul.f32 v24, v14;
	v57 =	vmul.f32 v22, v21;
	v51 =	vor.u32 v3, v27;
	v40 =	vld.idx.msk [tilespmem:v40+s14+$0x0], $0xffff  }
0x527: {  	v16 =	vmul.f32 v26, v16;
	v12 =	vmul.f32 v28, v12;
	v59 =	vor.u32 v2, v25;
	v42 =	vld.idx.msk [tilespmem:v42+s14+$0x0], $0xffff  }
0x528: {  	v10 =	vmul.f32 v31, v10;
	v19 =	vadd.f32 $0.0e+00, v57;
	v61 =	vor.u32 v2, v27;
	v44 =	vld.idx.msk [tilespmem:v44+s14+$0x0], $0xffff  }
0x529: {  	v9 =	vmul.f32 v33, v9;
	v14 =	vadd.f32 v14, v18;
	v3 =	vor.u32 v3, v29;
	v46 =	vld.idx.msk [tilespmem:v46+s14+$0x0], $0xffff  }
0x52a: {  	v16 =	vadd.f32 v16, v17;
	v12 =	vadd.f32 v12, v19;
	v2 =	vor.u32 v2, v29;
	v58 =	vld.idx.msk [tilespmem:v50+s14+$0x0], $0xffff  }
0x52b: {  	v6 =	vmul.f32 v34, v6;
	v11 =	vadd.f32 v11, v14;
	v60 =	vld.idx.msk [tilespmem:v51+s14+$0x0], $0xffff  }
0x52c: {  	v7 =	vmul.f32 v36, v7;
	v10 =	vadd.f32 v10, v16;
	v9 =	vadd.f32 v9, v12;
	v31 =	vld.idx.msk [tilespmem:v59+s14+$0x0], $0xffff  }
0x52d: {  	v6 =	vadd.f32 v6, v11;
	v25 =	vld.idx.msk [tilespmem:v61+s14+$0x0], $0xffff;
	v4 =	vmul.f32 v62, v4;
	v28 =	vmul.f32 v39, v32  }
0x52e: {  	v7 =	vadd.f32 v7, v10;
	v3 =	vld.idx.msk [tilespmem:v3+s14+$0x0], $0xffff;
	v32 =	vmul.f32 v41, v35;
	v34 =	vmul.f32 v43, v37  }
0x52f: {  	v8 =	vadd.f32 v8, v9;
	v2 =	vld.idx.msk [tilespmem:v2+s14+$0x0], $0xffff;
	v36 =	vmul.f32 v48, v40;
	v37 =	vmul.f32 v49, v42  }
0x530: {  	v35 =	vld [tilespmem:s28+$0x60];
	v40 =	vmul.f32 v20, v47;
	v42 =	vmul.f32 v52, v44;
	v14 =	vadd.f32 $0.0e+00, v28  }
0x531: {  	v41 =	vld [tilespmem:s28+$0xFFFFFFF0];
	v43 =	vmul.f32 v56, v46;
	v23 =	vmul.f32 v45, v23;
	v10 =	vadd.f32 $0.0e+00, v36  }
0x532: {  	v44 =	vld [tilespmem:s28+$0x70];
	v17 =	vmul.f32 v63, v58;
	v18 =	vadd.f32 $0.0e+00, v37;
	v33 =	vadd.f32 v32, v14  }
0x533: {  	v45 =	vmul.f32 v30, v60;
	v11 =	vadd.f32 $0.0e+00, v40;
	v10 =	vadd.f32 v42, v10  }
0x534: {  	(xrf2) =	vadd.scan.msk.f32 $0xffff, v15;
	v47 =	vmul.f32 v38, v31;
	v15 =	vadd.f32 v43, v18;
	v39 =	vadd.f32 v34, v33  }
0x535: {  	(xrf2) =	vadd.scan.msk.f32 $0xffff, v6;
	v4 =	vadd.f32 v4, v11;
	v3 =	vmul.f32 v35, v3;
	v46 =	vadd.f32 v17, v10  }
0x536: {  	(xrf2) =	vadd.scan.msk.f32 $0xffff, v7;
	v50 =	vmul.f32 v41, v25;
	v49 =	vadd.f32 v45, v15;
	v48 =	vadd.f32 v23, v39  }
0x537: {  	s29 =	sadd.s32 $0x2, s17;
	(xrf2) =	vadd.scan.msk.f32 $0xffff, v8;
	v2 =	vmul.f32 v44, v2;
	v3 =	vadd.f32 v3, v4;
	v51 =	vadd.f32 v47, v46  }
0x538: {  	v53 =	vmov s21;
	v54, _, _ =	vpop (xrf2);
	v57 =	vmov s29;
	v55 =	vadd.f32 v50, v49;
	(xrf2) =	vadd.scan.msk.f32 $0xffff, v48  }
0x539: {  	s19 =	sadd.s32 $0x1, s17;
	v59 =	vmov s17;
	v52 =	vbroadcast v13, $0x0;
	v56, _, _ =	vpop (xrf2);
	v2 =	vadd.f32 v2, v3;
	(xrf2) =	vadd.scan.msk.f32 $0xffff, v51  }
0x53a: {  	s21 =	sadd.s32 $0x2, s16;
	v61 =	vmov s19;
	v9 =	vand.u32 $0xFFFFFFFC, v59;
	v58 =	vand.u32 $0xFFFFFFFE, v57;
	(xrf2) =	vadd.scan.msk.f32 $0xffff, v55  }
0x53b: {  	v9 =	vbroadcast v9, $0x0;
	v62 =	vmov s21;
	v60, _, _ =	vpop (xrf2);
	v4 =	vbroadcast v58, $0x0;
	(xrf2) =	vadd.scan.msk.f32 $0xffff, v2  }
0x53c: {  	s23 =	sadd.s32 $0x3, s17;
	v16 =	vand.u32 $0xFFFFFFFE, v62;
	v7 =	vsub.f32 $0.0e+00, v60;
	v11 =	vand.u32 $0xFFFFFFFD, v61  }
0x53d: {  	v63 =	vmov s23;
	s28 =	sadd.s32 $0x1, s16;
	v11 =	vbroadcast v11, $0x0;
	v3 =	vsub.f32 $0.0e+00, v56  }
0x53e: {  	v20 =	vmov s28;
	[tilespmem:v53+s25+$0x0] =	vst.idx.msk vm0, v7;
	v10 =	vsub.f32 $0.0e+00, v54;
	v17 =	vmov s16;
	v2, _, _ =	vpop (xrf2)  }
0x53f: {  	v19 =	vand.u32 $0xFFFFFFFC, v17;
	[tilespmem:v52+s25+$0x0] =	vst.idx.msk vm0, v3;
	v3 =	vbroadcast v16, $0x0;
	v2 =	vsub.f32 $0.0e+00, v2;
	v18, _, _ =	vpop (xrf2)  }
0x540: {  	[tilespmem:v5+s25+$0x0] =	vst.idx.msk vm0, v10;
	v6 =	vbroadcast v19, $0x0;
	v23 =	vand.u32 $0xFFFFFFFD, v20;
	v21, _, _ =	vpop (xrf2);
	v22 =	vsub.f32 $0.0e+00, v18  }
0x541: {  	v25 =	vbroadcast v23, $0x0;
	v24, _, _ =	vpop (xrf2);
	[tilespmem:v4+s25+$0x0] =	vst.idx.msk vm0, v2;
	v2 =	vsub.f32 $0.0e+00, v21  }
0x542: {  	s29 =	sadd.s32 $0x3, s16;
	[tilespmem:v9+s25+$0x0] =	vst.idx.msk vm0, v22;
	v26 =	vsub.f32 $0.0e+00, v24;
	v27, _, _ =	vpop (xrf2)  }
0x543: {  	v28 =	vmov s29;
	[tilespmem:v11+s25+$0x0] =	vst.idx.msk vm0, v2;
	v2 =	vsub.f32 $0.0e+00, v27;
	v29, _, _ =	vpop (xrf2)  }
0x544: {  	[tilespmem:v63+s25+$0x0] =	vst.idx.msk vm0, v26;
	v30, _, _ =	vpop (xrf2);
	v31 =	vsub.f32 $0.0e+00, v29  }
0x545: {  	[tilespmem:v3+s25+$0x0] =	vst.idx.msk vm0, v2;
	v2 =	vsub.f32 $0.0e+00, v30;
	v3, _, _ =	vpop (xrf2)  }
0x546: {  	[tilespmem:v6+s25+$0x0] =	vst.idx.msk vm0, v31;
	v3 =	vsub.f32 $0.0e+00, v3  }
0x547: {  	[tilespmem:v25+s25+$0x0] =	vst.idx.msk vm0, v2  }
0x548: {  	[tilespmem:v28+s25+$0x0] =	vst.idx.msk vm0, v3  }
0x549: {  	v2 =	vld [tilespmem:$0x11400];
	_ =	sdelay $0x4  }
0x54a: {  	v3 =	vand.u32 $0x7FFFFFFF, v2  }
0x54b: {  	v3 =	vsub.f32 $0.0e+00, v3;
	_ =	sdelay $0x1  }
0x54c: {  	v3 =	vmul.f32 $1.442695020e+00, v3;
	_ =	sdelay $0x1  }
0x54d: {  	(erf) = vpow2.f32 v3;
	_ =	sdelay $0x2  }
0x54e: {  	v3 =	vld [tilespmem:$0x11410];
	_ =	sdelay $0x4  }
0x54f: {  	v32 =	vand.u32 $0x7FFFFFFF, v3  }
0x550: {  	v4 =	vsub.f32 $0.0e+00, v32;
	v33 =	vpop (erf)  }
0x551: {  	v34 =	vadd.f32 $2.000000000e+00, v33  }
0x552: {  	v4 =	vmul.f32 $1.442695020e+00, v4  }
0x553: {  	(erf) = vrcp.f32 v34  }
0x554: {  	(erf) = vpow2.f32 v4;
	_ =	sdelay $0x2  }
0x555: {  	v4 =	vld [tilespmem:$0x11420];
	_ =	sdelay $0x4  }
0x556: {  	v35 =	vand.u32 $0x7FFFFFFF, v4;
	v6 =	vpop (erf)  }
0x557: {  	v7 =	vsub.f32 $0.0e+00, v35;
	v36 =	vpop (erf)  }
0x558: {  	v37 =	vadd.f32 $2.000000000e+00, v36  }
0x559: {  	v7 =	vmul.f32 $1.442695020e+00, v7  }
0x55a: {  	(erf) = vrcp.f32 v37  }
0x55b: {  	(erf) = vpow2.f32 v7;
	_ =	sdelay $0x2  }
0x55c: {  	v7 =	vld [tilespmem:$0x11430];
	_ =	sdelay $0x4  }
0x55d: {  	v38 =	vand.u32 $0x7FFFFFFF, v7;
	v9 =	vpop (erf)  }
0x55e: {  	v10 =	vsub.f32 $0.0e+00, v38;
	v39 =	vpop (erf)  }
0x55f: {  	v40 =	vadd.f32 $2.000000000e+00, v39  }
0x560: {  	v10 =	vmul.f32 $1.442695020e+00, v10  }
0x561: {  	(erf) = vrcp.f32 v40  }
0x562: {  	(erf) = vpow2.f32 v10;
	_ =	sdelay $0x2  }
0x563: {  	v10 =	vld [tilespmem:$0x11440];
	_ =	sdelay $0x4  }
0x564: {  	v41 =	vand.u32 $0x7FFFFFFF, v10;
	v12 =	vpop (erf)  }
0x565: {  	v13 =	vsub.f32 $0.0e+00, v41;
	v42 =	vpop (erf)  }
0x566: {  	v43 =	vadd.f32 $2.000000000e+00, v42  }
0x567: {  	v13 =	vmul.f32 $1.442695020e+00, v13  }
0x568: {  	(erf) = vrcp.f32 v43  }
0x569: {  	(erf) = vpow2.f32 v13;
	_ =	sdelay $0x2  }
0x56a: {  	v13 =	vld [tilespmem:$0x11450];
	_ =	sdelay $0x4  }
0x56b: {  	v44 =	vand.u32 $0x7FFFFFFF, v13;
	v15 =	vpop (erf)  }
0x56c: {  	v16 =	vsub.f32 $0.0e+00, v44;
	v45 =	vpop (erf)  }
0x56d: {  	v46 =	vadd.f32 $2.000000000e+00, v45  }
0x56e: {  	v16 =	vmul.f32 $1.442695020e+00, v16  }
0x56f: {  	(erf) = vrcp.f32 v46  }
0x570: {  	(erf) = vpow2.f32 v16;
	_ =	sdelay $0x2  }
0x571: {  	v16 =	vld [tilespmem:$0x11460];
	_ =	sdelay $0x4  }
0x572: {  	v47 =	vand.u32 $0x7FFFFFFF, v16;
	v18 =	vpop (erf)  }
0x573: {  	v19 =	vsub.f32 $0.0e+00, v47;
	v48 =	vpop (erf)  }
0x574: {  	v49 =	vadd.f32 $2.000000000e+00, v48  }
0x575: {  	v19 =	vmul.f32 $1.442695020e+00, v19  }
0x576: {  	(erf) = vrcp.f32 v49  }
0x577: {  	(erf) = vpow2.f32 v19;
	_ =	sdelay $0x2  }
0x578: {  	v19 =	vld [tilespmem:$0x11470];
	_ =	sdelay $0x4  }
0x579: {  	v50 =	vand.u32 $0x7FFFFFFF, v19;
	v21 =	vpop (erf)  }
0x57a: {  	v22 =	vsub.f32 $0.0e+00, v50;
	v51 =	vpop (erf)  }
0x57b: {  	v5 =	vmul.f32 v6, v33;
	v52 =	vadd.f32 $2.000000000e+00, v51  }
0x57c: {  	v22 =	vmul.f32 $1.442695020e+00, v22  }
0x57d: {  	v53 =	vmul.f32 v5, v5;
	(erf) = vrcp.f32 v52  }
0x57e: {  	(erf) = vpow2.f32 v22  }
0x57f: {  	v54 =	vmul.f32 $2.857142980e-01, v53  }
0x580: {  	v8 =	vmul.f32 v9, v36  }
0x581: {  	v6 =	vadd.f32 $4.000000060e-01, v54  }
0x582: {  	v56 =	vmul.f32 v8, v8  }
0x583: {  	v6 =	vmul.f32 v6, v53  }
0x584: {  	v57 =	vmul.f32 $2.857142980e-01, v56  }
0x585: {  	v6 =	vadd.f32 $6.666666860e-01, v6;
	v55 =	vmul.f32 v12, v39  }
0x586: {  	v22 =	vadd.f32 $4.000000060e-01, v57;
	v59 =	vpop (erf)  }
0x587: {  	v6 =	vmul.f32 v6, v53;
	v12 =	vmul.f32 v55, v55;
	v61 =	vpop (erf)  }
0x588: {  	v22 =	vmul.f32 v22, v56;
	v62 =	vadd.f32 $2.000000000e+00, v61  }
0x589: {  	v6 =	vadd.f32 $2.000000000e+00, v6;
	v58 =	vmul.f32 $2.857142980e-01, v12  }
0x58a: {  	v14 =	vmul.f32 v15, v42;
	v22 =	vadd.f32 $6.666666860e-01, v22;
	(erf) = vrcp.f32 v62  }
0x58b: {  	v63 =	vld [tilespmem:$0x11480];
	v2 =	vmin.f32 v2, $0.0e+00;
	v3 =	vmin.f32 v3, $0.0e+00;
	v5 =	vmul.f32 v6, v5  }
0x58c: {  	v60 =	vadd.f32 $4.000000060e-01, v58;
	v15 =	vmul.f32 v14, v14;
	v22 =	vmul.f32 v22, v56  }
0x58d: {  	v4 =	vmin.f32 v4, $0.0e+00;
	v2 =	vsub.f32 v2, v5;
	v29 =	vmul.f32 v18, v45  }
0x58e: {  	v24 =	vmul.f32 v60, v12;
	v30 =	vmul.f32 $2.857142980e-01, v15;
	v6 =	vadd.f32 $2.000000000e+00, v22  }
0x58f: {  	v7 =	vmin.f32 v7, $0.0e+00;
	v17 =	vmul.f32 v29, v29;
	v31 =	vmul.f32 v21, v48  }
0x590: {  	v2 =	vadd.f32 v2, v63;
	v27 =	vadd.f32 $6.666666860e-01, v24;
	v6 =	vmul.f32 v6, v8  }
0x591: {  	v33 =	vadd.f32 $4.000000060e-01, v30;
	v34 =	vmul.f32 $2.857142980e-01, v17;
	v20 =	vmul.f32 v31, v31  }
0x592: {  	v11 =	vmul.f32 v27, v12;
	v36 =	vmul.f32 v59, v51;
	v3 =	vsub.f32 v3, v6  }
0x593: {  	v37 =	vmul.f32 v33, v15;
	v38 =	vadd.f32 $4.000000060e-01, v34;
	v39 =	vmul.f32 $2.857142980e-01, v20;
	v40 =	vpop (erf)  }
0x594: {  	v2 =	vadd.f32 v3, v2;
	v3 =	vmul.f32 v36, v36;
	v21 =	vmul.f32 v40, v61  }
0x595: {  	v32 =	vadd.f32 $2.000000000e+00, v11;
	v11 =	vmul.f32 v38, v17;
	v12 =	vadd.f32 $4.000000060e-01, v39  }
0x596: {  	v9 =	vadd.f32 $6.666666860e-01, v37;
	v41 =	vmul.f32 $2.857142980e-01, v3;
	v42 =	vmul.f32 v21, v21  }
0x597: {  	v35 =	vmul.f32 v32, v55;
	v44 =	vadd.f32 $6.666666860e-01, v11;
	v45 =	vmul.f32 v12, v20  }
0x598: {  	v43 =	vmul.f32 v9, v15;
	v46 =	vadd.f32 $4.000000060e-01, v41;
	v47 =	vmul.f32 $2.857142980e-01, v42  }
0x599: {  	v4 =	vsub.f32 v4, v35;
	v49 =	vmul.f32 v44, v17;
	v50 =	vadd.f32 $6.666666860e-01, v45  }
0x59a: {  	v48 =	vadd.f32 $2.000000000e+00, v43;
	v51 =	vmul.f32 v46, v3;
	v52 =	vadd.f32 $4.000000060e-01, v47  }
0x59b: {  	v9 =	vmul.f32 v50, v20;
	v6 =	vadd.f32 $2.000000000e+00, v49;
	v2 =	vadd.f32 v4, v2  }
0x59c: {  	v4 =	vmul.f32 v48, v14;
	v11 =	vadd.f32 $6.666666860e-01, v51;
	v12 =	vmul.f32 v52, v42  }
0x59d: {  	v53 =	vmin.f32 v10, $0.0e+00;
	v54 =	vadd.f32 $2.000000000e+00, v9;
	v5 =	vmul.f32 v6, v29  }
0x59e: {  	v4 =	vsub.f32 v7, v4;
	v3 =	vmul.f32 v11, v3;
	v55 =	vadd.f32 $6.666666860e-01, v12  }
0x59f: {  	v59 =	vmin.f32 v13, $0.0e+00;
	v57 =	vmul.f32 v54, v31;
	v56 =	vsub.f32 v53, v5  }
0x5a0: {  	v2 =	vadd.f32 v4, v2;
	v3 =	vadd.f32 $2.000000000e+00, v3;
	v58 =	vmul.f32 v55, v42  }
0x5a1: {  	v4 =	vsub.f32 v59, v57  }
0x5a2: {  	v2 =	vadd.f32 v56, v2;
	v3 =	vmul.f32 v3, v36;
	v60 =	vadd.f32 $2.000000000e+00, v58  }
0x5a3: {  	v61 =	vmin.f32 v16, $0.0e+00  }
0x5a4: {  	s15 =	sadd.s32 $0x1, s15;
	v2 =	vadd.f32 v4, v2;
	v3 =	vsub.f32 v61, v3;
	v62 =	vmul.f32 v60, v21  }
0x5a5: {  	p0 =	sne.s32 s15, $0x28;
	v63 =	vmin.f32 v19, $0.0e+00  }
.Ltmp6:
0x5a6: {  	v2 =	vadd.f32 v3, v2;
	v3 =	vsub.f32 v63, v62;
	(pc) =	sbr.rel @p0 .LBB2_10-.Ltmp6, $3  }
0x5a7: {  	_ = 	snop  }
0x5a8: {  	v2 =	vadd.f32 v3, v2;
	_ =	sdelay $0x1  }
0x5a9: {  	s0 =	sadd.s32 $0x100, s0;
	[tilespmem:$0x11480] =	vst v2  }
0x5aa: {  	s31 =	sadd.s32 $0x1, s31  }
0x5ab: {  	p0 =	sne.s32 s31, s9  }
.Ltmp7:
0x5ac: {  	_ = 	snop;
	(pc) =	sbr.rel @p0 .LBB2_1-.Ltmp7, $4  }
0x5ad: {  	[hbm4b:s8+s2] =	stream.linear.scatter [tilespmem:s30], [sflag:$0x3], $0x10, $0x38;
	[tilespmem:$0x11490] =	vst v63  }
0x5ae: {  	_ =	swait.ge [sflag:s10], $0x10  }
0x5af: {  	[sflag:s10] =	ssyncset.done $0x0  }
0x5b0: {  	[sflag:s10] =	ssyncadd.s32 $0xFFFFFFF0  }
0x5b1: {  	_ =	sfence.sel $0x180000  }
0x5b2: {  	[bflag:$0x0] =	sbarrier.arrive $0xFFFF  }
0x5b3: {  	_ =	strace $0x90000047  }
0x5b4: {  	s0 =	stileid.u32;
	[bflag:$0x2] =	sbarrier.arrive $0xFFFF  }
0x5b5: {  	p0 =	sne.s32 s0, $0x0;
	s0 =	rddreg [dreg:$0x1]  }
0x5b6: {  	s0 =	sadd.s32 @!p0 $0x100000, s0  }
0x5b7: {  	[sflag:s0] =	ssyncadd.tile.s32 @!p0 $0x1;
	_ =	shalt  }
.Lfunc_end2:
_tile_overlayer_lowered:
.L_overlay_start_2:
0x5b8: {  	(tag) =	ssettag $0x2  }
0x5b9: {  	s0 =	rddreg [dreg:$0x0];
	s2 =	stileid.u32  }
0x5ba: {  	s1 =	rddreg [dreg:$0x1];
	p0 =	sne.s32 s2, $0x0  }
0x5bb: {  	s3 =	rddreg [dreg:$0x2];
	[bflag:$0x3] =	sbarrier.arrive $0xFFFF;
	s2 =	simm.s32 @!p0 $0x1C03  }
0x5bc: {  	[timem:s3], [sflag:s2] =	dma.local @!p0 [hbm:s0], s1  }
0x5bd: {  	s0 =	simm.s32 @!p0 $0x3  }
0x5be: {  	_ =	swait.ge @!p0 [sflag:s0], s1  }
0x5bf: {  	s1 =	ssub.s32 @!p0 $0x0, s1;
	[sflag:s0] =	ssyncset.done @!p0 $0x0  }
0x5c0: {  	[sflag:s0] =	ssyncadd.s32 @!p0 s1  }
0x5c1: {  	[bflag:$0x3] =	sbarrier.arrive $0xFFFF  }
0x5c2: {  	_ =	shalt  }

</sc_bundles>
